<compile_context>
chip_gen: v7x
topology: tpu7x:2x2x1
jax: 0.10.2.dev20260603
libtpu: 0.0.44.dev20260713+nightly
codegen_flags: <defaults>
</compile_context>

<pallas_src>
import functools

import jax
import jax.numpy as jnp
from jax import lax
from jax.experimental import pallas as pl
from jax.experimental.pallas import tpu as pltpu
from jax.experimental.pallas import tpu_sc as plsc

N_NODES = 10000
N_PAD = 10240
N_EDGES = 320000
F_IN = 128
F_HID = 16
F_EMB = 32

NC = 2
NS = 16
CH = 128
NCHUNK = N_EDGES // CH
CPW = NCHUNK // (NC * NS)
NTAIL = NCHUNK - CPW * NC * NS
NB = 8
LAG = 4
RPD = N_PAD // NS
RPA = N_NODES // NS

_mesh = plsc.VectorSubcoreMesh(core_axis_name="c", subcore_axis_name="s")
_sc_params = pltpu.CompilerParams(use_tc_tiling_on_sc=False)


@functools.partial(
    pl.kernel,
    out_type=jax.ShapeDtypeStruct((NC, N_PAD), jnp.float32),
    mesh=_mesh,
    compiler_params=_sc_params,
    scratch_types=[
        pltpu.VMEM((CPW + 1, CH), jnp.int32),
        pltpu.VMEM((CH,), jnp.float32),
        pltpu.VMEM_SHARED((N_PAD,), jnp.float32),
        pltpu.SemaphoreType.DMA,
    ],
)
def _sc_deg(dst_hbm, zeros_hbm, out_hbm, dst_v, ones_v, acc, sem):
    c = lax.axis_index("c")
    s = lax.axis_index("s")
    w = c * NS + s
    for k in range(CH // 16):
        ones_v[pl.ds(k * 16, 16)] = jnp.ones((16,), jnp.float32)
    pltpu.sync_copy(zeros_hbm.at[pl.ds(s * RPD, RPD)], acc.at[pl.ds(s * RPD, RPD)])
    pltpu.sync_copy(dst_hbm.at[pl.ds(w * CPW, CPW)], dst_v.at[pl.ds(0, CPW)])

    @pl.when(w < NTAIL)
    def _():
        pltpu.sync_copy(dst_hbm.at[pl.ds(NC * NS * CPW + w, 1)],
                        dst_v.at[pl.ds(CPW, 1)])

    plsc.subcore_barrier()

    def fire(i, carry):
        pltpu.async_copy(ones_v, acc.at[dst_v.at[i]], sem, add=True)
        return carry

    def drain(i, carry):
        pltpu.make_async_copy(ones_v, acc.at[dst_v.at[i]], sem).wait()
        return carry

    n = CPW + jnp.where(w < NTAIL, 1, 0)
    lax.fori_loop(0, n, fire, 0)
    lax.fori_loop(0, n, drain, 0)
    plsc.subcore_barrier()
    pltpu.sync_copy(acc.at[pl.ds(s * RPD, RPD)], out_hbm.at[c, pl.ds(s * RPD, RPD)])


def _agg_pipeline(tab, acc, src_v, dst_v, rows_v, gsem, ssem, w):
    def g_start(i, b):
        pltpu.async_copy(tab.at[src_v.at[i]], rows_v.at[b], gsem.at[b])

    def g_wait(i, b):
        pltpu.make_async_copy(tab.at[src_v.at[i]], rows_v.at[b],
                              gsem.at[b]).wait()

    def s_start(i, b):
        pltpu.async_copy(rows_v.at[b], acc.at[dst_v.at[i]], ssem.at[b],
                         add=True)

    def s_wait(i, b):
        pltpu.make_async_copy(rows_v.at[b], acc.at[dst_v.at[i]],
                              ssem.at[b]).wait()

    for j in range(LAG):
        g_start(j, j)

    def chunk(i, carry):
        b = lax.rem(i, NB)
        g_wait(i, b)
        s_start(i, b)

        @pl.when(i >= LAG)
        def _():
            s_wait(i - LAG, lax.rem(i - LAG, NB))

        @pl.when(i + LAG < CPW)
        def _():
            g_start(i + LAG, lax.rem(i + LAG, NB))

        return carry

    lax.fori_loop(0, CPW, chunk, 0)
    for j in range(LAG):
        s_wait(CPW - LAG + j, (CPW - LAG + j) % NB)

    @pl.when(w < NTAIL)
    def _():
        pltpu.async_copy(tab.at[src_v.at[CPW]], rows_v.at[0], gsem.at[0]).wait()
        pltpu.sync_copy(rows_v.at[0], acc.at[dst_v.at[CPW]], add=True)


def _load_idx(src_hbm, dst_hbm, src_v, dst_v, w):
    pltpu.sync_copy(src_hbm.at[pl.ds(w * CPW, CPW)], src_v.at[pl.ds(0, CPW)])
    pltpu.sync_copy(dst_hbm.at[pl.ds(w * CPW, CPW)], dst_v.at[pl.ds(0, CPW)])

    @pl.when(w < NTAIL)
    def _():
        pltpu.sync_copy(src_hbm.at[pl.ds(NC * NS * CPW + w, 1)],
                        src_v.at[pl.ds(CPW, 1)])
        pltpu.sync_copy(dst_hbm.at[pl.ds(NC * NS * CPW + w, 1)],
                        dst_v.at[pl.ds(CPW, 1)])


@functools.partial(
    pl.kernel,
    out_type=jax.ShapeDtypeStruct((NC, N_NODES, F_HID), jnp.float32),
    mesh=_mesh,
    compiler_params=_sc_params,
    scratch_types=[
        pltpu.VMEM((CPW + 1, CH), jnp.int32),
        pltpu.VMEM((CPW + 1, CH), jnp.int32),
        pltpu.VMEM((NB, CH, F_HID), jnp.float32),
        pltpu.VMEM_SHARED((N_NODES, F_HID), jnp.float32),
        pltpu.SemaphoreType.DMA((NB,)),
        pltpu.SemaphoreType.DMA((NB,)),
    ],
)
def _sc_agg16(tab_hbm, src_hbm, dst_hbm, zeros_hbm, out_hbm,
              src_v, dst_v, rows_v, acc, gsem, ssem):
    c = lax.axis_index("c")
    s = lax.axis_index("s")
    w = c * NS + s
    rows = pl.ds(s * RPA, RPA)
    pltpu.sync_copy(zeros_hbm.at[rows], acc.at[rows])
    _load_idx(src_hbm, dst_hbm, src_v, dst_v, w)
    plsc.subcore_barrier()
    _agg_pipeline(tab_hbm, acc, src_v, dst_v, rows_v, gsem, ssem, w)
    plsc.subcore_barrier()
    pltpu.sync_copy(acc.at[rows], out_hbm.at[c, rows])


@functools.partial(
    pl.kernel,
    out_type=(
        jax.ShapeDtypeStruct((NC, N_NODES, F_HID), jnp.float32),
        jax.ShapeDtypeStruct((NC, N_NODES, F_HID), jnp.float32),
    ),
    mesh=_mesh,
    compiler_params=_sc_params,
    scratch_types=[
        pltpu.VMEM((RPA, F_HID), jnp.float32),
        pltpu.VMEM((RPA, F_HID), jnp.float32),
        pltpu.VMEM((RPA, F_HID), jnp.float32),
        pltpu.VMEM((RPA, F_HID), jnp.float32),
        pltpu.VMEM((F_HID,), jnp.float32),
        pltpu.VMEM((CPW + 1, CH), jnp.int32),
        pltpu.VMEM((CPW + 1, CH), jnp.int32),
        pltpu.VMEM((NB, CH, F_HID), jnp.float32),
        pltpu.VMEM_SHARED((N_NODES, F_HID), jnp.float32),
        pltpu.SemaphoreType.DMA((NB,)),
        pltpu.SemaphoreType.DMA((NB,)),
    ],
)
def _sc_agg_fused(h1p_hbm, p1_hbm, dinv16_hbm, b1_hbm, src_hbm, dst_hbm,
                  zeros_hbm, y_hbm, out_hbm,
                  hb, pa, pb, dv, b1v, src_v, dst_v, rows_v, acc, gsem, ssem):
    c = lax.axis_index("c")
    s = lax.axis_index("s")
    w = c * NS + s
    rows = pl.ds(s * RPA, RPA)
    pltpu.sync_copy(zeros_hbm.at[rows], acc.at[rows])
    pltpu.sync_copy(h1p_hbm.at[rows], hb)
    pltpu.sync_copy(p1_hbm.at[0, rows], pa)
    pltpu.sync_copy(p1_hbm.at[1, rows], pb)
    pltpu.sync_copy(dinv16_hbm.at[rows], dv)
    pltpu.sync_copy(b1_hbm, b1v)
    _load_idx(src_hbm, dst_hbm, src_v, dst_v, w)
    bv = b1v[...]

    def yrow(i, carry):
        t = (hb[i, :] + pa[i, :] + pb[i, :]) * dv[i, :] + bv
        hb[i, :] = jnp.maximum(t, 0.0) * dv[i, :]
        return carry

    lax.fori_loop(0, RPA, yrow, 0)
    pltpu.sync_copy(hb, y_hbm.at[c, rows])
    plsc.subcore_barrier()
    _agg_pipeline(y_hbm.at[c], acc, src_v, dst_v, rows_v, gsem, ssem, w)
    plsc.subcore_barrier()
    pltpu.sync_copy(acc.at[rows], out_hbm.at[c, rows])


_BLK = 1000
_GRID = N_NODES // _BLK


def _tc1a_body(x_ref, w1_ref, h1_ref):
    h1_ref[...] = jnp.dot(x_ref[...], w1_ref[...],
                          preferred_element_type=jnp.float32)


def _tc1a(x, W1):
    return pl.pallas_call(
        _tc1a_body,
        grid=(_GRID,),
        in_specs=[
            pl.BlockSpec((_BLK, F_IN), lambda i: (i, 0)),
            pl.BlockSpec((F_IN, F_HID), lambda i: (0, 0)),
        ],
        out_specs=pl.BlockSpec((_BLK, F_HID), lambda i: (i, 0)),
        out_shape=jax.ShapeDtypeStruct((N_NODES, F_HID), jnp.float32),
    )(x, W1)


def _tc1b_body(h1_ref, pd0_ref, pd1_ref, h1p_ref, dinv_ref, dinv16_ref):
    deg = pd0_ref[...] + pd1_ref[...] + 1.0
    dinv = lax.rsqrt(deg)
    h1p_ref[...] = h1_ref[...] * dinv
    dinv_ref[...] = dinv
    dinv16_ref[...] = jnp.broadcast_to(dinv, (_BLK, F_HID))


def _tc1b(h1, pd0, pd1):
    return pl.pallas_call(
        _tc1b_body,
        grid=(_GRID,),
        in_specs=[
            pl.BlockSpec((_BLK, F_HID), lambda i: (i, 0)),
            pl.BlockSpec((_BLK, 1), lambda i: (i, 0)),
            pl.BlockSpec((_BLK, 1), lambda i: (i, 0)),
        ],
        out_specs=[
            pl.BlockSpec((_BLK, F_HID), lambda i: (i, 0)),
            pl.BlockSpec((_BLK, 1), lambda i: (i, 0)),
            pl.BlockSpec((_BLK, F_HID), lambda i: (i, 0)),
        ],
        out_shape=[
            jax.ShapeDtypeStruct((N_NODES, F_HID), jnp.float32),
            jax.ShapeDtypeStruct((N_NODES, 1), jnp.float32),
            jax.ShapeDtypeStruct((N_NODES, F_HID), jnp.float32),
        ],
    )(h1, pd0, pd1)


def _tc3_body(y_ref, p0_ref, p1_ref, dinv_ref, b2_ref, w2_ref, out_ref):
    t = y_ref[0] + p0_ref[0] + p1_ref[0]
    h2 = jnp.dot(t, w2_ref[...], preferred_element_type=jnp.float32)
    out_ref[...] = h2 * dinv_ref[...] + b2_ref[...]


def _tc3(y2, p2, dinv, b2, W2):
    return pl.pallas_call(
        _tc3_body,
        grid=(_GRID,),
        in_specs=[
            pl.BlockSpec((1, _BLK, F_HID), lambda i: (0, i, 0)),
            pl.BlockSpec((1, _BLK, F_HID), lambda i: (0, i, 0)),
            pl.BlockSpec((1, _BLK, F_HID), lambda i: (1, i, 0)),
            pl.BlockSpec((_BLK, 1), lambda i: (i, 0)),
            pl.BlockSpec((1, F_EMB), lambda i: (0, 0)),
            pl.BlockSpec((F_HID, F_EMB), lambda i: (0, 0)),
        ],
        out_specs=pl.BlockSpec((_BLK, F_EMB), lambda i: (i, 0)),
        out_shape=jax.ShapeDtypeStruct((N_NODES, F_EMB), jnp.float32),
    )(y2, p2, p2, dinv, b2, W2)


def kernel(x, edge_index, W1, b1, W2, b2):
    src = edge_index[0].reshape(NCHUNK, CH)
    dst = edge_index[1].reshape(NCHUNK, CH)
    z1 = jnp.zeros((N_PAD,), jnp.float32)
    z16 = jnp.zeros((N_NODES, F_HID), jnp.float32)

    h1 = _tc1a(x, W1)
    pd = _sc_deg(dst, z1)
    h1p, dinv, dinv16 = _tc1b(h1, pd[0][:, None], pd[1][:, None])
    p1 = _sc_agg16(h1p, src, dst, z16)
    y2, p2 = _sc_agg_fused(h1p, p1, dinv16, b1, src, dst, z16)
    return _tc3(y2, p2, dinv, b2.reshape(1, F_EMB), W2)

# --- scband reference (transcript-rebuilt; emitter-appended) ---
"""Pipeline reference for scband-my-gae-64982855189201 (READ-ONLY COPY).

The authoritative reference and input builder live on the scoring server;
editing this copy changes nothing except your own understanding.
"""

import jax, jax.numpy as jnp
import numpy as np

N = 10000
E = 320000
FEAT = 128
HID = 16
EMB = 32


def setup_inputs(seed: int = 0) -> dict:
    key = jax.random.key(seed)
    k1, k2, k3, k4, k5, k6 = jax.random.split(key, 6)
    x = jax.random.normal(k1, (N, FEAT), dtype=jnp.float32)
    edge_index = jax.random.randint(k2, (2, E), 0, N, dtype=jnp.int32)
    W1 = jax.random.normal(k3, (FEAT, HID), dtype=jnp.float32) * (1.0 / np.sqrt(FEAT))
    b1 = jnp.zeros((HID,), dtype=jnp.float32)
    W2 = jax.random.normal(k4, (HID, EMB), dtype=jnp.float32) * (1.0 / np.sqrt(HID))
    b2 = jnp.zeros((EMB,), dtype=jnp.float32)
    return {"x": x, "edge_index": edge_index, "W1": W1, "b1": b1, "W2": W2, "b2": b2}


def _gcn_norm(edge_index, num_nodes, dtype):
    # PyG gcn_norm with add_self_loops=True, edge_weight=None (all ones)
    loop = jnp.arange(num_nodes, dtype=edge_index.dtype)
    src = jnp.concatenate([edge_index[0], loop])
    dst = jnp.concatenate([edge_index[1], loop])
    ew = jnp.ones(src.shape[0], dtype=dtype)
    deg = jnp.zeros((num_nodes,), dtype=dtype).at[dst].add(ew)
    dinv = jnp.where(deg > 0, deg ** -0.5, jnp.zeros_like(deg))
    norm = dinv[src] * ew * dinv[dst]
    return src, dst, norm


def _gcn_conv(x, src, dst, norm, W, b):
    h = x @ W
    msg = h[src] * norm[:, None]
    out = jnp.zeros((x.shape[0], W.shape[1]), dtype=x.dtype).at[dst].add(msg)
    return out + b


def reference(x, edge_index, W1, b1, W2, b2):
    num_nodes = x.shape[0]
    src, dst, norm = _gcn_norm(edge_index, num_nodes, x.dtype)
    h = _gcn_conv(x, src, dst, norm, W1, b1)
    h = jax.nn.relu(h)
    out = _gcn_conv(h, src, dst, norm, W2, b2)
    return out

if __name__ == "__main__":
    import jax
    _d = setup_inputs()
    print(jax.jit(kernel)(*tuple(_d.values())))

</pallas_src>

<mosaic_0001>
#map = affine_map<(d0, d1) -> (0, 0)>
#map1 = affine_map<(d0, d1) -> (0)>
module attributes {stable_mosaic.version = 14 : i64} {
  func.func @_sc_deg(%arg0: i32, %arg1: i32, %arg2: memref<2500x128xi32, #tpu.memory_space<hbm>>, %arg3: memref<10240xf32, #tpu.memory_space<hbm>>, %arg4: memref<2x10240xf32, #tpu.memory_space<hbm>>, %arg5: memref<79x128xi32, #tpu.memory_space<vmem>>, %arg6: memref<128xf32, #tpu.memory_space<vmem>>, %arg7: memref<10240xf32, #tpu.memory_space<vmem_shared>>, %arg8: memref<!tpu.dma_semaphore, #tpu.memory_space<semaphore_mem>>) attributes {dimension_semantics = [#tpu.dimension_semantics<core_parallel>, #tpu.dimension_semantics<subcore_parallel>], iteration_bounds = array<i64: 2, 16>, scalar_prefetch = 0 : i64, scratch_operands = 4 : i64, tpu.core_type = #tpu.core_type<sc_vector_subcore>, window_params = [{transform_indices = #map}, {transform_indices = #map1}, {transform_indices = #map}]} {
    %mul3A = arith.constant 16 : i32
    %mul3A_0 = arith.muli %arg0, %mul3A : i32
    %add3A = arith.addi %mul3A_0, %arg1 : i32
    %broadcast_in_dim3A = arith.constant 1.000000e+00 : f32
    %broadcast_in_dim3A_1 = vector.broadcast %broadcast_in_dim3A : f32 to vector<16xf32>
    %swap3A = arith.constant 0 : index
    %swap3A_2 = tpu.vector_load %arg6[%swap3A] {strides = array<i32>} : memref<128xf32, #tpu.memory_space<vmem>>, vector<16xf32>,
    %swap3A_3 = vector.shape_cast %swap3A_2 : vector<16xf32> to vector<16xf32>
    %swap3A_4 = vector.shape_cast %broadcast_in_dim3A_1 : vector<16xf32> to vector<16xf32>
    tpu.vector_store %arg6[%swap3A], %swap3A_4 {strides = array<i32>} : memref<128xf32, #tpu.memory_space<vmem>>, vector<16xf32>,
    %broadcast_in_dim3A_5 = arith.constant 1.000000e+00 : f32
    %broadcast_in_dim3A_6 = vector.broadcast %broadcast_in_dim3A_5 : f32 to vector<16xf32>
    %swap3A_7 = arith.constant 16 : index
    %swap3A_8 = tpu.vector_load %arg6[%swap3A_7] {strides = array<i32>} : memref<128xf32, #tpu.memory_space<vmem>>, vector<16xf32>,
    %swap3A_9 = vector.shape_cast %swap3A_8 : vector<16xf32> to vector<16xf32>
    %swap3A_10 = vector.shape_cast %broadcast_in_dim3A_6 : vector<16xf32> to vector<16xf32>
    tpu.vector_store %arg6[%swap3A_7], %swap3A_10 {strides = array<i32>} : memref<128xf32, #tpu.memory_space<vmem>>, vector<16xf32>,
    %broadcast_in_dim3A_11 = arith.constant 1.000000e+00 : f32
    %broadcast_in_dim3A_12 = vector.broadcast %broadcast_in_dim3A_11 : f32 to vector<16xf32>
    %swap3A_13 = arith.constant 32 : index
    %swap3A_14 = tpu.vector_load %arg6[%swap3A_13] {strides = array<i32>} : memref<128xf32, #tpu.memory_space<vmem>>, vector<16xf32>,
    %swap3A_15 = vector.shape_cast %swap3A_14 : vector<16xf32> to vector<16xf32>
    %swap3A_16 = vector.shape_cast %broadcast_in_dim3A_12 : vector<16xf32> to vector<16xf32>
    tpu.vector_store %arg6[%swap3A_13], %swap3A_16 {strides = array<i32>} : memref<128xf32, #tpu.memory_space<vmem>>, vector<16xf32>,
    %broadcast_in_dim3A_17 = arith.constant 1.000000e+00 : f32
    %broadcast_in_dim3A_18 = vector.broadcast %broadcast_in_dim3A_17 : f32 to vector<16xf32>
    %swap3A_19 = arith.constant 48 : index
    %swap3A_20 = tpu.vector_load %arg6[%swap3A_19] {strides = array<i32>} : memref<128xf32, #tpu.memory_space<vmem>>, vector<16xf32>,
    %swap3A_21 = vector.shape_cast %swap3A_20 : vector<16xf32> to vector<16xf32>
    %swap3A_22 = vector.shape_cast %broadcast_in_dim3A_18 : vector<16xf32> to vector<16xf32>
    tpu.vector_store %arg6[%swap3A_19], %swap3A_22 {strides = array<i32>} : memref<128xf32, #tpu.memory_space<vmem>>, vector<16xf32>,
    %broadcast_in_dim3A_23 = arith.constant 1.000000e+00 : f32
    %broadcast_in_dim3A_24 = vector.broadcast %broadcast_in_dim3A_23 : f32 to vector<16xf32>
    %swap3A_25 = arith.constant 64 : index
    %swap3A_26 = tpu.vector_load %arg6[%swap3A_25] {strides = array<i32>} : memref<128xf32, #tpu.memory_space<vmem>>, vector<16xf32>,
    %swap3A_27 = vector.shape_cast %swap3A_26 : vector<16xf32> to vector<16xf32>
    %swap3A_28 = vector.shape_cast %broadcast_in_dim3A_24 : vector<16xf32> to vector<16xf32>
    tpu.vector_store %arg6[%swap3A_25], %swap3A_28 {strides = array<i32>} : memref<128xf32, #tpu.memory_space<vmem>>, vector<16xf32>,
    %broadcast_in_dim3A_29 = arith.constant 1.000000e+00 : f32
    %broadcast_in_dim3A_30 = vector.broadcast %broadcast_in_dim3A_29 : f32 to vector<16xf32>
    %swap3A_31 = arith.constant 80 : index
    %swap3A_32 = tpu.vector_load %arg6[%swap3A_31] {strides = array<i32>} : memref<128xf32, #tpu.memory_space<vmem>>, vector<16xf32>,
    %swap3A_33 = vector.shape_cast %swap3A_32 : vector<16xf32> to vector<16xf32>
    %swap3A_34 = vector.shape_cast %broadcast_in_dim3A_30 : vector<16xf32> to vector<16xf32>
    tpu.vector_store %arg6[%swap3A_31], %swap3A_34 {strides = array<i32>} : memref<128xf32, #tpu.memory_space<vmem>>, vector<16xf32>,
    %broadcast_in_dim3A_35 = arith.constant 1.000000e+00 : f32
    %broadcast_in_dim3A_36 = vector.broadcast %broadcast_in_dim3A_35 : f32 to vector<16xf32>
    %swap3A_37 = arith.constant 96 : index
    %swap3A_38 = tpu.vector_load %arg6[%swap3A_37] {strides = array<i32>} : memref<128xf32, #tpu.memory_space<vmem>>, vector<16xf32>,
    %swap3A_39 = vector.shape_cast %swap3A_38 : vector<16xf32> to vector<16xf32>
    %swap3A_40 = vector.shape_cast %broadcast_in_dim3A_36 : vector<16xf32> to vector<16xf32>
    tpu.vector_store %arg6[%swap3A_37], %swap3A_40 {strides = array<i32>} : memref<128xf32, #tpu.memory_space<vmem>>, vector<16xf32>,
    %broadcast_in_dim3A_41 = arith.constant 1.000000e+00 : f32
    %broadcast_in_dim3A_42 = vector.broadcast %broadcast_in_dim3A_41 : f32 to vector<16xf32>
    %swap3A_43 = arith.constant 112 : index
    %swap3A_44 = tpu.vector_load %arg6[%swap3A_43] {strides = array<i32>} : memref<128xf32, #tpu.memory_space<vmem>>, vector<16xf32>,
    %swap3A_45 = vector.shape_cast %swap3A_44 : vector<16xf32> to vector<16xf32>
    %swap3A_46 = vector.shape_cast %broadcast_in_dim3A_42 : vector<16xf32> to vector<16xf32>
    tpu.vector_store %arg6[%swap3A_43], %swap3A_46 {strides = array<i32>} : memref<128xf32, #tpu.memory_space<vmem>>, vector<16xf32>,
    %mul3A_47 = arith.constant 640 : i32
    %mul3A_48 = arith.muli %arg1, %mul3A_47 : i32
    %mul3A_49 = arith.constant 640 : i32
    %mul3A_50 = arith.muli %arg1, %mul3A_49 : i32
    "tpu.region"() ({
      %run_scoped3A = tpu.sem_alloc : memref<!tpu.dma_semaphore, #tpu.memory_space<semaphore_mem>>
      %dma_start3A = tpu.memref_slice %arg7[%mul3A_50] : memref<10240xf32, #tpu.memory_space<vmem_shared>> -> memref<640xf32, #tpu.memory_space<vmem_shared>>
      %dma_start3A_84 = tpu.memref_slice %arg3[%mul3A_48] : memref<10240xf32, #tpu.memory_space<hbm>> -> memref<640xf32, #tpu.memory_space<hbm>>
      tpu.enqueue_dma source(%dma_start3A_84 : memref<640xf32, #tpu.memory_space<hbm>>) target(%dma_start3A : memref<640xf32, #tpu.memory_space<vmem_shared>>) target_semaphore(%run_scoped3A : memref<!tpu.dma_semaphore, #tpu.memory_space<semaphore_mem>>)
      %dma_wait3A = tpu.memref_slice %arg7[%mul3A_50] : memref<10240xf32, #tpu.memory_space<vmem_shared>> -> memref<640xf32, #tpu.memory_space<vmem_shared>>
      %dma_wait3A_85 = tpu.memref_slice %arg3[%mul3A_48] : memref<10240xf32, #tpu.memory_space<hbm>> -> memref<640xf32, #tpu.memory_space<hbm>>
      tpu.wait_dma2 semaphore(%run_scoped3A : memref<!tpu.dma_semaphore, #tpu.memory_space<semaphore_mem>>) src(%dma_wait3A_85 : memref<640xf32, #tpu.memory_space<hbm>>) dst(%dma_wait3A : memref<640xf32, #tpu.memory_space<vmem_shared>>)
      tpu.yield
    }) : () -> ()
    %mul3A_51 = arith.constant 78 : i32
    %mul3A_52 = arith.muli %add3A, %mul3A_51 : i32
    "tpu.region"() ({
      %run_scoped3A = tpu.sem_alloc : memref<!tpu.dma_semaphore, #tpu.memory_space<semaphore_mem>>
      %dma_start3A = arith.constant 0 : i32
      %dma_start3A_84 = arith.constant 0 : i32
      %dma_start3A_85 = tpu.memref_slice %arg5[%dma_start3A, %dma_start3A_84] : memref<79x128xi32, #tpu.memory_space<vmem>> -> memref<78x128xi32, #tpu.memory_space<vmem>>
      %dma_start3A_86 = arith.constant 0 : i32
      %dma_start3A_87 = tpu.memref_slice %arg2[%mul3A_52, %dma_start3A_86] : memref<2500x128xi32, #tpu.memory_space<hbm>> -> memref<78x128xi32, #tpu.memory_space<hbm>>
      %dma_start3A_88 = arith.constant 0 : i32
      %dma_start3A_89 = arith.constant 0 : i32
      %dma_start3A_90 = tpu.memref_slice %arg5[%dma_start3A_88, %dma_start3A_89] : memref<79x128xi32, #tpu.memory_space<vmem>> -> memref<78x128xi32, #tpu.memory_space<vmem>>
      %dma_start3A_91 = arith.constant 0 : i32
      %dma_start3A_92 = tpu.memref_slice %arg2[%mul3A_52, %dma_start3A_91] : memref<2500x128xi32, #tpu.memory_space<hbm>> -> memref<78x128xi32, #tpu.memory_space<hbm>>
      tpu.enqueue_dma source(%dma_start3A_92 : memref<78x128xi32, #tpu.memory_space<hbm>>) target(%dma_start3A_90 : memref<78x128xi32, #tpu.memory_space<vmem>>) target_semaphore(%run_scoped3A : memref<!tpu.dma_semaphore, #tpu.memory_space<semaphore_mem>>)
      %dma_wait3A = arith.constant 0 : i32
      %dma_wait3A_93 = arith.constant 0 : i32
      %dma_wait3A_94 = tpu.memref_slice %arg5[%dma_wait3A, %dma_wait3A_93] : memref<79x128xi32, #tpu.memory_space<vmem>> -> memref<78x128xi32, #tpu.memory_space<vmem>>
      %dma_wait3A_95 = arith.constant 0 : i32
      %dma_wait3A_96 = tpu.memref_slice %arg2[%mul3A_52, %dma_wait3A_95] : memref<2500x128xi32, #tpu.memory_space<hbm>> -> memref<78x128xi32, #tpu.memory_space<hbm>>
      %dma_wait3A_97 = arith.constant 0 : i32
      %dma_wait3A_98 = arith.constant 0 : i32
      %dma_wait3A_99 = tpu.memref_slice %arg5[%dma_wait3A_97, %dma_wait3A_98] : memref<79x128xi32, #tpu.memory_space<vmem>> -> memref<78x128xi32, #tpu.memory_space<vmem>>
      %dma_wait3A_100 = arith.constant 0 : i32
      %dma_wait3A_101 = tpu.memref_slice %arg2[%mul3A_52, %dma_wait3A_100] : memref<2500x128xi32, #tpu.memory_space<hbm>> -> memref<78x128xi32, #tpu.memory_space<hbm>>
      tpu.wait_dma2 semaphore(%run_scoped3A : memref<!tpu.dma_semaphore, #tpu.memory_space<semaphore_mem>>) src(%dma_wait3A_101 : memref<78x128xi32, #tpu.memory_space<hbm>>) dst(%dma_wait3A_99 : memref<78x128xi32, #tpu.memory_space<vmem>>)
      tpu.yield
    }) : () -> ()
    %lt3A = arith.constant 4 : i32
    %lt3A_53 = arith.cmpi slt, %add3A, %lt3A : i32
    %convert_element_type3A = arith.extui %lt3A_53 : i1 to i32
    %cond3A = arith.constant 0 : i32
    %cond3A_54 = arith.cmpi ne, %convert_element_type3A, %cond3A : i32
    scf.if %cond3A_54 {
      %add3A_84 = arith.constant 2496 : i32
      %add3A_85 = arith.addi %add3A_84, %add3A : i32
      "tpu.region"() ({
        %run_scoped3A = tpu.sem_alloc : memref<!tpu.dma_semaphore, #tpu.memory_space<semaphore_mem>>
        %dma_start3A = arith.constant 78 : i32
        %dma_start3A_86 = arith.constant 0 : i32
        %dma_start3A_87 = tpu.memref_slice %arg5[%dma_start3A, %dma_start3A_86] : memref<79x128xi32, #tpu.memory_space<vmem>> -> memref<1x128xi32, #tpu.memory_space<vmem>>
        %dma_start3A_88 = arith.constant 0 : i32
        %dma_start3A_89 = tpu.memref_slice %arg2[%add3A_85, %dma_start3A_88] : memref<2500x128xi32, #tpu.memory_space<hbm>> -> memref<1x128xi32, #tpu.memory_space<hbm>>
        %dma_start3A_90 = arith.constant 78 : i32
        %dma_start3A_91 = arith.constant 0 : i32
        %dma_start3A_92 = tpu.memref_slice %arg5[%dma_start3A_90, %dma_start3A_91] : memref<79x128xi32, #tpu.memory_space<vmem>> -> memref<1x128xi32, #tpu.memory_space<vmem>>
        %dma_start3A_93 = arith.constant 0 : i32
        %dma_start3A_94 = tpu.memref_slice %arg2[%add3A_85, %dma_start3A_93] : memref<2500x128xi32, #tpu.memory_space<hbm>> -> memref<1x128xi32, #tpu.memory_space<hbm>>
        tpu.enqueue_dma source(%dma_start3A_94 : memref<1x128xi32, #tpu.memory_space<hbm>>) target(%dma_start3A_92 : memref<1x128xi32, #tpu.memory_space<vmem>>) target_semaphore(%run_scoped3A : memref<!tpu.dma_semaphore, #tpu.memory_space<semaphore_mem>>)
        %dma_wait3A = arith.constant 78 : i32
        %dma_wait3A_95 = arith.constant 0 : i32
        %dma_wait3A_96 = tpu.memref_slice %arg5[%dma_wait3A, %dma_wait3A_95] : memref<79x128xi32, #tpu.memory_space<vmem>> -> memref<1x128xi32, #tpu.memory_space<vmem>>
        %dma_wait3A_97 = arith.constant 0 : i32
        %dma_wait3A_98 = tpu.memref_slice %arg2[%add3A_85, %dma_wait3A_97] : memref<2500x128xi32, #tpu.memory_space<hbm>> -> memref<1x128xi32, #tpu.memory_space<hbm>>
        %dma_wait3A_99 = arith.constant 78 : i32
        %dma_wait3A_100 = arith.constant 0 : i32
        %dma_wait3A_101 = tpu.memref_slice %arg5[%dma_wait3A_99, %dma_wait3A_100] : memref<79x128xi32, #tpu.memory_space<vmem>> -> memref<1x128xi32, #tpu.memory_space<vmem>>
        %dma_wait3A_102 = arith.constant 0 : i32
        %dma_wait3A_103 = tpu.memref_slice %arg2[%add3A_85, %dma_wait3A_102] : memref<2500x128xi32, #tpu.memory_space<hbm>> -> memref<1x128xi32, #tpu.memory_space<hbm>>
        tpu.wait_dma2 semaphore(%run_scoped3A : memref<!tpu.dma_semaphore, #tpu.memory_space<semaphore_mem>>) src(%dma_wait3A_103 : memref<1x128xi32, #tpu.memory_space<hbm>>) dst(%dma_wait3A_101 : memref<1x128xi32, #tpu.memory_space<vmem>>)
        tpu.yield
      }) : () -> ()
    } else {
    }
    %barrier3A = arith.constant 0 : index
    tpu.barrier barrier_id(%barrier3A)
    %lt3A_55 = arith.constant 4 : i32
    %lt3A_56 = arith.cmpi slt, %add3A, %lt3A_55 : i32
    %jit3A = arith.constant 1 : i32
    %jit3A_57 = arith.constant 0 : i32
    %select_n3A = arith.select %lt3A_56, %jit3A, %jit3A_57 : i32
    %add3A_58 = arith.constant 78 : i32
    %add3A_59 = arith.addi %add3A_58, %select_n3A : i32
    %while3A = arith.constant 0 : i32
    %while3A_60 = arith.constant 0 : i32
    %while3A_61 = arith.subi %add3A_59, %while3A_60 : i32
    %while3A_62 = arith.addi %while3A_60, %while3A_61 : i32
    %while3A_63 = arith.constant 1 : i32
    %while3A_64 = arith.divsi %while3A_61, %while3A_63 : i32
    %while3A_65 = arith.muli %while3A_64, %while3A_63 : i32
    %while3A_66 = arith.addi %while3A_60, %while3A_65 : i32
    %while3A_67 = arith.constant 1 : i32
    scf.for %while3A_84 = %while3A_60 to %while3A_66 step %while3A_67  : i32 {
      %dma_start3A = arith.constant 0 : i32
      %dma_start3A_85 = tpu.memref_slice %arg5[%while3A_84, %dma_start3A] : memref<79x128xi32, #tpu.memory_space<vmem>> -> memref<1x128xi32, #tpu.memory_space<vmem>>
      %dma_start3A_86 = tpu.memref_squeeze %dma_start3A_85 : memref<1x128xi32, #tpu.memory_space<vmem>> -> memref<128xi32, #tpu.memory_space<vmem>>
      %dma_start3A_87 = arith.constant 0 : i32
      %dma_start3A_88 = tpu.memref_slice %arg7[%dma_start3A_87] : memref<10240xf32, #tpu.memory_space<vmem_shared>> -> memref<10240xf32, #tpu.memory_space<vmem_shared>>
      tpu.enqueue_indirect_dma source(%arg6 : memref<128xf32, #tpu.memory_space<vmem>>) target(%dma_start3A_88 : memref<10240xf32, #tpu.memory_space<vmem_shared>>) offsets(%dma_start3A_86 : memref<128xi32, #tpu.memory_space<vmem>>) semaphore(%arg8 : memref<!tpu.dma_semaphore, #tpu.memory_space<semaphore_mem>>) {add = true}
    }
    %while3A_68 = arith.constant 1 : i32
    scf.for %while3A_84 = %while3A_66 to %while3A_62 step %while3A_68  : i32 {
      %dma_start3A = arith.constant 0 : i32
      %dma_start3A_85 = tpu.memref_slice %arg5[%while3A_84, %dma_start3A] : memref<79x128xi32, #tpu.memory_space<vmem>> -> memref<1x128xi32, #tpu.memory_space<vmem>>
      %dma_start3A_86 = tpu.memref_squeeze %dma_start3A_85 : memref<1x128xi32, #tpu.memory_space<vmem>> -> memref<128xi32, #tpu.memory_space<vmem>>
      %dma_start3A_87 = arith.constant 0 : i32
      %dma_start3A_88 = tpu.memref_slice %arg7[%dma_start3A_87] : memref<10240xf32, #tpu.memory_space<vmem_shared>> -> memref<10240xf32, #tpu.memory_space<vmem_shared>>
      tpu.enqueue_indirect_dma source(%arg6 : memref<128xf32, #tpu.memory_space<vmem>>) target(%dma_start3A_88 : memref<10240xf32, #tpu.memory_space<vmem_shared>>) offsets(%dma_start3A_86 : memref<128xi32, #tpu.memory_space<vmem>>) semaphore(%arg8 : memref<!tpu.dma_semaphore, #tpu.memory_space<semaphore_mem>>) {add = true}
    }
    %while3A_69 = arith.constant 0 : i32
    %while3A_70 = arith.constant 0 : i32
    %while3A_71 = arith.subi %add3A_59, %while3A_70 : i32
    %while3A_72 = arith.addi %while3A_70, %while3A_71 : i32
    %while3A_73 = arith.constant 1 : i32
    %while3A_74 = arith.divsi %while3A_71, %while3A_73 : i32
    %while3A_75 = arith.muli %while3A_74, %while3A_73 : i32
    %while3A_76 = arith.addi %while3A_70, %while3A_75 : i32
    %while3A_77 = arith.constant 1 : i32
    scf.for %while3A_84 = %while3A_70 to %while3A_76 step %while3A_77  : i32 {
      %dma_wait3A = arith.constant 0 : i32
      %dma_wait3A_85 = tpu.memref_slice %arg5[%while3A_84, %dma_wait3A] : memref<79x128xi32, #tpu.memory_space<vmem>> -> memref<1x128xi32, #tpu.memory_space<vmem>>
      %dma_wait3A_86 = tpu.memref_squeeze %dma_wait3A_85 : memref<1x128xi32, #tpu.memory_space<vmem>> -> memref<128xi32, #tpu.memory_space<vmem>>
      %dma_wait3A_87 = arith.constant 0 : i32
      %dma_wait3A_88 = tpu.memref_slice %arg7[%dma_wait3A_87] : memref<10240xf32, #tpu.memory_space<vmem_shared>> -> memref<10240xf32, #tpu.memory_space<vmem_shared>>
      tpu.wait_indirect_dma semaphore(%arg8 : memref<!tpu.dma_semaphore, #tpu.memory_space<semaphore_mem>>) src(%arg6 : memref<128xf32, #tpu.memory_space<vmem>>) dst(%dma_wait3A_88 : memref<10240xf32, #tpu.memory_space<vmem_shared>>)
    }
    %while3A_78 = arith.constant 1 : i32
    scf.for %while3A_84 = %while3A_76 to %while3A_72 step %while3A_78  : i32 {
      %dma_wait3A = arith.constant 0 : i32
      %dma_wait3A_85 = tpu.memref_slice %arg5[%while3A_84, %dma_wait3A] : memref<79x128xi32, #tpu.memory_space<vmem>> -> memref<1x128xi32, #tpu.memory_space<vmem>>
      %dma_wait3A_86 = tpu.memref_squeeze %dma_wait3A_85 : memref<1x128xi32, #tpu.memory_space<vmem>> -> memref<128xi32, #tpu.memory_space<vmem>>
      %dma_wait3A_87 = arith.constant 0 : i32
      %dma_wait3A_88 = tpu.memref_slice %arg7[%dma_wait3A_87] : memref<10240xf32, #tpu.memory_space<vmem_shared>> -> memref<10240xf32, #tpu.memory_space<vmem_shared>>
      tpu.wait_indirect_dma semaphore(%arg8 : memref<!tpu.dma_semaphore, #tpu.memory_space<semaphore_mem>>) src(%arg6 : memref<128xf32, #tpu.memory_space<vmem>>) dst(%dma_wait3A_88 : memref<10240xf32, #tpu.memory_space<vmem_shared>>)
    }
    %barrier3A_79 = arith.constant 0 : index
    tpu.barrier barrier_id(%barrier3A_79)
    %mul3A_80 = arith.constant 640 : i32
    %mul3A_81 = arith.muli %arg1, %mul3A_80 : i32
    %mul3A_82 = arith.constant 640 : i32
    %mul3A_83 = arith.muli %arg1, %mul3A_82 : i32
    "tpu.region"() ({
      %run_scoped3A = tpu.sem_alloc : memref<!tpu.dma_semaphore, #tpu.memory_space<semaphore_mem>>
      %dma_start3A = tpu.memref_slice %arg4[%arg0, %mul3A_83] : memref<2x10240xf32, #tpu.memory_space<hbm>> -> memref<1x640xf32, #tpu.memory_space<hbm>>
      %dma_start3A_84 = tpu.memref_squeeze %dma_start3A : memref<1x640xf32, #tpu.memory_space<hbm>> -> memref<640xf32, #tpu.memory_space<hbm>>
      %dma_start3A_85 = tpu.memref_slice %arg7[%mul3A_81] : memref<10240xf32, #tpu.memory_space<vmem_shared>> -> memref<640xf32, #tpu.memory_space<vmem_shared>>
      tpu.enqueue_dma source(%dma_start3A_85 : memref<640xf32, #tpu.memory_space<vmem_shared>>) target(%dma_start3A_84 : memref<640xf32, #tpu.memory_space<hbm>>) target_semaphore(%run_scoped3A : memref<!tpu.dma_semaphore, #tpu.memory_space<semaphore_mem>>)
      %dma_wait3A = tpu.memref_slice %arg4[%arg0, %mul3A_83] : memref<2x10240xf32, #tpu.memory_space<hbm>> -> memref<1x640xf32, #tpu.memory_space<hbm>>
      %dma_wait3A_86 = tpu.memref_squeeze %dma_wait3A : memref<1x640xf32, #tpu.memory_space<hbm>> -> memref<640xf32, #tpu.memory_space<hbm>>
      %dma_wait3A_87 = tpu.memref_slice %arg7[%mul3A_81] : memref<10240xf32, #tpu.memory_space<vmem_shared>> -> memref<640xf32, #tpu.memory_space<vmem_shared>>
      tpu.wait_dma2 semaphore(%run_scoped3A : memref<!tpu.dma_semaphore, #tpu.memory_space<semaphore_mem>>) src(%dma_wait3A_87 : memref<640xf32, #tpu.memory_space<vmem_shared>>) dst(%dma_wait3A_86 : memref<640xf32, #tpu.memory_space<hbm>>)
      tpu.yield
    }) : () -> ()
    return
  }
}

#map = affine_map<(d0, d1) -> (0, 0)>
#map1 = affine_map<(d0, d1) -> (0, 0, 0)>
#map2 = affine_map<(d0, d1) -> (0)>
module attributes {stable_mosaic.version = 14 : i64} {
  func.func @_sc_agg_fused(%arg0: i32, %arg1: i32, %arg2: memref<10000x16xf32, #tpu.memory_space<hbm>>, %arg3: memref<2x10000x16xf32, #tpu.memory_space<hbm>>, %arg4: memref<10000x16xf32, #tpu.memory_space<hbm>>, %arg5: memref<16xf32, #tpu.memory_space<hbm>>, %arg6: memref<2500x128xi32, #tpu.memory_space<hbm>>, %arg7: memref<2500x128xi32, #tpu.memory_space<hbm>>, %arg8: memref<10000x16xf32, #tpu.memory_space<hbm>>, %arg9: memref<2x10000x16xf32, #tpu.memory_space<hbm>>, %arg10: memref<2x10000x16xf32, #tpu.memory_space<hbm>>, %arg11: memref<625x16xf32, #tpu.memory_space<vmem>>, %arg12: memref<625x16xf32, #tpu.memory_space<vmem>>, %arg13: memref<625x16xf32, #tpu.memory_space<vmem>>, %arg14: memref<625x16xf32, #tpu.memory_space<vmem>>, %arg15: memref<16xf32, #tpu.memory_space<vmem>>, %arg16: memref<79x128xi32, #tpu.memory_space<vmem>>, %arg17: memref<79x128xi32, #tpu.memory_space<vmem>>, %arg18: memref<8x128x16xf32, #tpu.memory_space<vmem>>, %arg19: memref<10000x16xf32, #tpu.memory_space<vmem_shared>>, %arg20: memref<8x!tpu.dma_semaphore, #tpu.memory_space<semaphore_mem>>, %arg21: memref<8x!tpu.dma_semaphore, #tpu.memory_space<semaphore_mem>>) attributes {dimension_semantics = [#tpu.dimension_semantics<core_parallel>, #tpu.dimension_semantics<subcore_parallel>], iteration_bounds = array<i64: 2, 16>, scalar_prefetch = 0 : i64, scratch_operands = 11 : i64, tpu.core_type = #tpu.core_type<sc_vector_subcore>, window_params = [{transform_indices = #map}, {transform_indices = #map1}, {transform_indices = #map}, {transform_indices = #map2}, {transform_indices = #map}, {transform_indices = #map}, {transform_indices = #map}, {transform_indices = #map1}, {transform_indices = #map1}]} {
    %mul3A = arith.constant 16 : i32
    %mul3A_0 = arith.muli %arg0, %mul3A : i32
    %add3A = arith.addi %mul3A_0, %arg1 : i32
    %mul3A_1 = arith.constant 625 : i32
    %mul3A_2 = arith.muli %arg1, %mul3A_1 : i32
    "tpu.region"() ({
      %run_scoped3A_163 = tpu.sem_alloc : memref<!tpu.dma_semaphore, #tpu.memory_space<semaphore_mem>>
      %dma_start3A_164 = arith.constant 0 : i32
      %dma_start3A_165 = tpu.memref_slice %arg19[%mul3A_2, %dma_start3A_164] : memref<10000x16xf32, #tpu.memory_space<vmem_shared>> -> memref<625x16xf32, #tpu.memory_space<vmem_shared>>
      %dma_start3A_166 = arith.constant 0 : i32
      %dma_start3A_167 = tpu.memref_slice %arg8[%mul3A_2, %dma_start3A_166] : memref<10000x16xf32, #tpu.memory_space<hbm>> -> memref<625x16xf32, #tpu.memory_space<hbm>>
      tpu.enqueue_dma source(%dma_start3A_167 : memref<625x16xf32, #tpu.memory_space<hbm>>) target(%dma_start3A_165 : memref<625x16xf32, #tpu.memory_space<vmem_shared>>) target_semaphore(%run_scoped3A_163 : memref<!tpu.dma_semaphore, #tpu.memory_space<semaphore_mem>>)
      %dma_wait3A_168 = arith.constant 0 : i32
      %dma_wait3A_169 = tpu.memref_slice %arg19[%mul3A_2, %dma_wait3A_168] : memref<10000x16xf32, #tpu.memory_space<vmem_shared>> -> memref<625x16xf32, #tpu.memory_space<vmem_shared>>
      %dma_wait3A_170 = arith.constant 0 : i32
      %dma_wait3A_171 = tpu.memref_slice %arg8[%mul3A_2, %dma_wait3A_170] : memref<10000x16xf32, #tpu.memory_space<hbm>> -> memref<625x16xf32, #tpu.memory_space<hbm>>
      tpu.wait_dma2 semaphore(%run_scoped3A_163 : memref<!tpu.dma_semaphore, #tpu.memory_space<semaphore_mem>>) src(%dma_wait3A_171 : memref<625x16xf32, #tpu.memory_space<hbm>>) dst(%dma_wait3A_169 : memref<625x16xf32, #tpu.memory_space<vmem_shared>>)
      tpu.yield
    }) : () -> ()
    "tpu.region"() ({
      %run_scoped3A_163 = tpu.sem_alloc : memref<!tpu.dma_semaphore, #tpu.memory_space<semaphore_mem>>
      %dma_start3A_164 = arith.constant 0 : i32
      %dma_start3A_165 = tpu.memref_slice %arg2[%mul3A_2, %dma_start3A_164] : memref<10000x16xf32, #tpu.memory_space<hbm>> -> memref<625x16xf32, #tpu.memory_space<hbm>>
      %dma_start3A_166 = arith.constant 0 : i32
      %dma_start3A_167 = tpu.memref_slice %arg2[%mul3A_2, %dma_start3A_166] : memref<10000x16xf32, #tpu.memory_space<hbm>> -> memref<625x16xf32, #tpu.memory_space<hbm>>
      tpu.enqueue_dma source(%dma_start3A_167 : memref<625x16xf32, #tpu.memory_space<hbm>>) target(%arg11 : memref<625x16xf32, #tpu.memory_space<vmem>>) target_semaphore(%run_scoped3A_163 : memref<!tpu.dma_semaphore, #tpu.memory_space<semaphore_mem>>)
      %dma_wait3A_168 = arith.constant 0 : i32
      %dma_wait3A_169 = tpu.memref_slice %arg2[%mul3A_2, %dma_wait3A_168] : memref<10000x16xf32, #tpu.memory_space<hbm>> -> memref<625x16xf32, #tpu.memory_space<hbm>>
      %dma_wait3A_170 = arith.constant 0 : i32
      %dma_wait3A_171 = tpu.memref_slice %arg2[%mul3A_2, %dma_wait3A_170] : memref<10000x16xf32, #tpu.memory_space<hbm>> -> memref<625x16xf32, #tpu.memory_space<hbm>>
      tpu.wait_dma2 semaphore(%run_scoped3A_163 : memref<!tpu.dma_semaphore, #tpu.memory_space<semaphore_mem>>) src(%dma_wait3A_171 : memref<625x16xf32, #tpu.memory_space<hbm>>) dst(%arg11 : memref<625x16xf32, #tpu.memory_space<vmem>>)
      tpu.yield
    }) : () -> ()
    %run_scoped3A = arith.constant 0 : i32
    "tpu.region"() ({
      %run_scoped3A_163 = tpu.sem_alloc : memref<!tpu.dma_semaphore, #tpu.memory_space<semaphore_mem>>
      %dma_start3A_164 = arith.constant 0 : i32
      %dma_start3A_165 = tpu.memref_slice %arg3[%run_scoped3A, %mul3A_2, %dma_start3A_164] : memref<2x10000x16xf32, #tpu.memory_space<hbm>> -> memref<1x625x16xf32, #tpu.memory_space<hbm>>
      %dma_start3A_166 = tpu.memref_squeeze %dma_start3A_165 : memref<1x625x16xf32, #tpu.memory_space<hbm>> -> memref<625x16xf32, #tpu.memory_space<hbm>>
      %dma_start3A_167 = arith.constant 0 : i32
      %dma_start3A_168 = tpu.memref_slice %arg3[%run_scoped3A, %mul3A_2, %dma_start3A_167] : memref<2x10000x16xf32, #tpu.memory_space<hbm>> -> memref<1x625x16xf32, #tpu.memory_space<hbm>>
      %dma_start3A_169 = tpu.memref_squeeze %dma_start3A_168 : memref<1x625x16xf32, #tpu.memory_space<hbm>> -> memref<625x16xf32, #tpu.memory_space<hbm>>
      tpu.enqueue_dma source(%dma_start3A_169 : memref<625x16xf32, #tpu.memory_space<hbm>>) target(%arg12 : memref<625x16xf32, #tpu.memory_space<vmem>>) target_semaphore(%run_scoped3A_163 : memref<!tpu.dma_semaphore, #tpu.memory_space<semaphore_mem>>)
      %dma_wait3A_170 = arith.constant 0 : i32
      %dma_wait3A_171 = tpu.memref_slice %arg3[%run_scoped3A, %mul3A_2, %dma_wait3A_170] : memref<2x10000x16xf32, #tpu.memory_space<hbm>> -> memref<1x625x16xf32, #tpu.memory_space<hbm>>
      %dma_wait3A_172 = tpu.memref_squeeze %dma_wait3A_171 : memref<1x625x16xf32, #tpu.memory_space<hbm>> -> memref<625x16xf32, #tpu.memory_space<hbm>>
      %dma_wait3A_173 = arith.constant 0 : i32
      %dma_wait3A_174 = tpu.memref_slice %arg3[%run_scoped3A, %mul3A_2, %dma_wait3A_173] : memref<2x10000x16xf32, #tpu.memory_space<hbm>> -> memref<1x625x16xf32, #tpu.memory_space<hbm>>
      %dma_wait3A_175 = tpu.memref_squeeze %dma_wait3A_174 : memref<1x625x16xf32, #tpu.memory_space<hbm>> -> memref<625x16xf32, #tpu.memory_space<hbm>>
      tpu.wait_dma2 semaphore(%run_scoped3A_163 : memref<!tpu.dma_semaphore, #tpu.memory_space<semaphore_mem>>) src(%dma_wait3A_175 : memref<625x16xf32, #tpu.memory_space<hbm>>) dst(%arg12 : memref<625x16xf32, #tpu.memory_space<vmem>>)
      tpu.yield
    }) : () -> ()
    %run_scoped3A_3 = arith.constant 1 : i32
    "tpu.region"() ({
      %run_scoped3A_163 = tpu.sem_alloc : memref<!tpu.dma_semaphore, #tpu.memory_space<semaphore_mem>>
      %dma_start3A_164 = arith.constant 0 : i32
      %dma_start3A_165 = tpu.memref_slice %arg3[%run_scoped3A_3, %mul3A_2, %dma_start3A_164] : memref<2x10000x16xf32, #tpu.memory_space<hbm>> -> memref<1x625x16xf32, #tpu.memory_space<hbm>>
      %dma_start3A_166 = tpu.memref_squeeze %dma_start3A_165 : memref<1x625x16xf32, #tpu.memory_space<hbm>> -> memref<625x16xf32, #tpu.memory_space<hbm>>
      %dma_start3A_167 = arith.constant 0 : i32
      %dma_start3A_168 = tpu.memref_slice %arg3[%run_scoped3A_3, %mul3A_2, %dma_start3A_167] : memref<2x10000x16xf32, #tpu.memory_space<hbm>> -> memref<1x625x16xf32, #tpu.memory_space<hbm>>
      %dma_start3A_169 = tpu.memref_squeeze %dma_start3A_168 : memref<1x625x16xf32, #tpu.memory_space<hbm>> -> memref<625x16xf32, #tpu.memory_space<hbm>>
      tpu.enqueue_dma source(%dma_start3A_169 : memref<625x16xf32, #tpu.memory_space<hbm>>) target(%arg13 : memref<625x16xf32, #tpu.memory_space<vmem>>) target_semaphore(%run_scoped3A_163 : memref<!tpu.dma_semaphore, #tpu.memory_space<semaphore_mem>>)
      %dma_wait3A_170 = arith.constant 0 : i32
      %dma_wait3A_171 = tpu.memref_slice %arg3[%run_scoped3A_3, %mul3A_2, %dma_wait3A_170] : memref<2x10000x16xf32, #tpu.memory_space<hbm>> -> memref<1x625x16xf32, #tpu.memory_space<hbm>>
      %dma_wait3A_172 = tpu.memref_squeeze %dma_wait3A_171 : memref<1x625x16xf32, #tpu.memory_space<hbm>> -> memref<625x16xf32, #tpu.memory_space<hbm>>
      %dma_wait3A_173 = arith.constant 0 : i32
      %dma_wait3A_174 = tpu.memref_slice %arg3[%run_scoped3A_3, %mul3A_2, %dma_wait3A_173] : memref<2x10000x16xf32, #tpu.memory_space<hbm>> -> memref<1x625x16xf32, #tpu.memory_space<hbm>>
      %dma_wait3A_175 = tpu.memref_squeeze %dma_wait3A_174 : memref<1x625x16xf32, #tpu.memory_space<hbm>> -> memref<625x16xf32, #tpu.memory_space<hbm>>
      tpu.wait_dma2 semaphore(%run_scoped3A_163 : memref<!tpu.dma_semaphore, #tpu.memory_space<semaphore_mem>>) src(%dma_wait3A_175 : memref<625x16xf32, #tpu.memory_space<hbm>>) dst(%arg13 : memref<625x16xf32, #tpu.memory_space<vmem>>)
      tpu.yield
    }) : () -> ()
    "tpu.region"() ({
      %run_scoped3A_163 = tpu.sem_alloc : memref<!tpu.dma_semaphore, #tpu.memory_space<semaphore_mem>>
      %dma_start3A_164 = arith.constant 0 : i32
      %dma_start3A_165 = tpu.memref_slice %arg4[%mul3A_2, %dma_start3A_164] : memref<10000x16xf32, #tpu.memory_space<hbm>> -> memref<625x16xf32, #tpu.memory_space<hbm>>
      %dma_start3A_166 = arith.constant 0 : i32
      %dma_start3A_167 = tpu.memref_slice %arg4[%mul3A_2, %dma_start3A_166] : memref<10000x16xf32, #tpu.memory_space<hbm>> -> memref<625x16xf32, #tpu.memory_space<hbm>>
      tpu.enqueue_dma source(%dma_start3A_167 : memref<625x16xf32, #tpu.memory_space<hbm>>) target(%arg14 : memref<625x16xf32, #tpu.memory_space<vmem>>) target_semaphore(%run_scoped3A_163 : memref<!tpu.dma_semaphore, #tpu.memory_space<semaphore_mem>>)
      %dma_wait3A_168 = arith.constant 0 : i32
      %dma_wait3A_169 = tpu.memref_slice %arg4[%mul3A_2, %dma_wait3A_168] : memref<10000x16xf32, #tpu.memory_space<hbm>> -> memref<625x16xf32, #tpu.memory_space<hbm>>
      %dma_wait3A_170 = arith.constant 0 : i32
      %dma_wait3A_171 = tpu.memref_slice %arg4[%mul3A_2, %dma_wait3A_170] : memref<10000x16xf32, #tpu.memory_space<hbm>> -> memref<625x16xf32, #tpu.memory_space<hbm>>
      tpu.wait_dma2 semaphore(%run_scoped3A_163 : memref<!tpu.dma_semaphore, #tpu.memory_space<semaphore_mem>>) src(%dma_wait3A_171 : memref<625x16xf32, #tpu.memory_space<hbm>>) dst(%arg14 : memref<625x16xf32, #tpu.memory_space<vmem>>)
      tpu.yield
    }) : () -> ()
    "tpu.region"() ({
      %run_scoped3A_163 = tpu.sem_alloc : memref<!tpu.dma_semaphore, #tpu.memory_space<semaphore_mem>>
      tpu.enqueue_dma source(%arg5 : memref<16xf32, #tpu.memory_space<hbm>>) target(%arg15 : memref<16xf32, #tpu.memory_space<vmem>>) target_semaphore(%run_scoped3A_163 : memref<!tpu.dma_semaphore, #tpu.memory_space<semaphore_mem>>)
      tpu.wait_dma2 semaphore(%run_scoped3A_163 : memref<!tpu.dma_semaphore, #tpu.memory_space<semaphore_mem>>) src(%arg5 : memref<16xf32, #tpu.memory_space<hbm>>) dst(%arg15 : memref<16xf32, #tpu.memory_space<vmem>>)
      tpu.yield
    }) : () -> ()
    %mul3A_4 = arith.constant 78 : i32
    %mul3A_5 = arith.muli %add3A, %mul3A_4 : i32
    "tpu.region"() ({
      %run_scoped3A_163 = tpu.sem_alloc : memref<!tpu.dma_semaphore, #tpu.memory_space<semaphore_mem>>
      %dma_start3A_164 = arith.constant 0 : i32
      %dma_start3A_165 = arith.constant 0 : i32
      %dma_start3A_166 = tpu.memref_slice %arg16[%dma_start3A_164, %dma_start3A_165] : memref<79x128xi32, #tpu.memory_space<vmem>> -> memref<78x128xi32, #tpu.memory_space<vmem>>
      %dma_start3A_167 = arith.constant 0 : i32
      %dma_start3A_168 = tpu.memref_slice %arg6[%mul3A_5, %dma_start3A_167] : memref<2500x128xi32, #tpu.memory_space<hbm>> -> memref<78x128xi32, #tpu.memory_space<hbm>>
      %dma_start3A_169 = arith.constant 0 : i32
      %dma_start3A_170 = arith.constant 0 : i32
      %dma_start3A_171 = tpu.memref_slice %arg16[%dma_start3A_169, %dma_start3A_170] : memref<79x128xi32, #tpu.memory_space<vmem>> -> memref<78x128xi32, #tpu.memory_space<vmem>>
      %dma_start3A_172 = arith.constant 0 : i32
      %dma_start3A_173 = tpu.memref_slice %arg6[%mul3A_5, %dma_start3A_172] : memref<2500x128xi32, #tpu.memory_space<hbm>> -> memref<78x128xi32, #tpu.memory_space<hbm>>
      tpu.enqueue_dma source(%dma_start3A_173 : memref<78x128xi32, #tpu.memory_space<hbm>>) target(%dma_start3A_171 : memref<78x128xi32, #tpu.memory_space<vmem>>) target_semaphore(%run_scoped3A_163 : memref<!tpu.dma_semaphore, #tpu.memory_space<semaphore_mem>>)
      %dma_wait3A_174 = arith.constant 0 : i32
      %dma_wait3A_175 = arith.constant 0 : i32
      %dma_wait3A_176 = tpu.memref_slice %arg16[%dma_wait3A_174, %dma_wait3A_175] : memref<79x128xi32, #tpu.memory_space<vmem>> -> memref<78x128xi32, #tpu.memory_space<vmem>>
      %dma_wait3A_177 = arith.constant 0 : i32
      %dma_wait3A_178 = tpu.memref_slice %arg6[%mul3A_5, %dma_wait3A_177] : memref<2500x128xi32, #tpu.memory_space<hbm>> -> memref<78x128xi32, #tpu.memory_space<hbm>>
      %dma_wait3A_179 = arith.constant 0 : i32
      %dma_wait3A_180 = arith.constant 0 : i32
      %dma_wait3A_181 = tpu.memref_slice %arg16[%dma_wait3A_179, %dma_wait3A_180] : memref<79x128xi32, #tpu.memory_space<vmem>> -> memref<78x128xi32, #tpu.memory_space<vmem>>
      %dma_wait3A_182 = arith.constant 0 : i32
      %dma_wait3A_183 = tpu.memref_slice %arg6[%mul3A_5, %dma_wait3A_182] : memref<2500x128xi32, #tpu.memory_space<hbm>> -> memref<78x128xi32, #tpu.memory_space<hbm>>
      tpu.wait_dma2 semaphore(%run_scoped3A_163 : memref<!tpu.dma_semaphore, #tpu.memory_space<semaphore_mem>>) src(%dma_wait3A_183 : memref<78x128xi32, #tpu.memory_space<hbm>>) dst(%dma_wait3A_181 : memref<78x128xi32, #tpu.memory_space<vmem>>)
      tpu.yield
    }) : () -> ()
    %mul3A_6 = arith.constant 78 : i32
    %mul3A_7 = arith.muli %add3A, %mul3A_6 : i32
    "tpu.region"() ({
      %run_scoped3A_163 = tpu.sem_alloc : memref<!tpu.dma_semaphore, #tpu.memory_space<semaphore_mem>>
      %dma_start3A_164 = arith.constant 0 : i32
      %dma_start3A_165 = arith.constant 0 : i32
      %dma_start3A_166 = tpu.memref_slice %arg17[%dma_start3A_164, %dma_start3A_165] : memref<79x128xi32, #tpu.memory_space<vmem>> -> memref<78x128xi32, #tpu.memory_space<vmem>>
      %dma_start3A_167 = arith.constant 0 : i32
      %dma_start3A_168 = tpu.memref_slice %arg7[%mul3A_7, %dma_start3A_167] : memref<2500x128xi32, #tpu.memory_space<hbm>> -> memref<78x128xi32, #tpu.memory_space<hbm>>
      %dma_start3A_169 = arith.constant 0 : i32
      %dma_start3A_170 = arith.constant 0 : i32
      %dma_start3A_171 = tpu.memref_slice %arg17[%dma_start3A_169, %dma_start3A_170] : memref<79x128xi32, #tpu.memory_space<vmem>> -> memref<78x128xi32, #tpu.memory_space<vmem>>
      %dma_start3A_172 = arith.constant 0 : i32
      %dma_start3A_173 = tpu.memref_slice %arg7[%mul3A_7, %dma_start3A_172] : memref<2500x128xi32, #tpu.memory_space<hbm>> -> memref<78x128xi32, #tpu.memory_space<hbm>>
      tpu.enqueue_dma source(%dma_start3A_173 : memref<78x128xi32, #tpu.memory_space<hbm>>) target(%dma_start3A_171 : memref<78x128xi32, #tpu.memory_space<vmem>>) target_semaphore(%run_scoped3A_163 : memref<!tpu.dma_semaphore, #tpu.memory_space<semaphore_mem>>)
      %dma_wait3A_174 = arith.constant 0 : i32
      %dma_wait3A_175 = arith.constant 0 : i32
      %dma_wait3A_176 = tpu.memref_slice %arg17[%dma_wait3A_174, %dma_wait3A_175] : memref<79x128xi32, #tpu.memory_space<vmem>> -> memref<78x128xi32, #tpu.memory_space<vmem>>
      %dma_wait3A_177 = arith.constant 0 : i32
      %dma_wait3A_178 = tpu.memref_slice %arg7[%mul3A_7, %dma_wait3A_177] : memref<2500x128xi32, #tpu.memory_space<hbm>> -> memref<78x128xi32, #tpu.memory_space<hbm>>
      %dma_wait3A_179 = arith.constant 0 : i32
      %dma_wait3A_180 = arith.constant 0 : i32
      %dma_wait3A_181 = tpu.memref_slice %arg17[%dma_wait3A_179, %dma_wait3A_180] : memref<79x128xi32, #tpu.memory_space<vmem>> -> memref<78x128xi32, #tpu.memory_space<vmem>>
      %dma_wait3A_182 = arith.constant 0 : i32
      %dma_wait3A_183 = tpu.memref_slice %arg7[%mul3A_7, %dma_wait3A_182] : memref<2500x128xi32, #tpu.memory_space<hbm>> -> memref<78x128xi32, #tpu.memory_space<hbm>>
      tpu.wait_dma2 semaphore(%run_scoped3A_163 : memref<!tpu.dma_semaphore, #tpu.memory_space<semaphore_mem>>) src(%dma_wait3A_183 : memref<78x128xi32, #tpu.memory_space<hbm>>) dst(%dma_wait3A_181 : memref<78x128xi32, #tpu.memory_space<vmem>>)
      tpu.yield
    }) : () -> ()
    %lt3A = arith.constant 4 : i32
    %lt3A_8 = arith.cmpi slt, %add3A, %lt3A : i32
    %convert_element_type3A = arith.extui %lt3A_8 : i1 to i32
    %cond3A = arith.constant 0 : i32
    %cond3A_9 = arith.cmpi ne, %convert_element_type3A, %cond3A : i32
    scf.if %cond3A_9 {
      %add3A_163 = arith.constant 2496 : i32
      %add3A_164 = arith.addi %add3A_163, %add3A : i32
      "tpu.region"() ({
        %run_scoped3A_167 = tpu.sem_alloc : memref<!tpu.dma_semaphore, #tpu.memory_space<semaphore_mem>>
        %dma_start3A_168 = arith.constant 78 : i32
        %dma_start3A_169 = arith.constant 0 : i32
        %dma_start3A_170 = tpu.memref_slice %arg16[%dma_start3A_168, %dma_start3A_169] : memref<79x128xi32, #tpu.memory_space<vmem>> -> memref<1x128xi32, #tpu.memory_space<vmem>>
        %dma_start3A_171 = arith.constant 0 : i32
        %dma_start3A_172 = tpu.memref_slice %arg6[%add3A_164, %dma_start3A_171] : memref<2500x128xi32, #tpu.memory_space<hbm>> -> memref<1x128xi32, #tpu.memory_space<hbm>>
        %dma_start3A_173 = arith.constant 78 : i32
        %dma_start3A_174 = arith.constant 0 : i32
        %dma_start3A_175 = tpu.memref_slice %arg16[%dma_start3A_173, %dma_start3A_174] : memref<79x128xi32, #tpu.memory_space<vmem>> -> memref<1x128xi32, #tpu.memory_space<vmem>>
        %dma_start3A_176 = arith.constant 0 : i32
        %dma_start3A_177 = tpu.memref_slice %arg6[%add3A_164, %dma_start3A_176] : memref<2500x128xi32, #tpu.memory_space<hbm>> -> memref<1x128xi32, #tpu.memory_space<hbm>>
        tpu.enqueue_dma source(%dma_start3A_177 : memref<1x128xi32, #tpu.memory_space<hbm>>) target(%dma_start3A_175 : memref<1x128xi32, #tpu.memory_space<vmem>>) target_semaphore(%run_scoped3A_167 : memref<!tpu.dma_semaphore, #tpu.memory_space<semaphore_mem>>)
        %dma_wait3A_178 = arith.constant 78 : i32
        %dma_wait3A_179 = arith.constant 0 : i32
        %dma_wait3A_180 = tpu.memref_slice %arg16[%dma_wait3A_178, %dma_wait3A_179] : memref<79x128xi32, #tpu.memory_space<vmem>> -> memref<1x128xi32, #tpu.memory_space<vmem>>
        %dma_wait3A_181 = arith.constant 0 : i32
        %dma_wait3A_182 = tpu.memref_slice %arg6[%add3A_164, %dma_wait3A_181] : memref<2500x128xi32, #tpu.memory_space<hbm>> -> memref<1x128xi32, #tpu.memory_space<hbm>>
        %dma_wait3A_183 = arith.constant 78 : i32
        %dma_wait3A_184 = arith.constant 0 : i32
        %dma_wait3A_185 = tpu.memref_slice %arg16[%dma_wait3A_183, %dma_wait3A_184] : memref<79x128xi32, #tpu.memory_space<vmem>> -> memref<1x128xi32, #tpu.memory_space<vmem>>
        %dma_wait3A_186 = arith.constant 0 : i32
        %dma_wait3A_187 = tpu.memref_slice %arg6[%add3A_164, %dma_wait3A_186] : memref<2500x128xi32, #tpu.memory_space<hbm>> -> memref<1x128xi32, #tpu.memory_space<hbm>>
        tpu.wait_dma2 semaphore(%run_scoped3A_167 : memref<!tpu.dma_semaphore, #tpu.memory_space<semaphore_mem>>) src(%dma_wait3A_187 : memref<1x128xi32, #tpu.memory_space<hbm>>) dst(%dma_wait3A_185 : memref<1x128xi32, #tpu.memory_space<vmem>>)
        tpu.yield
      }) : () -> ()
      %add3A_165 = arith.constant 2496 : i32
      %add3A_166 = arith.addi %add3A_165, %add3A : i32
      "tpu.region"() ({
        %run_scoped3A_167 = tpu.sem_alloc : memref<!tpu.dma_semaphore, #tpu.memory_space<semaphore_mem>>
        %dma_start3A_168 = arith.constant 78 : i32
        %dma_start3A_169 = arith.constant 0 : i32
        %dma_start3A_170 = tpu.memref_slice %arg17[%dma_start3A_168, %dma_start3A_169] : memref<79x128xi32, #tpu.memory_space<vmem>> -> memref<1x128xi32, #tpu.memory_space<vmem>>
        %dma_start3A_171 = arith.constant 0 : i32
        %dma_start3A_172 = tpu.memref_slice %arg7[%add3A_166, %dma_start3A_171] : memref<2500x128xi32, #tpu.memory_space<hbm>> -> memref<1x128xi32, #tpu.memory_space<hbm>>
        %dma_start3A_173 = arith.constant 78 : i32
        %dma_start3A_174 = arith.constant 0 : i32
        %dma_start3A_175 = tpu.memref_slice %arg17[%dma_start3A_173, %dma_start3A_174] : memref<79x128xi32, #tpu.memory_space<vmem>> -> memref<1x128xi32, #tpu.memory_space<vmem>>
        %dma_start3A_176 = arith.constant 0 : i32
        %dma_start3A_177 = tpu.memref_slice %arg7[%add3A_166, %dma_start3A_176] : memref<2500x128xi32, #tpu.memory_space<hbm>> -> memref<1x128xi32, #tpu.memory_space<hbm>>
        tpu.enqueue_dma source(%dma_start3A_177 : memref<1x128xi32, #tpu.memory_space<hbm>>) target(%dma_start3A_175 : memref<1x128xi32, #tpu.memory_space<vmem>>) target_semaphore(%run_scoped3A_167 : memref<!tpu.dma_semaphore, #tpu.memory_space<semaphore_mem>>)
        %dma_wait3A_178 = arith.constant 78 : i32
        %dma_wait3A_179 = arith.constant 0 : i32
        %dma_wait3A_180 = tpu.memref_slice %arg17[%dma_wait3A_178, %dma_wait3A_179] : memref<79x128xi32, #tpu.memory_space<vmem>> -> memref<1x128xi32, #tpu.memory_space<vmem>>
        %dma_wait3A_181 = arith.constant 0 : i32
        %dma_wait3A_182 = tpu.memref_slice %arg7[%add3A_166, %dma_wait3A_181] : memref<2500x128xi32, #tpu.memory_space<hbm>> -> memref<1x128xi32, #tpu.memory_space<hbm>>
        %dma_wait3A_183 = arith.constant 78 : i32
        %dma_wait3A_184 = arith.constant 0 : i32
        %dma_wait3A_185 = tpu.memref_slice %arg17[%dma_wait3A_183, %dma_wait3A_184] : memref<79x128xi32, #tpu.memory_space<vmem>> -> memref<1x128xi32, #tpu.memory_space<vmem>>
        %dma_wait3A_186 = arith.constant 0 : i32
        %dma_wait3A_187 = tpu.memref_slice %arg7[%add3A_166, %dma_wait3A_186] : memref<2500x128xi32, #tpu.memory_space<hbm>> -> memref<1x128xi32, #tpu.memory_space<hbm>>
        tpu.wait_dma2 semaphore(%run_scoped3A_167 : memref<!tpu.dma_semaphore, #tpu.memory_space<semaphore_mem>>) src(%dma_wait3A_187 : memref<1x128xi32, #tpu.memory_space<hbm>>) dst(%dma_wait3A_185 : memref<1x128xi32, #tpu.memory_space<vmem>>)
        tpu.yield
      }) : () -> ()
    } else {
    }
    %get3A = arith.constant 0 : index
    %get3A_10 = tpu.vector_load %arg15[%get3A] {strides = array<i32>} : memref<16xf32, #tpu.memory_space<vmem>>, vector<16xf32>,
    %get3A_11 = vector.shape_cast %get3A_10 : vector<16xf32> to vector<16xf32>
    %scan3A = arith.constant 0 : i32
    %scan3A_12 = arith.constant 0 : i32
    %scan3A_13 = arith.constant 625 : i32
    %scan3A_14 = arith.addi %scan3A_12, %scan3A_13 : i32
    %scan3A_15 = arith.constant 1 : i32
    scf.for %scan3A_163 = %scan3A_12 to %scan3A_14 step %scan3A_15  : i32 {
      %get3A_164 = arith.index_cast %scan3A_163 : i32 to index
      %get3A_165 = arith.constant 0 : index
      %get3A_166 = tpu.vector_load %arg11[%get3A_164, %get3A_165] {strides = array<i32>} : memref<625x16xf32, #tpu.memory_space<vmem>>, vector<1x16xf32>,
      %get3A_167 = vector.shape_cast %get3A_166 : vector<1x16xf32> to vector<16xf32>
      %get3A_168 = arith.index_cast %scan3A_163 : i32 to index
      %get3A_169 = arith.constant 0 : index
      %get3A_170 = tpu.vector_load %arg12[%get3A_168, %get3A_169] {strides = array<i32>} : memref<625x16xf32, #tpu.memory_space<vmem>>, vector<1x16xf32>,
      %get3A_171 = vector.shape_cast %get3A_170 : vector<1x16xf32> to vector<16xf32>
      %add3A_172 = arith.addf %get3A_167, %get3A_171 : vector<16xf32>
      %get3A_173 = arith.index_cast %scan3A_163 : i32 to index
      %get3A_174 = arith.constant 0 : index
      %get3A_175 = tpu.vector_load %arg13[%get3A_173, %get3A_174] {strides = array<i32>} : memref<625x16xf32, #tpu.memory_space<vmem>>, vector<1x16xf32>,
      %get3A_176 = vector.shape_cast %get3A_175 : vector<1x16xf32> to vector<16xf32>
      %add3A_177 = arith.addf %add3A_172, %get3A_176 : vector<16xf32>
      %get3A_178 = arith.index_cast %scan3A_163 : i32 to index
      %get3A_179 = arith.constant 0 : index
      %get3A_180 = tpu.vector_load %arg14[%get3A_178, %get3A_179] {strides = array<i32>} : memref<625x16xf32, #tpu.memory_space<vmem>>, vector<1x16xf32>,
      %get3A_181 = vector.shape_cast %get3A_180 : vector<1x16xf32> to vector<16xf32>
      %mul3A_182 = arith.mulf %add3A_177, %get3A_181 : vector<16xf32>
      %add3A_183 = arith.addf %mul3A_182, %get3A_11 : vector<16xf32>
      %max3A = arith.constant 0.000000e+00 : f32
      %max3A_184 = vector.broadcast %max3A : f32 to vector<16xf32>
      %max3A_185 = arith.maximumf %add3A_183, %max3A_184 : vector<16xf32>
      %get3A_186 = arith.index_cast %scan3A_163 : i32 to index
      %get3A_187 = arith.constant 0 : index
      %get3A_188 = tpu.vector_load %arg14[%get3A_186, %get3A_187] {strides = array<i32>} : memref<625x16xf32, #tpu.memory_space<vmem>>, vector<1x16xf32>,
      %get3A_189 = vector.shape_cast %get3A_188 : vector<1x16xf32> to vector<16xf32>
      %mul3A_190 = arith.mulf %max3A_185, %get3A_189 : vector<16xf32>
      %swap3A = arith.index_cast %scan3A_163 : i32 to index
      %swap3A_191 = arith.constant 0 : index
      %swap3A_192 = tpu.vector_load %arg11[%swap3A, %swap3A_191] {strides = array<i32>} : memref<625x16xf32, #tpu.memory_space<vmem>>, vector<1x16xf32>,
      %swap3A_193 = vector.shape_cast %swap3A_192 : vector<1x16xf32> to vector<16xf32>
      %swap3A_194 = vector.shape_cast %mul3A_190 : vector<16xf32> to vector<1x16xf32>
      tpu.vector_store %arg11[%swap3A, %swap3A_191], %swap3A_194 {strides = array<i32>} : memref<625x16xf32, #tpu.memory_space<vmem>>, vector<1x16xf32>,
    }
    %scan3A_16 = arith.constant 625 : i32
    "tpu.region"() ({
      %run_scoped3A_163 = tpu.sem_alloc : memref<!tpu.dma_semaphore, #tpu.memory_space<semaphore_mem>>
      %dma_start3A_164 = arith.constant 0 : i32
      %dma_start3A_165 = tpu.memref_slice %arg9[%arg0, %mul3A_2, %dma_start3A_164] : memref<2x10000x16xf32, #tpu.memory_space<hbm>> -> memref<1x625x16xf32, #tpu.memory_space<hbm>>
      %dma_start3A_166 = tpu.memref_squeeze %dma_start3A_165 : memref<1x625x16xf32, #tpu.memory_space<hbm>> -> memref<625x16xf32, #tpu.memory_space<hbm>>
      %dma_start3A_167 = arith.constant 0 : i32
      %dma_start3A_168 = tpu.memref_slice %arg9[%arg0, %mul3A_2, %dma_start3A_167] : memref<2x10000x16xf32, #tpu.memory_space<hbm>> -> memref<1x625x16xf32, #tpu.memory_space<hbm>>
      %dma_start3A_169 = tpu.memref_squeeze %dma_start3A_168 : memref<1x625x16xf32, #tpu.memory_space<hbm>> -> memref<625x16xf32, #tpu.memory_space<hbm>>
      tpu.enqueue_dma source(%arg11 : memref<625x16xf32, #tpu.memory_space<vmem>>) target(%dma_start3A_169 : memref<625x16xf32, #tpu.memory_space<hbm>>) target_semaphore(%run_scoped3A_163 : memref<!tpu.dma_semaphore, #tpu.memory_space<semaphore_mem>>)
      %dma_wait3A_170 = arith.constant 0 : i32
      %dma_wait3A_171 = tpu.memref_slice %arg9[%arg0, %mul3A_2, %dma_wait3A_170] : memref<2x10000x16xf32, #tpu.memory_space<hbm>> -> memref<1x625x16xf32, #tpu.memory_space<hbm>>
      %dma_wait3A_172 = tpu.memref_squeeze %dma_wait3A_171 : memref<1x625x16xf32, #tpu.memory_space<hbm>> -> memref<625x16xf32, #tpu.memory_space<hbm>>
      %dma_wait3A_173 = arith.constant 0 : i32
      %dma_wait3A_174 = tpu.memref_slice %arg9[%arg0, %mul3A_2, %dma_wait3A_173] : memref<2x10000x16xf32, #tpu.memory_space<hbm>> -> memref<1x625x16xf32, #tpu.memory_space<hbm>>
      %dma_wait3A_175 = tpu.memref_squeeze %dma_wait3A_174 : memref<1x625x16xf32, #tpu.memory_space<hbm>> -> memref<625x16xf32, #tpu.memory_space<hbm>>
      tpu.wait_dma2 semaphore(%run_scoped3A_163 : memref<!tpu.dma_semaphore, #tpu.memory_space<semaphore_mem>>) src(%arg11 : memref<625x16xf32, #tpu.memory_space<vmem>>) dst(%dma_wait3A_175 : memref<625x16xf32, #tpu.memory_space<hbm>>)
      tpu.yield
    }) : () -> ()
    %barrier3A = arith.constant 0 : index
    tpu.barrier barrier_id(%barrier3A)
    %dma_start3A = arith.constant 0 : i32
    %dma_start3A_17 = arith.constant 0 : i32
    %dma_start3A_18 = arith.constant 0 : i32
    %dma_start3A_19 = arith.constant 0 : i32
    %dma_start3A_20 = arith.constant 0 : i32
    %dma_start3A_21 = tpu.memref_slice %arg18[%dma_start3A_17, %dma_start3A_19, %dma_start3A_20] : memref<8x128x16xf32, #tpu.memory_space<vmem>> -> memref<1x128x16xf32, #tpu.memory_space<vmem>>
    %dma_start3A_22 = tpu.memref_squeeze %dma_start3A_21 : memref<1x128x16xf32, #tpu.memory_space<vmem>> -> memref<128x16xf32, #tpu.memory_space<vmem>>
    %dma_start3A_23 = arith.constant 0 : i32
    %dma_start3A_24 = tpu.memref_slice %arg16[%dma_start3A, %dma_start3A_23] : memref<79x128xi32, #tpu.memory_space<vmem>> -> memref<1x128xi32, #tpu.memory_space<vmem>>
    %dma_start3A_25 = tpu.memref_squeeze %dma_start3A_24 : memref<1x128xi32, #tpu.memory_space<vmem>> -> memref<128xi32, #tpu.memory_space<vmem>>
    %dma_start3A_26 = arith.constant 0 : i32
    %dma_start3A_27 = arith.constant 0 : i32
    %dma_start3A_28 = tpu.memref_slice %arg9[%arg0, %dma_start3A_26, %dma_start3A_27] : memref<2x10000x16xf32, #tpu.memory_space<hbm>> -> memref<1x10000x16xf32, #tpu.memory_space<hbm>>
    %dma_start3A_29 = tpu.memref_squeeze %dma_start3A_28 : memref<1x10000x16xf32, #tpu.memory_space<hbm>> -> memref<10000x16xf32, #tpu.memory_space<hbm>>
    %dma_start3A_30 = arith.constant 0 : i32
    %dma_start3A_31 = arith.constant 0 : i32
    %dma_start3A_32 = tpu.memref_slice %dma_start3A_29[%dma_start3A_30, %dma_start3A_31] : memref<10000x16xf32, #tpu.memory_space<hbm>> -> memref<10000x16xf32, #tpu.memory_space<hbm>>
    %dma_start3A_33 = tpu.memref_slice %arg20[%dma_start3A_18] : memref<8x!tpu.dma_semaphore, #tpu.memory_space<semaphore_mem>> -> memref<1x!tpu.dma_semaphore, #tpu.memory_space<semaphore_mem>>
    %dma_start3A_34 = tpu.memref_squeeze %dma_start3A_33 : memref<1x!tpu.dma_semaphore, #tpu.memory_space<semaphore_mem>> -> memref<!tpu.dma_semaphore, #tpu.memory_space<semaphore_mem>>
    tpu.enqueue_indirect_dma source(%dma_start3A_32 : memref<10000x16xf32, #tpu.memory_space<hbm>>) target(%dma_start3A_22 : memref<128x16xf32, #tpu.memory_space<vmem>>) offsets(%dma_start3A_25 : memref<128xi32, #tpu.memory_space<vmem>>) semaphore(%dma_start3A_34 : memref<!tpu.dma_semaphore, #tpu.memory_space<semaphore_mem>>)
    %dma_start3A_35 = arith.constant 1 : i32
    %dma_start3A_36 = arith.constant 1 : i32
    %dma_start3A_37 = arith.constant 1 : i32
    %dma_start3A_38 = arith.constant 0 : i32
    %dma_start3A_39 = arith.constant 0 : i32
    %dma_start3A_40 = tpu.memref_slice %arg18[%dma_start3A_36, %dma_start3A_38, %dma_start3A_39] : memref<8x128x16xf32, #tpu.memory_space<vmem>> -> memref<1x128x16xf32, #tpu.memory_space<vmem>>
    %dma_start3A_41 = tpu.memref_squeeze %dma_start3A_40 : memref<1x128x16xf32, #tpu.memory_space<vmem>> -> memref<128x16xf32, #tpu.memory_space<vmem>>
    %dma_start3A_42 = arith.constant 0 : i32
    %dma_start3A_43 = tpu.memref_slice %arg16[%dma_start3A_35, %dma_start3A_42] : memref<79x128xi32, #tpu.memory_space<vmem>> -> memref<1x128xi32, #tpu.memory_space<vmem>>
    %dma_start3A_44 = tpu.memref_squeeze %dma_start3A_43 : memref<1x128xi32, #tpu.memory_space<vmem>> -> memref<128xi32, #tpu.memory_space<vmem>>
    %dma_start3A_45 = arith.constant 0 : i32
    %dma_start3A_46 = arith.constant 0 : i32
    %dma_start3A_47 = tpu.memref_slice %arg9[%arg0, %dma_start3A_45, %dma_start3A_46] : memref<2x10000x16xf32, #tpu.memory_space<hbm>> -> memref<1x10000x16xf32, #tpu.memory_space<hbm>>
    %dma_start3A_48 = tpu.memref_squeeze %dma_start3A_47 : memref<1x10000x16xf32, #tpu.memory_space<hbm>> -> memref<10000x16xf32, #tpu.memory_space<hbm>>
    %dma_start3A_49 = arith.constant 0 : i32
    %dma_start3A_50 = arith.constant 0 : i32
    %dma_start3A_51 = tpu.memref_slice %dma_start3A_48[%dma_start3A_49, %dma_start3A_50] : memref<10000x16xf32, #tpu.memory_space<hbm>> -> memref<10000x16xf32, #tpu.memory_space<hbm>>
    %dma_start3A_52 = tpu.memref_slice %arg20[%dma_start3A_37] : memref<8x!tpu.dma_semaphore, #tpu.memory_space<semaphore_mem>> -> memref<1x!tpu.dma_semaphore, #tpu.memory_space<semaphore_mem>>
    %dma_start3A_53 = tpu.memref_squeeze %dma_start3A_52 : memref<1x!tpu.dma_semaphore, #tpu.memory_space<semaphore_mem>> -> memref<!tpu.dma_semaphore, #tpu.memory_space<semaphore_mem>>
    tpu.enqueue_indirect_dma source(%dma_start3A_51 : memref<10000x16xf32, #tpu.memory_space<hbm>>) target(%dma_start3A_41 : memref<128x16xf32, #tpu.memory_space<vmem>>) offsets(%dma_start3A_44 : memref<128xi32, #tpu.memory_space<vmem>>) semaphore(%dma_start3A_53 : memref<!tpu.dma_semaphore, #tpu.memory_space<semaphore_mem>>)
    %dma_start3A_54 = arith.constant 2 : i32
    %dma_start3A_55 = arith.constant 2 : i32
    %dma_start3A_56 = arith.constant 2 : i32
    %dma_start3A_57 = arith.constant 0 : i32
    %dma_start3A_58 = arith.constant 0 : i32
    %dma_start3A_59 = tpu.memref_slice %arg18[%dma_start3A_55, %dma_start3A_57, %dma_start3A_58] : memref<8x128x16xf32, #tpu.memory_space<vmem>> -> memref<1x128x16xf32, #tpu.memory_space<vmem>>
    %dma_start3A_60 = tpu.memref_squeeze %dma_start3A_59 : memref<1x128x16xf32, #tpu.memory_space<vmem>> -> memref<128x16xf32, #tpu.memory_space<vmem>>
    %dma_start3A_61 = arith.constant 0 : i32
    %dma_start3A_62 = tpu.memref_slice %arg16[%dma_start3A_54, %dma_start3A_61] : memref<79x128xi32, #tpu.memory_space<vmem>> -> memref<1x128xi32, #tpu.memory_space<vmem>>
    %dma_start3A_63 = tpu.memref_squeeze %dma_start3A_62 : memref<1x128xi32, #tpu.memory_space<vmem>> -> memref<128xi32, #tpu.memory_space<vmem>>
    %dma_start3A_64 = arith.constant 0 : i32
    %dma_start3A_65 = arith.constant 0 : i32
    %dma_start3A_66 = tpu.memref_slice %arg9[%arg0, %dma_start3A_64, %dma_start3A_65] : memref<2x10000x16xf32, #tpu.memory_space<hbm>> -> memref<1x10000x16xf32, #tpu.memory_space<hbm>>
    %dma_start3A_67 = tpu.memref_squeeze %dma_start3A_66 : memref<1x10000x16xf32, #tpu.memory_space<hbm>> -> memref<10000x16xf32, #tpu.memory_space<hbm>>
    %dma_start3A_68 = arith.constant 0 : i32
    %dma_start3A_69 = arith.constant 0 : i32
    %dma_start3A_70 = tpu.memref_slice %dma_start3A_67[%dma_start3A_68, %dma_start3A_69] : memref<10000x16xf32, #tpu.memory_space<hbm>> -> memref<10000x16xf32, #tpu.memory_space<hbm>>
    %dma_start3A_71 = tpu.memref_slice %arg20[%dma_start3A_56] : memref<8x!tpu.dma_semaphore, #tpu.memory_space<semaphore_mem>> -> memref<1x!tpu.dma_semaphore, #tpu.memory_space<semaphore_mem>>
    %dma_start3A_72 = tpu.memref_squeeze %dma_start3A_71 : memref<1x!tpu.dma_semaphore, #tpu.memory_space<semaphore_mem>> -> memref<!tpu.dma_semaphore, #tpu.memory_space<semaphore_mem>>
    tpu.enqueue_indirect_dma source(%dma_start3A_70 : memref<10000x16xf32, #tpu.memory_space<hbm>>) target(%dma_start3A_60 : memref<128x16xf32, #tpu.memory_space<vmem>>) offsets(%dma_start3A_63 : memref<128xi32, #tpu.memory_space<vmem>>) semaphore(%dma_start3A_72 : memref<!tpu.dma_semaphore, #tpu.memory_space<semaphore_mem>>)
    %dma_start3A_73 = arith.constant 3 : i32
    %dma_start3A_74 = arith.constant 3 : i32
    %dma_start3A_75 = arith.constant 3 : i32
    %dma_start3A_76 = arith.constant 0 : i32
    %dma_start3A_77 = arith.constant 0 : i32
    %dma_start3A_78 = tpu.memref_slice %arg18[%dma_start3A_74, %dma_start3A_76, %dma_start3A_77] : memref<8x128x16xf32, #tpu.memory_space<vmem>> -> memref<1x128x16xf32, #tpu.memory_space<vmem>>
    %dma_start3A_79 = tpu.memref_squeeze %dma_start3A_78 : memref<1x128x16xf32, #tpu.memory_space<vmem>> -> memref<128x16xf32, #tpu.memory_space<vmem>>
    %dma_start3A_80 = arith.constant 0 : i32
    %dma_start3A_81 = tpu.memref_slice %arg16[%dma_start3A_73, %dma_start3A_80] : memref<79x128xi32, #tpu.memory_space<vmem>> -> memref<1x128xi32, #tpu.memory_space<vmem>>
    %dma_start3A_82 = tpu.memref_squeeze %dma_start3A_81 : memref<1x128xi32, #tpu.memory_space<vmem>> -> memref<128xi32, #tpu.memory_space<vmem>>
    %dma_start3A_83 = arith.constant 0 : i32
    %dma_start3A_84 = arith.constant 0 : i32
    %dma_start3A_85 = tpu.memref_slice %arg9[%arg0, %dma_start3A_83, %dma_start3A_84] : memref<2x10000x16xf32, #tpu.memory_space<hbm>> -> memref<1x10000x16xf32, #tpu.memory_space<hbm>>
    %dma_start3A_86 = tpu.memref_squeeze %dma_start3A_85 : memref<1x10000x16xf32, #tpu.memory_space<hbm>> -> memref<10000x16xf32, #tpu.memory_space<hbm>>
    %dma_start3A_87 = arith.constant 0 : i32
    %dma_start3A_88 = arith.constant 0 : i32
    %dma_start3A_89 = tpu.memref_slice %dma_start3A_86[%dma_start3A_87, %dma_start3A_88] : memref<10000x16xf32, #tpu.memory_space<hbm>> -> memref<10000x16xf32, #tpu.memory_space<hbm>>
    %dma_start3A_90 = tpu.memref_slice %arg20[%dma_start3A_75] : memref<8x!tpu.dma_semaphore, #tpu.memory_space<semaphore_mem>> -> memref<1x!tpu.dma_semaphore, #tpu.memory_space<semaphore_mem>>
    %dma_start3A_91 = tpu.memref_squeeze %dma_start3A_90 : memref<1x!tpu.dma_semaphore, #tpu.memory_space<semaphore_mem>> -> memref<!tpu.dma_semaphore, #tpu.memory_space<semaphore_mem>>
    tpu.enqueue_indirect_dma source(%dma_start3A_89 : memref<10000x16xf32, #tpu.memory_space<hbm>>) target(%dma_start3A_79 : memref<128x16xf32, #tpu.memory_space<vmem>>) offsets(%dma_start3A_82 : memref<128xi32, #tpu.memory_space<vmem>>) semaphore(%dma_start3A_91 : memref<!tpu.dma_semaphore, #tpu.memory_space<semaphore_mem>>)
    %scan3A_92 = arith.constant 0 : i32
    %scan3A_93 = arith.constant 0 : i32
    %scan3A_94 = arith.constant 78 : i32
    %scan3A_95 = arith.addi %scan3A_93, %scan3A_94 : i32
    %scan3A_96 = arith.constant 1 : i32
    scf.for %scan3A_163 = %scan3A_93 to %scan3A_95 step %scan3A_96  : i32 {
      %rem3A = arith.constant 8 : i32
      %rem3A_164 = arith.remsi %scan3A_163, %rem3A : i32
      %dma_wait3A_165 = arith.constant 0 : i32
      %dma_wait3A_166 = arith.constant 0 : i32
      %dma_wait3A_167 = tpu.memref_slice %arg18[%rem3A_164, %dma_wait3A_165, %dma_wait3A_166] : memref<8x128x16xf32, #tpu.memory_space<vmem>> -> memref<1x128x16xf32, #tpu.memory_space<vmem>>
      %dma_wait3A_168 = tpu.memref_squeeze %dma_wait3A_167 : memref<1x128x16xf32, #tpu.memory_space<vmem>> -> memref<128x16xf32, #tpu.memory_space<vmem>>
      %dma_wait3A_169 = arith.constant 0 : i32
      %dma_wait3A_170 = tpu.memref_slice %arg16[%scan3A_163, %dma_wait3A_169] : memref<79x128xi32, #tpu.memory_space<vmem>> -> memref<1x128xi32, #tpu.memory_space<vmem>>
      %dma_wait3A_171 = tpu.memref_squeeze %dma_wait3A_170 : memref<1x128xi32, #tpu.memory_space<vmem>> -> memref<128xi32, #tpu.memory_space<vmem>>
      %dma_wait3A_172 = arith.constant 0 : i32
      %dma_wait3A_173 = arith.constant 0 : i32
      %dma_wait3A_174 = tpu.memref_slice %arg9[%arg0, %dma_wait3A_172, %dma_wait3A_173] : memref<2x10000x16xf32, #tpu.memory_space<hbm>> -> memref<1x10000x16xf32, #tpu.memory_space<hbm>>
      %dma_wait3A_175 = tpu.memref_squeeze %dma_wait3A_174 : memref<1x10000x16xf32, #tpu.memory_space<hbm>> -> memref<10000x16xf32, #tpu.memory_space<hbm>>
      %dma_wait3A_176 = arith.constant 0 : i32
      %dma_wait3A_177 = arith.constant 0 : i32
      %dma_wait3A_178 = tpu.memref_slice %dma_wait3A_175[%dma_wait3A_176, %dma_wait3A_177] : memref<10000x16xf32, #tpu.memory_space<hbm>> -> memref<10000x16xf32, #tpu.memory_space<hbm>>
      %dma_wait3A_179 = tpu.memref_slice %arg20[%rem3A_164] : memref<8x!tpu.dma_semaphore, #tpu.memory_space<semaphore_mem>> -> memref<1x!tpu.dma_semaphore, #tpu.memory_space<semaphore_mem>>
      %dma_wait3A_180 = tpu.memref_squeeze %dma_wait3A_179 : memref<1x!tpu.dma_semaphore, #tpu.memory_space<semaphore_mem>> -> memref<!tpu.dma_semaphore, #tpu.memory_space<semaphore_mem>>
      tpu.wait_indirect_dma semaphore(%dma_wait3A_180 : memref<!tpu.dma_semaphore, #tpu.memory_space<semaphore_mem>>) src(%dma_wait3A_178 : memref<10000x16xf32, #tpu.memory_space<hbm>>) dst(%dma_wait3A_168 : memref<128x16xf32, #tpu.memory_space<vmem>>)
      %dma_start3A_181 = arith.constant 0 : i32
      %dma_start3A_182 = arith.constant 0 : i32
      %dma_start3A_183 = tpu.memref_slice %arg18[%rem3A_164, %dma_start3A_181, %dma_start3A_182] : memref<8x128x16xf32, #tpu.memory_space<vmem>> -> memref<1x128x16xf32, #tpu.memory_space<vmem>>
      %dma_start3A_184 = tpu.memref_squeeze %dma_start3A_183 : memref<1x128x16xf32, #tpu.memory_space<vmem>> -> memref<128x16xf32, #tpu.memory_space<vmem>>
      %dma_start3A_185 = arith.constant 0 : i32
      %dma_start3A_186 = tpu.memref_slice %arg17[%scan3A_163, %dma_start3A_185] : memref<79x128xi32, #tpu.memory_space<vmem>> -> memref<1x128xi32, #tpu.memory_space<vmem>>
      %dma_start3A_187 = tpu.memref_squeeze %dma_start3A_186 : memref<1x128xi32, #tpu.memory_space<vmem>> -> memref<128xi32, #tpu.memory_space<vmem>>
      %dma_start3A_188 = arith.constant 0 : i32
      %dma_start3A_189 = arith.constant 0 : i32
      %dma_start3A_190 = tpu.memref_slice %arg19[%dma_start3A_188, %dma_start3A_189] : memref<10000x16xf32, #tpu.memory_space<vmem_shared>> -> memref<10000x16xf32, #tpu.memory_space<vmem_shared>>
      %dma_start3A_191 = tpu.memref_slice %arg21[%rem3A_164] : memref<8x!tpu.dma_semaphore, #tpu.memory_space<semaphore_mem>> -> memref<1x!tpu.dma_semaphore, #tpu.memory_space<semaphore_mem>>
      %dma_start3A_192 = tpu.memref_squeeze %dma_start3A_191 : memref<1x!tpu.dma_semaphore, #tpu.memory_space<semaphore_mem>> -> memref<!tpu.dma_semaphore, #tpu.memory_space<semaphore_mem>>
      tpu.enqueue_indirect_dma source(%dma_start3A_184 : memref<128x16xf32, #tpu.memory_space<vmem>>) target(%dma_start3A_190 : memref<10000x16xf32, #tpu.memory_space<vmem_shared>>) offsets(%dma_start3A_187 : memref<128xi32, #tpu.memory_space<vmem>>) semaphore(%dma_start3A_192 : memref<!tpu.dma_semaphore, #tpu.memory_space<semaphore_mem>>) {add = true}
      %ge3A = arith.constant 4 : i32
      %ge3A_193 = arith.cmpi sge, %scan3A_163, %ge3A : i32
      %convert_element_type3A_194 = arith.extui %ge3A_193 : i1 to i32
      %cond3A_195 = arith.constant 0 : i32
      %cond3A_196 = arith.cmpi ne, %convert_element_type3A_194, %cond3A_195 : i32
      scf.if %cond3A_196 {
        %sub3A = arith.constant 4 : i32
        %sub3A_204 = arith.subi %scan3A_163, %sub3A : i32
        %sub3A_205 = arith.constant 4 : i32
        %sub3A_206 = arith.subi %scan3A_163, %sub3A_205 : i32
        %rem3A_207 = arith.constant 8 : i32
        %rem3A_208 = arith.remsi %sub3A_206, %rem3A_207 : i32
        %dma_wait3A_209 = arith.constant 0 : i32
        %dma_wait3A_210 = arith.constant 0 : i32
        %dma_wait3A_211 = tpu.memref_slice %arg18[%rem3A_208, %dma_wait3A_209, %dma_wait3A_210] : memref<8x128x16xf32, #tpu.memory_space<vmem>> -> memref<1x128x16xf32, #tpu.memory_space<vmem>>
        %dma_wait3A_212 = tpu.memref_squeeze %dma_wait3A_211 : memref<1x128x16xf32, #tpu.memory_space<vmem>> -> memref<128x16xf32, #tpu.memory_space<vmem>>
        %dma_wait3A_213 = arith.constant 0 : i32
        %dma_wait3A_214 = tpu.memref_slice %arg17[%sub3A_204, %dma_wait3A_213] : memref<79x128xi32, #tpu.memory_space<vmem>> -> memref<1x128xi32, #tpu.memory_space<vmem>>
        %dma_wait3A_215 = tpu.memref_squeeze %dma_wait3A_214 : memref<1x128xi32, #tpu.memory_space<vmem>> -> memref<128xi32, #tpu.memory_space<vmem>>
        %dma_wait3A_216 = arith.constant 0 : i32
        %dma_wait3A_217 = arith.constant 0 : i32
        %dma_wait3A_218 = tpu.memref_slice %arg19[%dma_wait3A_216, %dma_wait3A_217] : memref<10000x16xf32, #tpu.memory_space<vmem_shared>> -> memref<10000x16xf32, #tpu.memory_space<vmem_shared>>
        %dma_wait3A_219 = tpu.memref_slice %arg21[%rem3A_208] : memref<8x!tpu.dma_semaphore, #tpu.memory_space<semaphore_mem>> -> memref<1x!tpu.dma_semaphore, #tpu.memory_space<semaphore_mem>>
        %dma_wait3A_220 = tpu.memref_squeeze %dma_wait3A_219 : memref<1x!tpu.dma_semaphore, #tpu.memory_space<semaphore_mem>> -> memref<!tpu.dma_semaphore, #tpu.memory_space<semaphore_mem>>
        tpu.wait_indirect_dma semaphore(%dma_wait3A_220 : memref<!tpu.dma_semaphore, #tpu.memory_space<semaphore_mem>>) src(%dma_wait3A_212 : memref<128x16xf32, #tpu.memory_space<vmem>>) dst(%dma_wait3A_218 : memref<10000x16xf32, #tpu.memory_space<vmem_shared>>)
      } else {
      }
      %add3A_197 = arith.constant 4 : i32
      %add3A_198 = arith.addi %scan3A_163, %add3A_197 : i32
      %lt3A_199 = arith.constant 78 : i32
      %lt3A_200 = arith.cmpi slt, %add3A_198, %lt3A_199 : i32
      %convert_element_type3A_201 = arith.extui %lt3A_200 : i1 to i32
      %cond3A_202 = arith.constant 0 : i32
      %cond3A_203 = arith.cmpi ne, %convert_element_type3A_201, %cond3A_202 : i32
      scf.if %cond3A_203 {
        %add3A_204 = arith.constant 4 : i32
        %add3A_205 = arith.addi %scan3A_163, %add3A_204 : i32
        %add3A_206 = arith.constant 4 : i32
        %add3A_207 = arith.addi %scan3A_163, %add3A_206 : i32
        %rem3A_208 = arith.constant 8 : i32
        %rem3A_209 = arith.remsi %add3A_207, %rem3A_208 : i32
        %dma_start3A_210 = arith.constant 0 : i32
        %dma_start3A_211 = arith.constant 0 : i32
        %dma_start3A_212 = tpu.memref_slice %arg18[%rem3A_209, %dma_start3A_210, %dma_start3A_211] : memref<8x128x16xf32, #tpu.memory_space<vmem>> -> memref<1x128x16xf32, #tpu.memory_space<vmem>>
        %dma_start3A_213 = tpu.memref_squeeze %dma_start3A_212 : memref<1x128x16xf32, #tpu.memory_space<vmem>> -> memref<128x16xf32, #tpu.memory_space<vmem>>
        %dma_start3A_214 = arith.constant 0 : i32
        %dma_start3A_215 = tpu.memref_slice %arg16[%add3A_205, %dma_start3A_214] : memref<79x128xi32, #tpu.memory_space<vmem>> -> memref<1x128xi32, #tpu.memory_space<vmem>>
        %dma_start3A_216 = tpu.memref_squeeze %dma_start3A_215 : memref<1x128xi32, #tpu.memory_space<vmem>> -> memref<128xi32, #tpu.memory_space<vmem>>
        %dma_start3A_217 = arith.constant 0 : i32
        %dma_start3A_218 = arith.constant 0 : i32
        %dma_start3A_219 = tpu.memref_slice %arg9[%arg0, %dma_start3A_217, %dma_start3A_218] : memref<2x10000x16xf32, #tpu.memory_space<hbm>> -> memref<1x10000x16xf32, #tpu.memory_space<hbm>>
        %dma_start3A_220 = tpu.memref_squeeze %dma_start3A_219 : memref<1x10000x16xf32, #tpu.memory_space<hbm>> -> memref<10000x16xf32, #tpu.memory_space<hbm>>
        %dma_start3A_221 = arith.constant 0 : i32
        %dma_start3A_222 = arith.constant 0 : i32
        %dma_start3A_223 = tpu.memref_slice %dma_start3A_220[%dma_start3A_221, %dma_start3A_222] : memref<10000x16xf32, #tpu.memory_space<hbm>> -> memref<10000x16xf32, #tpu.memory_space<hbm>>
        %dma_start3A_224 = tpu.memref_slice %arg20[%rem3A_209] : memref<8x!tpu.dma_semaphore, #tpu.memory_space<semaphore_mem>> -> memref<1x!tpu.dma_semaphore, #tpu.memory_space<semaphore_mem>>
        %dma_start3A_225 = tpu.memref_squeeze %dma_start3A_224 : memref<1x!tpu.dma_semaphore, #tpu.memory_space<semaphore_mem>> -> memref<!tpu.dma_semaphore, #tpu.memory_space<semaphore_mem>>
        tpu.enqueue_indirect_dma source(%dma_start3A_223 : memref<10000x16xf32, #tpu.memory_space<hbm>>) target(%dma_start3A_213 : memref<128x16xf32, #tpu.memory_space<vmem>>) offsets(%dma_start3A_216 : memref<128xi32, #tpu.memory_space<vmem>>) semaphore(%dma_start3A_225 : memref<!tpu.dma_semaphore, #tpu.memory_space<semaphore_mem>>)
      } else {
      }
    }
    %scan3A_97 = arith.constant 78 : i32
    %dma_wait3A = arith.constant 2 : i32
    %dma_wait3A_98 = arith.constant 74 : i32
    %dma_wait3A_99 = arith.constant 2 : i32
    %dma_wait3A_100 = arith.constant 0 : i32
    %dma_wait3A_101 = arith.constant 0 : i32
    %dma_wait3A_102 = tpu.memref_slice %arg18[%dma_wait3A, %dma_wait3A_100, %dma_wait3A_101] : memref<8x128x16xf32, #tpu.memory_space<vmem>> -> memref<1x128x16xf32, #tpu.memory_space<vmem>>
    %dma_wait3A_103 = tpu.memref_squeeze %dma_wait3A_102 : memref<1x128x16xf32, #tpu.memory_space<vmem>> -> memref<128x16xf32, #tpu.memory_space<vmem>>
    %dma_wait3A_104 = arith.constant 0 : i32
    %dma_wait3A_105 = tpu.memref_slice %arg17[%dma_wait3A_98, %dma_wait3A_104] : memref<79x128xi32, #tpu.memory_space<vmem>> -> memref<1x128xi32, #tpu.memory_space<vmem>>
    %dma_wait3A_106 = tpu.memref_squeeze %dma_wait3A_105 : memref<1x128xi32, #tpu.memory_space<vmem>> -> memref<128xi32, #tpu.memory_space<vmem>>
    %dma_wait3A_107 = arith.constant 0 : i32
    %dma_wait3A_108 = arith.constant 0 : i32
    %dma_wait3A_109 = tpu.memref_slice %arg19[%dma_wait3A_107, %dma_wait3A_108] : memref<10000x16xf32, #tpu.memory_space<vmem_shared>> -> memref<10000x16xf32, #tpu.memory_space<vmem_shared>>
    %dma_wait3A_110 = tpu.memref_slice %arg21[%dma_wait3A_99] : memref<8x!tpu.dma_semaphore, #tpu.memory_space<semaphore_mem>> -> memref<1x!tpu.dma_semaphore, #tpu.memory_space<semaphore_mem>>
    %dma_wait3A_111 = tpu.memref_squeeze %dma_wait3A_110 : memref<1x!tpu.dma_semaphore, #tpu.memory_space<semaphore_mem>> -> memref<!tpu.dma_semaphore, #tpu.memory_space<semaphore_mem>>
    tpu.wait_indirect_dma semaphore(%dma_wait3A_111 : memref<!tpu.dma_semaphore, #tpu.memory_space<semaphore_mem>>) src(%dma_wait3A_103 : memref<128x16xf32, #tpu.memory_space<vmem>>) dst(%dma_wait3A_109 : memref<10000x16xf32, #tpu.memory_space<vmem_shared>>)
    %dma_wait3A_112 = arith.constant 3 : i32
    %dma_wait3A_113 = arith.constant 75 : i32
    %dma_wait3A_114 = arith.constant 3 : i32
    %dma_wait3A_115 = arith.constant 0 : i32
    %dma_wait3A_116 = arith.constant 0 : i32
    %dma_wait3A_117 = tpu.memref_slice %arg18[%dma_wait3A_112, %dma_wait3A_115, %dma_wait3A_116] : memref<8x128x16xf32, #tpu.memory_space<vmem>> -> memref<1x128x16xf32, #tpu.memory_space<vmem>>
    %dma_wait3A_118 = tpu.memref_squeeze %dma_wait3A_117 : memref<1x128x16xf32, #tpu.memory_space<vmem>> -> memref<128x16xf32, #tpu.memory_space<vmem>>
    %dma_wait3A_119 = arith.constant 0 : i32
    %dma_wait3A_120 = tpu.memref_slice %arg17[%dma_wait3A_113, %dma_wait3A_119] : memref<79x128xi32, #tpu.memory_space<vmem>> -> memref<1x128xi32, #tpu.memory_space<vmem>>
    %dma_wait3A_121 = tpu.memref_squeeze %dma_wait3A_120 : memref<1x128xi32, #tpu.memory_space<vmem>> -> memref<128xi32, #tpu.memory_space<vmem>>
    %dma_wait3A_122 = arith.constant 0 : i32
    %dma_wait3A_123 = arith.constant 0 : i32
    %dma_wait3A_124 = tpu.memref_slice %arg19[%dma_wait3A_122, %dma_wait3A_123] : memref<10000x16xf32, #tpu.memory_space<vmem_shared>> -> memref<10000x16xf32, #tpu.memory_space<vmem_shared>>
    %dma_wait3A_125 = tpu.memref_slice %arg21[%dma_wait3A_114] : memref<8x!tpu.dma_semaphore, #tpu.memory_space<semaphore_mem>> -> memref<1x!tpu.dma_semaphore, #tpu.memory_space<semaphore_mem>>
    %dma_wait3A_126 = tpu.memref_squeeze %dma_wait3A_125 : memref<1x!tpu.dma_semaphore, #tpu.memory_space<semaphore_mem>> -> memref<!tpu.dma_semaphore, #tpu.memory_space<semaphore_mem>>
    tpu.wait_indirect_dma semaphore(%dma_wait3A_126 : memref<!tpu.dma_semaphore, #tpu.memory_space<semaphore_mem>>) src(%dma_wait3A_118 : memref<128x16xf32, #tpu.memory_space<vmem>>) dst(%dma_wait3A_124 : memref<10000x16xf32, #tpu.memory_space<vmem_shared>>)
    %dma_wait3A_127 = arith.constant 4 : i32
    %dma_wait3A_128 = arith.constant 76 : i32
    %dma_wait3A_129 = arith.constant 4 : i32
    %dma_wait3A_130 = arith.constant 0 : i32
    %dma_wait3A_131 = arith.constant 0 : i32
    %dma_wait3A_132 = tpu.memref_slice %arg18[%dma_wait3A_127, %dma_wait3A_130, %dma_wait3A_131] : memref<8x128x16xf32, #tpu.memory_space<vmem>> -> memref<1x128x16xf32, #tpu.memory_space<vmem>>
    %dma_wait3A_133 = tpu.memref_squeeze %dma_wait3A_132 : memref<1x128x16xf32, #tpu.memory_space<vmem>> -> memref<128x16xf32, #tpu.memory_space<vmem>>
    %dma_wait3A_134 = arith.constant 0 : i32
    %dma_wait3A_135 = tpu.memref_slice %arg17[%dma_wait3A_128, %dma_wait3A_134] : memref<79x128xi32, #tpu.memory_space<vmem>> -> memref<1x128xi32, #tpu.memory_space<vmem>>
    %dma_wait3A_136 = tpu.memref_squeeze %dma_wait3A_135 : memref<1x128xi32, #tpu.memory_space<vmem>> -> memref<128xi32, #tpu.memory_space<vmem>>
    %dma_wait3A_137 = arith.constant 0 : i32
    %dma_wait3A_138 = arith.constant 0 : i32
    %dma_wait3A_139 = tpu.memref_slice %arg19[%dma_wait3A_137, %dma_wait3A_138] : memref<10000x16xf32, #tpu.memory_space<vmem_shared>> -> memref<10000x16xf32, #tpu.memory_space<vmem_shared>>
    %dma_wait3A_140 = tpu.memref_slice %arg21[%dma_wait3A_129] : memref<8x!tpu.dma_semaphore, #tpu.memory_space<semaphore_mem>> -> memref<1x!tpu.dma_semaphore, #tpu.memory_space<semaphore_mem>>
    %dma_wait3A_141 = tpu.memref_squeeze %dma_wait3A_140 : memref<1x!tpu.dma_semaphore, #tpu.memory_space<semaphore_mem>> -> memref<!tpu.dma_semaphore, #tpu.memory_space<semaphore_mem>>
    tpu.wait_indirect_dma semaphore(%dma_wait3A_141 : memref<!tpu.dma_semaphore, #tpu.memory_space<semaphore_mem>>) src(%dma_wait3A_133 : memref<128x16xf32, #tpu.memory_space<vmem>>) dst(%dma_wait3A_139 : memref<10000x16xf32, #tpu.memory_space<vmem_shared>>)
    %dma_wait3A_142 = arith.constant 5 : i32
    %dma_wait3A_143 = arith.constant 77 : i32
    %dma_wait3A_144 = arith.constant 5 : i32
    %dma_wait3A_145 = arith.constant 0 : i32
    %dma_wait3A_146 = arith.constant 0 : i32
    %dma_wait3A_147 = tpu.memref_slice %arg18[%dma_wait3A_142, %dma_wait3A_145, %dma_wait3A_146] : memref<8x128x16xf32, #tpu.memory_space<vmem>> -> memref<1x128x16xf32, #tpu.memory_space<vmem>>
    %dma_wait3A_148 = tpu.memref_squeeze %dma_wait3A_147 : memref<1x128x16xf32, #tpu.memory_space<vmem>> -> memref<128x16xf32, #tpu.memory_space<vmem>>
    %dma_wait3A_149 = arith.constant 0 : i32
    %dma_wait3A_150 = tpu.memref_slice %arg17[%dma_wait3A_143, %dma_wait3A_149] : memref<79x128xi32, #tpu.memory_space<vmem>> -> memref<1x128xi32, #tpu.memory_space<vmem>>
    %dma_wait3A_151 = tpu.memref_squeeze %dma_wait3A_150 : memref<1x128xi32, #tpu.memory_space<vmem>> -> memref<128xi32, #tpu.memory_space<vmem>>
    %dma_wait3A_152 = arith.constant 0 : i32
    %dma_wait3A_153 = arith.constant 0 : i32
    %dma_wait3A_154 = tpu.memref_slice %arg19[%dma_wait3A_152, %dma_wait3A_153] : memref<10000x16xf32, #tpu.memory_space<vmem_shared>> -> memref<10000x16xf32, #tpu.memory_space<vmem_shared>>
    %dma_wait3A_155 = tpu.memref_slice %arg21[%dma_wait3A_144] : memref<8x!tpu.dma_semaphore, #tpu.memory_space<semaphore_mem>> -> memref<1x!tpu.dma_semaphore, #tpu.memory_space<semaphore_mem>>
    %dma_wait3A_156 = tpu.memref_squeeze %dma_wait3A_155 : memref<1x!tpu.dma_semaphore, #tpu.memory_space<semaphore_mem>> -> memref<!tpu.dma_semaphore, #tpu.memory_space<semaphore_mem>>
    tpu.wait_indirect_dma semaphore(%dma_wait3A_156 : memref<!tpu.dma_semaphore, #tpu.memory_space<semaphore_mem>>) src(%dma_wait3A_148 : memref<128x16xf32, #tpu.memory_space<vmem>>) dst(%dma_wait3A_154 : memref<10000x16xf32, #tpu.memory_space<vmem_shared>>)
    %lt3A_157 = arith.constant 4 : i32
    %lt3A_158 = arith.cmpi slt, %add3A, %lt3A_157 : i32
    %convert_element_type3A_159 = arith.extui %lt3A_158 : i1 to i32
    %cond3A_160 = arith.constant 0 : i32
    %cond3A_161 = arith.cmpi ne, %convert_element_type3A_159, %cond3A_160 : i32
    scf.if %cond3A_161 {
      %dma_start3A_163 = arith.constant 78 : i32
      %dma_start3A_164 = arith.constant 0 : i32
      %dma_start3A_165 = arith.constant 0 : i32
      %dma_start3A_166 = arith.constant 0 : i32
      %dma_start3A_167 = arith.constant 0 : i32
      %dma_start3A_168 = tpu.memref_slice %arg18[%dma_start3A_164, %dma_start3A_166, %dma_start3A_167] : memref<8x128x16xf32, #tpu.memory_space<vmem>> -> memref<1x128x16xf32, #tpu.memory_space<vmem>>
      %dma_start3A_169 = tpu.memref_squeeze %dma_start3A_168 : memref<1x128x16xf32, #tpu.memory_space<vmem>> -> memref<128x16xf32, #tpu.memory_space<vmem>>
      %dma_start3A_170 = arith.constant 0 : i32
      %dma_start3A_171 = tpu.memref_slice %arg16[%dma_start3A_163, %dma_start3A_170] : memref<79x128xi32, #tpu.memory_space<vmem>> -> memref<1x128xi32, #tpu.memory_space<vmem>>
      %dma_start3A_172 = tpu.memref_squeeze %dma_start3A_171 : memref<1x128xi32, #tpu.memory_space<vmem>> -> memref<128xi32, #tpu.memory_space<vmem>>
      %dma_start3A_173 = arith.constant 0 : i32
      %dma_start3A_174 = arith.constant 0 : i32
      %dma_start3A_175 = tpu.memref_slice %arg9[%arg0, %dma_start3A_173, %dma_start3A_174] : memref<2x10000x16xf32, #tpu.memory_space<hbm>> -> memref<1x10000x16xf32, #tpu.memory_space<hbm>>
      %dma_start3A_176 = tpu.memref_squeeze %dma_start3A_175 : memref<1x10000x16xf32, #tpu.memory_space<hbm>> -> memref<10000x16xf32, #tpu.memory_space<hbm>>
      %dma_start3A_177 = arith.constant 0 : i32
      %dma_start3A_178 = arith.constant 0 : i32
      %dma_start3A_179 = tpu.memref_slice %dma_start3A_176[%dma_start3A_177, %dma_start3A_178] : memref<10000x16xf32, #tpu.memory_space<hbm>> -> memref<10000x16xf32, #tpu.memory_space<hbm>>
      %dma_start3A_180 = tpu.memref_slice %arg20[%dma_start3A_165] : memref<8x!tpu.dma_semaphore, #tpu.memory_space<semaphore_mem>> -> memref<1x!tpu.dma_semaphore, #tpu.memory_space<semaphore_mem>>
      %dma_start3A_181 = tpu.memref_squeeze %dma_start3A_180 : memref<1x!tpu.dma_semaphore, #tpu.memory_space<semaphore_mem>> -> memref<!tpu.dma_semaphore, #tpu.memory_space<semaphore_mem>>
      tpu.enqueue_indirect_dma source(%dma_start3A_179 : memref<10000x16xf32, #tpu.memory_space<hbm>>) target(%dma_start3A_169 : memref<128x16xf32, #tpu.memory_space<vmem>>) offsets(%dma_start3A_172 : memref<128xi32, #tpu.memory_space<vmem>>) semaphore(%dma_start3A_181 : memref<!tpu.dma_semaphore, #tpu.memory_space<semaphore_mem>>)
      %dma_wait3A_182 = arith.constant 78 : i32
      %dma_wait3A_183 = arith.constant 0 : i32
      %dma_wait3A_184 = arith.constant 0 : i32
      %dma_wait3A_185 = arith.constant 0 : i32
      %dma_wait3A_186 = arith.constant 0 : i32
      %dma_wait3A_187 = tpu.memref_slice %arg18[%dma_wait3A_183, %dma_wait3A_185, %dma_wait3A_186] : memref<8x128x16xf32, #tpu.memory_space<vmem>> -> memref<1x128x16xf32, #tpu.memory_space<vmem>>
      %dma_wait3A_188 = tpu.memref_squeeze %dma_wait3A_187 : memref<1x128x16xf32, #tpu.memory_space<vmem>> -> memref<128x16xf32, #tpu.memory_space<vmem>>
      %dma_wait3A_189 = arith.constant 0 : i32
      %dma_wait3A_190 = tpu.memref_slice %arg16[%dma_wait3A_182, %dma_wait3A_189] : memref<79x128xi32, #tpu.memory_space<vmem>> -> memref<1x128xi32, #tpu.memory_space<vmem>>
      %dma_wait3A_191 = tpu.memref_squeeze %dma_wait3A_190 : memref<1x128xi32, #tpu.memory_space<vmem>> -> memref<128xi32, #tpu.memory_space<vmem>>
      %dma_wait3A_192 = arith.constant 0 : i32
      %dma_wait3A_193 = arith.constant 0 : i32
      %dma_wait3A_194 = tpu.memref_slice %arg9[%arg0, %dma_wait3A_192, %dma_wait3A_193] : memref<2x10000x16xf32, #tpu.memory_space<hbm>> -> memref<1x10000x16xf32, #tpu.memory_space<hbm>>
      %dma_wait3A_195 = tpu.memref_squeeze %dma_wait3A_194 : memref<1x10000x16xf32, #tpu.memory_space<hbm>> -> memref<10000x16xf32, #tpu.memory_space<hbm>>
      %dma_wait3A_196 = arith.constant 0 : i32
      %dma_wait3A_197 = arith.constant 0 : i32
      %dma_wait3A_198 = tpu.memref_slice %dma_wait3A_195[%dma_wait3A_196, %dma_wait3A_197] : memref<10000x16xf32, #tpu.memory_space<hbm>> -> memref<10000x16xf32, #tpu.memory_space<hbm>>
      %dma_wait3A_199 = tpu.memref_slice %arg20[%dma_wait3A_184] : memref<8x!tpu.dma_semaphore, #tpu.memory_space<semaphore_mem>> -> memref<1x!tpu.dma_semaphore, #tpu.memory_space<semaphore_mem>>
      %dma_wait3A_200 = tpu.memref_squeeze %dma_wait3A_199 : memref<1x!tpu.dma_semaphore, #tpu.memory_space<semaphore_mem>> -> memref<!tpu.dma_semaphore, #tpu.memory_space<semaphore_mem>>
      tpu.wait_indirect_dma semaphore(%dma_wait3A_200 : memref<!tpu.dma_semaphore, #tpu.memory_space<semaphore_mem>>) src(%dma_wait3A_198 : memref<10000x16xf32, #tpu.memory_space<hbm>>) dst(%dma_wait3A_188 : memref<128x16xf32, #tpu.memory_space<vmem>>)
      %run_scoped3A_201 = arith.constant 0 : i32
      %run_scoped3A_202 = arith.constant 78 : i32
      "tpu.region"() ({
        %run_scoped3A_203 = tpu.sem_alloc : memref<!tpu.dma_semaphore, #tpu.memory_space<semaphore_mem>>
        %dma_start3A_204 = arith.constant 0 : i32
        %dma_start3A_205 = arith.constant 0 : i32
        %dma_start3A_206 = tpu.memref_slice %arg18[%run_scoped3A_201, %dma_start3A_204, %dma_start3A_205] : memref<8x128x16xf32, #tpu.memory_space<vmem>> -> memref<1x128x16xf32, #tpu.memory_space<vmem>>
        %dma_start3A_207 = tpu.memref_squeeze %dma_start3A_206 : memref<1x128x16xf32, #tpu.memory_space<vmem>> -> memref<128x16xf32, #tpu.memory_space<vmem>>
        %dma_start3A_208 = arith.constant 0 : i32
        %dma_start3A_209 = tpu.memref_slice %arg17[%run_scoped3A_202, %dma_start3A_208] : memref<79x128xi32, #tpu.memory_space<vmem>> -> memref<1x128xi32, #tpu.memory_space<vmem>>
        %dma_start3A_210 = tpu.memref_squeeze %dma_start3A_209 : memref<1x128xi32, #tpu.memory_space<vmem>> -> memref<128xi32, #tpu.memory_space<vmem>>
        %dma_start3A_211 = arith.constant 0 : i32
        %dma_start3A_212 = arith.constant 0 : i32
        %dma_start3A_213 = tpu.memref_slice %arg19[%dma_start3A_211, %dma_start3A_212] : memref<10000x16xf32, #tpu.memory_space<vmem_shared>> -> memref<10000x16xf32, #tpu.memory_space<vmem_shared>>
        tpu.enqueue_indirect_dma source(%dma_start3A_207 : memref<128x16xf32, #tpu.memory_space<vmem>>) target(%dma_start3A_213 : memref<10000x16xf32, #tpu.memory_space<vmem_shared>>) offsets(%dma_start3A_210 : memref<128xi32, #tpu.memory_space<vmem>>) semaphore(%run_scoped3A_203 : memref<!tpu.dma_semaphore, #tpu.memory_space<semaphore_mem>>) {add = true}
        %dma_wait3A_214 = arith.constant 0 : i32
        %dma_wait3A_215 = arith.constant 0 : i32
        %dma_wait3A_216 = tpu.memref_slice %arg18[%run_scoped3A_201, %dma_wait3A_214, %dma_wait3A_215] : memref<8x128x16xf32, #tpu.memory_space<vmem>> -> memref<1x128x16xf32, #tpu.memory_space<vmem>>
        %dma_wait3A_217 = tpu.memref_squeeze %dma_wait3A_216 : memref<1x128x16xf32, #tpu.memory_space<vmem>> -> memref<128x16xf32, #tpu.memory_space<vmem>>
        %dma_wait3A_218 = arith.constant 0 : i32
        %dma_wait3A_219 = tpu.memref_slice %arg17[%run_scoped3A_202, %dma_wait3A_218] : memref<79x128xi32, #tpu.memory_space<vmem>> -> memref<1x128xi32, #tpu.memory_space<vmem>>
        %dma_wait3A_220 = tpu.memref_squeeze %dma_wait3A_219 : memref<1x128xi32, #tpu.memory_space<vmem>> -> memref<128xi32, #tpu.memory_space<vmem>>
        %dma_wait3A_221 = arith.constant 0 : i32
        %dma_wait3A_222 = arith.constant 0 : i32
        %dma_wait3A_223 = tpu.memref_slice %arg19[%dma_wait3A_221, %dma_wait3A_222] : memref<10000x16xf32, #tpu.memory_space<vmem_shared>> -> memref<10000x16xf32, #tpu.memory_space<vmem_shared>>
        tpu.wait_indirect_dma semaphore(%run_scoped3A_203 : memref<!tpu.dma_semaphore, #tpu.memory_space<semaphore_mem>>) src(%dma_wait3A_217 : memref<128x16xf32, #tpu.memory_space<vmem>>) dst(%dma_wait3A_223 : memref<10000x16xf32, #tpu.memory_space<vmem_shared>>)
        tpu.yield
      }) : () -> ()
    } else {
    }
    %barrier3A_162 = arith.constant 0 : index
    tpu.barrier barrier_id(%barrier3A_162)
    "tpu.region"() ({
      %run_scoped3A_163 = tpu.sem_alloc : memref<!tpu.dma_semaphore, #tpu.memory_space<semaphore_mem>>
      %dma_start3A_164 = arith.constant 0 : i32
      %dma_start3A_165 = tpu.memref_slice %arg10[%arg0, %mul3A_2, %dma_start3A_164] : memref<2x10000x16xf32, #tpu.memory_space<hbm>> -> memref<1x625x16xf32, #tpu.memory_space<hbm>>
      %dma_start3A_166 = tpu.memref_squeeze %dma_start3A_165 : memref<1x625x16xf32, #tpu.memory_space<hbm>> -> memref<625x16xf32, #tpu.memory_space<hbm>>
      %dma_start3A_167 = arith.constant 0 : i32
      %dma_start3A_168 = tpu.memref_slice %arg19[%mul3A_2, %dma_start3A_167] : memref<10000x16xf32, #tpu.memory_space<vmem_shared>> -> memref<625x16xf32, #tpu.memory_space<vmem_shared>>
      tpu.enqueue_dma source(%dma_start3A_168 : memref<625x16xf32, #tpu.memory_space<vmem_shared>>) target(%dma_start3A_166 : memref<625x16xf32, #tpu.memory_space<hbm>>) target_semaphore(%run_scoped3A_163 : memref<!tpu.dma_semaphore, #tpu.memory_space<semaphore_mem>>)
      %dma_wait3A_169 = arith.constant 0 : i32
      %dma_wait3A_170 = tpu.memref_slice %arg10[%arg0, %mul3A_2, %dma_wait3A_169] : memref<2x10000x16xf32, #tpu.memory_space<hbm>> -> memref<1x625x16xf32, #tpu.memory_space<hbm>>
      %dma_wait3A_171 = tpu.memref_squeeze %dma_wait3A_170 : memref<1x625x16xf32, #tpu.memory_space<hbm>> -> memref<625x16xf32, #tpu.memory_space<hbm>>
      %dma_wait3A_172 = arith.constant 0 : i32
      %dma_wait3A_173 = tpu.memref_slice %arg19[%mul3A_2, %dma_wait3A_172] : memref<10000x16xf32, #tpu.memory_space<vmem_shared>> -> memref<625x16xf32, #tpu.memory_space<vmem_shared>>
      tpu.wait_dma2 semaphore(%run_scoped3A_163 : memref<!tpu.dma_semaphore, #tpu.memory_space<semaphore_mem>>) src(%dma_wait3A_173 : memref<625x16xf32, #tpu.memory_space<vmem_shared>>) dst(%dma_wait3A_171 : memref<625x16xf32, #tpu.memory_space<hbm>>)
      tpu.yield
    }) : () -> ()
    return
  }
}

#map = affine_map<(d0, d1) -> (0, 0)>
#map1 = affine_map<(d0, d1) -> (0, 0, 0)>
module attributes {stable_mosaic.version = 14 : i64} {
  func.func @_sc_agg16(%arg0: i32, %arg1: i32, %arg2: memref<10000x16xf32, #tpu.memory_space<hbm>>, %arg3: memref<2500x128xi32, #tpu.memory_space<hbm>>, %arg4: memref<2500x128xi32, #tpu.memory_space<hbm>>, %arg5: memref<10000x16xf32, #tpu.memory_space<hbm>>, %arg6: memref<2x10000x16xf32, #tpu.memory_space<hbm>>, %arg7: memref<79x128xi32, #tpu.memory_space<vmem>>, %arg8: memref<79x128xi32, #tpu.memory_space<vmem>>, %arg9: memref<8x128x16xf32, #tpu.memory_space<vmem>>, %arg10: memref<10000x16xf32, #tpu.memory_space<vmem_shared>>, %arg11: memref<8x!tpu.dma_semaphore, #tpu.memory_space<semaphore_mem>>, %arg12: memref<8x!tpu.dma_semaphore, #tpu.memory_space<semaphore_mem>>) attributes {dimension_semantics = [#tpu.dimension_semantics<core_parallel>, #tpu.dimension_semantics<subcore_parallel>], iteration_bounds = array<i64: 2, 16>, scalar_prefetch = 0 : i64, scratch_operands = 6 : i64, tpu.core_type = #tpu.core_type<sc_vector_subcore>, window_params = [{transform_indices = #map}, {transform_indices = #map}, {transform_indices = #map}, {transform_indices = #map}, {transform_indices = #map1}]} {
    %mul3A = arith.constant 16 : i32
    %mul3A_0 = arith.muli %arg0, %mul3A : i32
    %add3A = arith.addi %mul3A_0, %arg1 : i32
    %mul3A_1 = arith.constant 625 : i32
    %mul3A_2 = arith.muli %arg1, %mul3A_1 : i32
    "tpu.region"() ({
      %run_scoped3A = tpu.sem_alloc : memref<!tpu.dma_semaphore, #tpu.memory_space<semaphore_mem>>
      %dma_start3A_138 = arith.constant 0 : i32
      %dma_start3A_139 = tpu.memref_slice %arg10[%mul3A_2, %dma_start3A_138] : memref<10000x16xf32, #tpu.memory_space<vmem_shared>> -> memref<625x16xf32, #tpu.memory_space<vmem_shared>>
      %dma_start3A_140 = arith.constant 0 : i32
      %dma_start3A_141 = tpu.memref_slice %arg5[%mul3A_2, %dma_start3A_140] : memref<10000x16xf32, #tpu.memory_space<hbm>> -> memref<625x16xf32, #tpu.memory_space<hbm>>
      tpu.enqueue_dma source(%dma_start3A_141 : memref<625x16xf32, #tpu.memory_space<hbm>>) target(%dma_start3A_139 : memref<625x16xf32, #tpu.memory_space<vmem_shared>>) target_semaphore(%run_scoped3A : memref<!tpu.dma_semaphore, #tpu.memory_space<semaphore_mem>>)
      %dma_wait3A_142 = arith.constant 0 : i32
      %dma_wait3A_143 = tpu.memref_slice %arg10[%mul3A_2, %dma_wait3A_142] : memref<10000x16xf32, #tpu.memory_space<vmem_shared>> -> memref<625x16xf32, #tpu.memory_space<vmem_shared>>
      %dma_wait3A_144 = arith.constant 0 : i32
      %dma_wait3A_145 = tpu.memref_slice %arg5[%mul3A_2, %dma_wait3A_144] : memref<10000x16xf32, #tpu.memory_space<hbm>> -> memref<625x16xf32, #tpu.memory_space<hbm>>
      tpu.wait_dma2 semaphore(%run_scoped3A : memref<!tpu.dma_semaphore, #tpu.memory_space<semaphore_mem>>) src(%dma_wait3A_145 : memref<625x16xf32, #tpu.memory_space<hbm>>) dst(%dma_wait3A_143 : memref<625x16xf32, #tpu.memory_space<vmem_shared>>)
      tpu.yield
    }) : () -> ()
    %mul3A_3 = arith.constant 78 : i32
    %mul3A_4 = arith.muli %add3A, %mul3A_3 : i32
    "tpu.region"() ({
      %run_scoped3A = tpu.sem_alloc : memref<!tpu.dma_semaphore, #tpu.memory_space<semaphore_mem>>
      %dma_start3A_138 = arith.constant 0 : i32
      %dma_start3A_139 = arith.constant 0 : i32
      %dma_start3A_140 = tpu.memref_slice %arg7[%dma_start3A_138, %dma_start3A_139] : memref<79x128xi32, #tpu.memory_space<vmem>> -> memref<78x128xi32, #tpu.memory_space<vmem>>
      %dma_start3A_141 = arith.constant 0 : i32
      %dma_start3A_142 = tpu.memref_slice %arg3[%mul3A_4, %dma_start3A_141] : memref<2500x128xi32, #tpu.memory_space<hbm>> -> memref<78x128xi32, #tpu.memory_space<hbm>>
      %dma_start3A_143 = arith.constant 0 : i32
      %dma_start3A_144 = arith.constant 0 : i32
      %dma_start3A_145 = tpu.memref_slice %arg7[%dma_start3A_143, %dma_start3A_144] : memref<79x128xi32, #tpu.memory_space<vmem>> -> memref<78x128xi32, #tpu.memory_space<vmem>>
      %dma_start3A_146 = arith.constant 0 : i32
      %dma_start3A_147 = tpu.memref_slice %arg3[%mul3A_4, %dma_start3A_146] : memref<2500x128xi32, #tpu.memory_space<hbm>> -> memref<78x128xi32, #tpu.memory_space<hbm>>
      tpu.enqueue_dma source(%dma_start3A_147 : memref<78x128xi32, #tpu.memory_space<hbm>>) target(%dma_start3A_145 : memref<78x128xi32, #tpu.memory_space<vmem>>) target_semaphore(%run_scoped3A : memref<!tpu.dma_semaphore, #tpu.memory_space<semaphore_mem>>)
      %dma_wait3A_148 = arith.constant 0 : i32
      %dma_wait3A_149 = arith.constant 0 : i32
      %dma_wait3A_150 = tpu.memref_slice %arg7[%dma_wait3A_148, %dma_wait3A_149] : memref<79x128xi32, #tpu.memory_space<vmem>> -> memref<78x128xi32, #tpu.memory_space<vmem>>
      %dma_wait3A_151 = arith.constant 0 : i32
      %dma_wait3A_152 = tpu.memref_slice %arg3[%mul3A_4, %dma_wait3A_151] : memref<2500x128xi32, #tpu.memory_space<hbm>> -> memref<78x128xi32, #tpu.memory_space<hbm>>
      %dma_wait3A_153 = arith.constant 0 : i32
      %dma_wait3A_154 = arith.constant 0 : i32
      %dma_wait3A_155 = tpu.memref_slice %arg7[%dma_wait3A_153, %dma_wait3A_154] : memref<79x128xi32, #tpu.memory_space<vmem>> -> memref<78x128xi32, #tpu.memory_space<vmem>>
      %dma_wait3A_156 = arith.constant 0 : i32
      %dma_wait3A_157 = tpu.memref_slice %arg3[%mul3A_4, %dma_wait3A_156] : memref<2500x128xi32, #tpu.memory_space<hbm>> -> memref<78x128xi32, #tpu.memory_space<hbm>>
      tpu.wait_dma2 semaphore(%run_scoped3A : memref<!tpu.dma_semaphore, #tpu.memory_space<semaphore_mem>>) src(%dma_wait3A_157 : memref<78x128xi32, #tpu.memory_space<hbm>>) dst(%dma_wait3A_155 : memref<78x128xi32, #tpu.memory_space<vmem>>)
      tpu.yield
    }) : () -> ()
    %mul3A_5 = arith.constant 78 : i32
    %mul3A_6 = arith.muli %add3A, %mul3A_5 : i32
    "tpu.region"() ({
      %run_scoped3A = tpu.sem_alloc : memref<!tpu.dma_semaphore, #tpu.memory_space<semaphore_mem>>
      %dma_start3A_138 = arith.constant 0 : i32
      %dma_start3A_139 = arith.constant 0 : i32
      %dma_start3A_140 = tpu.memref_slice %arg8[%dma_start3A_138, %dma_start3A_139] : memref<79x128xi32, #tpu.memory_space<vmem>> -> memref<78x128xi32, #tpu.memory_space<vmem>>
      %dma_start3A_141 = arith.constant 0 : i32
      %dma_start3A_142 = tpu.memref_slice %arg4[%mul3A_6, %dma_start3A_141] : memref<2500x128xi32, #tpu.memory_space<hbm>> -> memref<78x128xi32, #tpu.memory_space<hbm>>
      %dma_start3A_143 = arith.constant 0 : i32
      %dma_start3A_144 = arith.constant 0 : i32
      %dma_start3A_145 = tpu.memref_slice %arg8[%dma_start3A_143, %dma_start3A_144] : memref<79x128xi32, #tpu.memory_space<vmem>> -> memref<78x128xi32, #tpu.memory_space<vmem>>
      %dma_start3A_146 = arith.constant 0 : i32
      %dma_start3A_147 = tpu.memref_slice %arg4[%mul3A_6, %dma_start3A_146] : memref<2500x128xi32, #tpu.memory_space<hbm>> -> memref<78x128xi32, #tpu.memory_space<hbm>>
      tpu.enqueue_dma source(%dma_start3A_147 : memref<78x128xi32, #tpu.memory_space<hbm>>) target(%dma_start3A_145 : memref<78x128xi32, #tpu.memory_space<vmem>>) target_semaphore(%run_scoped3A : memref<!tpu.dma_semaphore, #tpu.memory_space<semaphore_mem>>)
      %dma_wait3A_148 = arith.constant 0 : i32
      %dma_wait3A_149 = arith.constant 0 : i32
      %dma_wait3A_150 = tpu.memref_slice %arg8[%dma_wait3A_148, %dma_wait3A_149] : memref<79x128xi32, #tpu.memory_space<vmem>> -> memref<78x128xi32, #tpu.memory_space<vmem>>
      %dma_wait3A_151 = arith.constant 0 : i32
      %dma_wait3A_152 = tpu.memref_slice %arg4[%mul3A_6, %dma_wait3A_151] : memref<2500x128xi32, #tpu.memory_space<hbm>> -> memref<78x128xi32, #tpu.memory_space<hbm>>
      %dma_wait3A_153 = arith.constant 0 : i32
      %dma_wait3A_154 = arith.constant 0 : i32
      %dma_wait3A_155 = tpu.memref_slice %arg8[%dma_wait3A_153, %dma_wait3A_154] : memref<79x128xi32, #tpu.memory_space<vmem>> -> memref<78x128xi32, #tpu.memory_space<vmem>>
      %dma_wait3A_156 = arith.constant 0 : i32
      %dma_wait3A_157 = tpu.memref_slice %arg4[%mul3A_6, %dma_wait3A_156] : memref<2500x128xi32, #tpu.memory_space<hbm>> -> memref<78x128xi32, #tpu.memory_space<hbm>>
      tpu.wait_dma2 semaphore(%run_scoped3A : memref<!tpu.dma_semaphore, #tpu.memory_space<semaphore_mem>>) src(%dma_wait3A_157 : memref<78x128xi32, #tpu.memory_space<hbm>>) dst(%dma_wait3A_155 : memref<78x128xi32, #tpu.memory_space<vmem>>)
      tpu.yield
    }) : () -> ()
    %lt3A = arith.constant 4 : i32
    %lt3A_7 = arith.cmpi slt, %add3A, %lt3A : i32
    %convert_element_type3A = arith.extui %lt3A_7 : i1 to i32
    %cond3A = arith.constant 0 : i32
    %cond3A_8 = arith.cmpi ne, %convert_element_type3A, %cond3A : i32
    scf.if %cond3A_8 {
      %add3A_138 = arith.constant 2496 : i32
      %add3A_139 = arith.addi %add3A_138, %add3A : i32
      "tpu.region"() ({
        %run_scoped3A = tpu.sem_alloc : memref<!tpu.dma_semaphore, #tpu.memory_space<semaphore_mem>>
        %dma_start3A_142 = arith.constant 78 : i32
        %dma_start3A_143 = arith.constant 0 : i32
        %dma_start3A_144 = tpu.memref_slice %arg7[%dma_start3A_142, %dma_start3A_143] : memref<79x128xi32, #tpu.memory_space<vmem>> -> memref<1x128xi32, #tpu.memory_space<vmem>>
        %dma_start3A_145 = arith.constant 0 : i32
        %dma_start3A_146 = tpu.memref_slice %arg3[%add3A_139, %dma_start3A_145] : memref<2500x128xi32, #tpu.memory_space<hbm>> -> memref<1x128xi32, #tpu.memory_space<hbm>>
        %dma_start3A_147 = arith.constant 78 : i32
        %dma_start3A_148 = arith.constant 0 : i32
        %dma_start3A_149 = tpu.memref_slice %arg7[%dma_start3A_147, %dma_start3A_148] : memref<79x128xi32, #tpu.memory_space<vmem>> -> memref<1x128xi32, #tpu.memory_space<vmem>>
        %dma_start3A_150 = arith.constant 0 : i32
        %dma_start3A_151 = tpu.memref_slice %arg3[%add3A_139, %dma_start3A_150] : memref<2500x128xi32, #tpu.memory_space<hbm>> -> memref<1x128xi32, #tpu.memory_space<hbm>>
        tpu.enqueue_dma source(%dma_start3A_151 : memref<1x128xi32, #tpu.memory_space<hbm>>) target(%dma_start3A_149 : memref<1x128xi32, #tpu.memory_space<vmem>>) target_semaphore(%run_scoped3A : memref<!tpu.dma_semaphore, #tpu.memory_space<semaphore_mem>>)
        %dma_wait3A_152 = arith.constant 78 : i32
        %dma_wait3A_153 = arith.constant 0 : i32
        %dma_wait3A_154 = tpu.memref_slice %arg7[%dma_wait3A_152, %dma_wait3A_153] : memref<79x128xi32, #tpu.memory_space<vmem>> -> memref<1x128xi32, #tpu.memory_space<vmem>>
        %dma_wait3A_155 = arith.constant 0 : i32
        %dma_wait3A_156 = tpu.memref_slice %arg3[%add3A_139, %dma_wait3A_155] : memref<2500x128xi32, #tpu.memory_space<hbm>> -> memref<1x128xi32, #tpu.memory_space<hbm>>
        %dma_wait3A_157 = arith.constant 78 : i32
        %dma_wait3A_158 = arith.constant 0 : i32
        %dma_wait3A_159 = tpu.memref_slice %arg7[%dma_wait3A_157, %dma_wait3A_158] : memref<79x128xi32, #tpu.memory_space<vmem>> -> memref<1x128xi32, #tpu.memory_space<vmem>>
        %dma_wait3A_160 = arith.constant 0 : i32
        %dma_wait3A_161 = tpu.memref_slice %arg3[%add3A_139, %dma_wait3A_160] : memref<2500x128xi32, #tpu.memory_space<hbm>> -> memref<1x128xi32, #tpu.memory_space<hbm>>
        tpu.wait_dma2 semaphore(%run_scoped3A : memref<!tpu.dma_semaphore, #tpu.memory_space<semaphore_mem>>) src(%dma_wait3A_161 : memref<1x128xi32, #tpu.memory_space<hbm>>) dst(%dma_wait3A_159 : memref<1x128xi32, #tpu.memory_space<vmem>>)
        tpu.yield
      }) : () -> ()
      %add3A_140 = arith.constant 2496 : i32
      %add3A_141 = arith.addi %add3A_140, %add3A : i32
      "tpu.region"() ({
        %run_scoped3A = tpu.sem_alloc : memref<!tpu.dma_semaphore, #tpu.memory_space<semaphore_mem>>
        %dma_start3A_142 = arith.constant 78 : i32
        %dma_start3A_143 = arith.constant 0 : i32
        %dma_start3A_144 = tpu.memref_slice %arg8[%dma_start3A_142, %dma_start3A_143] : memref<79x128xi32, #tpu.memory_space<vmem>> -> memref<1x128xi32, #tpu.memory_space<vmem>>
        %dma_start3A_145 = arith.constant 0 : i32
        %dma_start3A_146 = tpu.memref_slice %arg4[%add3A_141, %dma_start3A_145] : memref<2500x128xi32, #tpu.memory_space<hbm>> -> memref<1x128xi32, #tpu.memory_space<hbm>>
        %dma_start3A_147 = arith.constant 78 : i32
        %dma_start3A_148 = arith.constant 0 : i32
        %dma_start3A_149 = tpu.memref_slice %arg8[%dma_start3A_147, %dma_start3A_148] : memref<79x128xi32, #tpu.memory_space<vmem>> -> memref<1x128xi32, #tpu.memory_space<vmem>>
        %dma_start3A_150 = arith.constant 0 : i32
        %dma_start3A_151 = tpu.memref_slice %arg4[%add3A_141, %dma_start3A_150] : memref<2500x128xi32, #tpu.memory_space<hbm>> -> memref<1x128xi32, #tpu.memory_space<hbm>>
        tpu.enqueue_dma source(%dma_start3A_151 : memref<1x128xi32, #tpu.memory_space<hbm>>) target(%dma_start3A_149 : memref<1x128xi32, #tpu.memory_space<vmem>>) target_semaphore(%run_scoped3A : memref<!tpu.dma_semaphore, #tpu.memory_space<semaphore_mem>>)
        %dma_wait3A_152 = arith.constant 78 : i32
        %dma_wait3A_153 = arith.constant 0 : i32
        %dma_wait3A_154 = tpu.memref_slice %arg8[%dma_wait3A_152, %dma_wait3A_153] : memref<79x128xi32, #tpu.memory_space<vmem>> -> memref<1x128xi32, #tpu.memory_space<vmem>>
        %dma_wait3A_155 = arith.constant 0 : i32
        %dma_wait3A_156 = tpu.memref_slice %arg4[%add3A_141, %dma_wait3A_155] : memref<2500x128xi32, #tpu.memory_space<hbm>> -> memref<1x128xi32, #tpu.memory_space<hbm>>
        %dma_wait3A_157 = arith.constant 78 : i32
        %dma_wait3A_158 = arith.constant 0 : i32
        %dma_wait3A_159 = tpu.memref_slice %arg8[%dma_wait3A_157, %dma_wait3A_158] : memref<79x128xi32, #tpu.memory_space<vmem>> -> memref<1x128xi32, #tpu.memory_space<vmem>>
        %dma_wait3A_160 = arith.constant 0 : i32
        %dma_wait3A_161 = tpu.memref_slice %arg4[%add3A_141, %dma_wait3A_160] : memref<2500x128xi32, #tpu.memory_space<hbm>> -> memref<1x128xi32, #tpu.memory_space<hbm>>
        tpu.wait_dma2 semaphore(%run_scoped3A : memref<!tpu.dma_semaphore, #tpu.memory_space<semaphore_mem>>) src(%dma_wait3A_161 : memref<1x128xi32, #tpu.memory_space<hbm>>) dst(%dma_wait3A_159 : memref<1x128xi32, #tpu.memory_space<vmem>>)
        tpu.yield
      }) : () -> ()
    } else {
    }
    %barrier3A = arith.constant 0 : index
    tpu.barrier barrier_id(%barrier3A)
    %dma_start3A = arith.constant 0 : i32
    %dma_start3A_9 = arith.constant 0 : i32
    %dma_start3A_10 = arith.constant 0 : i32
    %dma_start3A_11 = arith.constant 0 : i32
    %dma_start3A_12 = arith.constant 0 : i32
    %dma_start3A_13 = tpu.memref_slice %arg9[%dma_start3A_9, %dma_start3A_11, %dma_start3A_12] : memref<8x128x16xf32, #tpu.memory_space<vmem>> -> memref<1x128x16xf32, #tpu.memory_space<vmem>>
    %dma_start3A_14 = tpu.memref_squeeze %dma_start3A_13 : memref<1x128x16xf32, #tpu.memory_space<vmem>> -> memref<128x16xf32, #tpu.memory_space<vmem>>
    %dma_start3A_15 = arith.constant 0 : i32
    %dma_start3A_16 = tpu.memref_slice %arg7[%dma_start3A, %dma_start3A_15] : memref<79x128xi32, #tpu.memory_space<vmem>> -> memref<1x128xi32, #tpu.memory_space<vmem>>
    %dma_start3A_17 = tpu.memref_squeeze %dma_start3A_16 : memref<1x128xi32, #tpu.memory_space<vmem>> -> memref<128xi32, #tpu.memory_space<vmem>>
    %dma_start3A_18 = arith.constant 0 : i32
    %dma_start3A_19 = arith.constant 0 : i32
    %dma_start3A_20 = tpu.memref_slice %arg2[%dma_start3A_18, %dma_start3A_19] : memref<10000x16xf32, #tpu.memory_space<hbm>> -> memref<10000x16xf32, #tpu.memory_space<hbm>>
    %dma_start3A_21 = tpu.memref_slice %arg11[%dma_start3A_10] : memref<8x!tpu.dma_semaphore, #tpu.memory_space<semaphore_mem>> -> memref<1x!tpu.dma_semaphore, #tpu.memory_space<semaphore_mem>>
    %dma_start3A_22 = tpu.memref_squeeze %dma_start3A_21 : memref<1x!tpu.dma_semaphore, #tpu.memory_space<semaphore_mem>> -> memref<!tpu.dma_semaphore, #tpu.memory_space<semaphore_mem>>
    tpu.enqueue_indirect_dma source(%dma_start3A_20 : memref<10000x16xf32, #tpu.memory_space<hbm>>) target(%dma_start3A_14 : memref<128x16xf32, #tpu.memory_space<vmem>>) offsets(%dma_start3A_17 : memref<128xi32, #tpu.memory_space<vmem>>) semaphore(%dma_start3A_22 : memref<!tpu.dma_semaphore, #tpu.memory_space<semaphore_mem>>)
    %dma_start3A_23 = arith.constant 1 : i32
    %dma_start3A_24 = arith.constant 1 : i32
    %dma_start3A_25 = arith.constant 1 : i32
    %dma_start3A_26 = arith.constant 0 : i32
    %dma_start3A_27 = arith.constant 0 : i32
    %dma_start3A_28 = tpu.memref_slice %arg9[%dma_start3A_24, %dma_start3A_26, %dma_start3A_27] : memref<8x128x16xf32, #tpu.memory_space<vmem>> -> memref<1x128x16xf32, #tpu.memory_space<vmem>>
    %dma_start3A_29 = tpu.memref_squeeze %dma_start3A_28 : memref<1x128x16xf32, #tpu.memory_space<vmem>> -> memref<128x16xf32, #tpu.memory_space<vmem>>
    %dma_start3A_30 = arith.constant 0 : i32
    %dma_start3A_31 = tpu.memref_slice %arg7[%dma_start3A_23, %dma_start3A_30] : memref<79x128xi32, #tpu.memory_space<vmem>> -> memref<1x128xi32, #tpu.memory_space<vmem>>
    %dma_start3A_32 = tpu.memref_squeeze %dma_start3A_31 : memref<1x128xi32, #tpu.memory_space<vmem>> -> memref<128xi32, #tpu.memory_space<vmem>>
    %dma_start3A_33 = arith.constant 0 : i32
    %dma_start3A_34 = arith.constant 0 : i32
    %dma_start3A_35 = tpu.memref_slice %arg2[%dma_start3A_33, %dma_start3A_34] : memref<10000x16xf32, #tpu.memory_space<hbm>> -> memref<10000x16xf32, #tpu.memory_space<hbm>>
    %dma_start3A_36 = tpu.memref_slice %arg11[%dma_start3A_25] : memref<8x!tpu.dma_semaphore, #tpu.memory_space<semaphore_mem>> -> memref<1x!tpu.dma_semaphore, #tpu.memory_space<semaphore_mem>>
    %dma_start3A_37 = tpu.memref_squeeze %dma_start3A_36 : memref<1x!tpu.dma_semaphore, #tpu.memory_space<semaphore_mem>> -> memref<!tpu.dma_semaphore, #tpu.memory_space<semaphore_mem>>
    tpu.enqueue_indirect_dma source(%dma_start3A_35 : memref<10000x16xf32, #tpu.memory_space<hbm>>) target(%dma_start3A_29 : memref<128x16xf32, #tpu.memory_space<vmem>>) offsets(%dma_start3A_32 : memref<128xi32, #tpu.memory_space<vmem>>) semaphore(%dma_start3A_37 : memref<!tpu.dma_semaphore, #tpu.memory_space<semaphore_mem>>)
    %dma_start3A_38 = arith.constant 2 : i32
    %dma_start3A_39 = arith.constant 2 : i32
    %dma_start3A_40 = arith.constant 2 : i32
    %dma_start3A_41 = arith.constant 0 : i32
    %dma_start3A_42 = arith.constant 0 : i32
    %dma_start3A_43 = tpu.memref_slice %arg9[%dma_start3A_39, %dma_start3A_41, %dma_start3A_42] : memref<8x128x16xf32, #tpu.memory_space<vmem>> -> memref<1x128x16xf32, #tpu.memory_space<vmem>>
    %dma_start3A_44 = tpu.memref_squeeze %dma_start3A_43 : memref<1x128x16xf32, #tpu.memory_space<vmem>> -> memref<128x16xf32, #tpu.memory_space<vmem>>
    %dma_start3A_45 = arith.constant 0 : i32
    %dma_start3A_46 = tpu.memref_slice %arg7[%dma_start3A_38, %dma_start3A_45] : memref<79x128xi32, #tpu.memory_space<vmem>> -> memref<1x128xi32, #tpu.memory_space<vmem>>
    %dma_start3A_47 = tpu.memref_squeeze %dma_start3A_46 : memref<1x128xi32, #tpu.memory_space<vmem>> -> memref<128xi32, #tpu.memory_space<vmem>>
    %dma_start3A_48 = arith.constant 0 : i32
    %dma_start3A_49 = arith.constant 0 : i32
    %dma_start3A_50 = tpu.memref_slice %arg2[%dma_start3A_48, %dma_start3A_49] : memref<10000x16xf32, #tpu.memory_space<hbm>> -> memref<10000x16xf32, #tpu.memory_space<hbm>>
    %dma_start3A_51 = tpu.memref_slice %arg11[%dma_start3A_40] : memref<8x!tpu.dma_semaphore, #tpu.memory_space<semaphore_mem>> -> memref<1x!tpu.dma_semaphore, #tpu.memory_space<semaphore_mem>>
    %dma_start3A_52 = tpu.memref_squeeze %dma_start3A_51 : memref<1x!tpu.dma_semaphore, #tpu.memory_space<semaphore_mem>> -> memref<!tpu.dma_semaphore, #tpu.memory_space<semaphore_mem>>
    tpu.enqueue_indirect_dma source(%dma_start3A_50 : memref<10000x16xf32, #tpu.memory_space<hbm>>) target(%dma_start3A_44 : memref<128x16xf32, #tpu.memory_space<vmem>>) offsets(%dma_start3A_47 : memref<128xi32, #tpu.memory_space<vmem>>) semaphore(%dma_start3A_52 : memref<!tpu.dma_semaphore, #tpu.memory_space<semaphore_mem>>)
    %dma_start3A_53 = arith.constant 3 : i32
    %dma_start3A_54 = arith.constant 3 : i32
    %dma_start3A_55 = arith.constant 3 : i32
    %dma_start3A_56 = arith.constant 0 : i32
    %dma_start3A_57 = arith.constant 0 : i32
    %dma_start3A_58 = tpu.memref_slice %arg9[%dma_start3A_54, %dma_start3A_56, %dma_start3A_57] : memref<8x128x16xf32, #tpu.memory_space<vmem>> -> memref<1x128x16xf32, #tpu.memory_space<vmem>>
    %dma_start3A_59 = tpu.memref_squeeze %dma_start3A_58 : memref<1x128x16xf32, #tpu.memory_space<vmem>> -> memref<128x16xf32, #tpu.memory_space<vmem>>
    %dma_start3A_60 = arith.constant 0 : i32
    %dma_start3A_61 = tpu.memref_slice %arg7[%dma_start3A_53, %dma_start3A_60] : memref<79x128xi32, #tpu.memory_space<vmem>> -> memref<1x128xi32, #tpu.memory_space<vmem>>
    %dma_start3A_62 = tpu.memref_squeeze %dma_start3A_61 : memref<1x128xi32, #tpu.memory_space<vmem>> -> memref<128xi32, #tpu.memory_space<vmem>>
    %dma_start3A_63 = arith.constant 0 : i32
    %dma_start3A_64 = arith.constant 0 : i32
    %dma_start3A_65 = tpu.memref_slice %arg2[%dma_start3A_63, %dma_start3A_64] : memref<10000x16xf32, #tpu.memory_space<hbm>> -> memref<10000x16xf32, #tpu.memory_space<hbm>>
    %dma_start3A_66 = tpu.memref_slice %arg11[%dma_start3A_55] : memref<8x!tpu.dma_semaphore, #tpu.memory_space<semaphore_mem>> -> memref<1x!tpu.dma_semaphore, #tpu.memory_space<semaphore_mem>>
    %dma_start3A_67 = tpu.memref_squeeze %dma_start3A_66 : memref<1x!tpu.dma_semaphore, #tpu.memory_space<semaphore_mem>> -> memref<!tpu.dma_semaphore, #tpu.memory_space<semaphore_mem>>
    tpu.enqueue_indirect_dma source(%dma_start3A_65 : memref<10000x16xf32, #tpu.memory_space<hbm>>) target(%dma_start3A_59 : memref<128x16xf32, #tpu.memory_space<vmem>>) offsets(%dma_start3A_62 : memref<128xi32, #tpu.memory_space<vmem>>) semaphore(%dma_start3A_67 : memref<!tpu.dma_semaphore, #tpu.memory_space<semaphore_mem>>)
    %scan3A = arith.constant 0 : i32
    %scan3A_68 = arith.constant 0 : i32
    %scan3A_69 = arith.constant 78 : i32
    %scan3A_70 = arith.addi %scan3A_68, %scan3A_69 : i32
    %scan3A_71 = arith.constant 1 : i32
    scf.for %scan3A_138 = %scan3A_68 to %scan3A_70 step %scan3A_71  : i32 {
      %rem3A = arith.constant 8 : i32
      %rem3A_139 = arith.remsi %scan3A_138, %rem3A : i32
      %dma_wait3A_140 = arith.constant 0 : i32
      %dma_wait3A_141 = arith.constant 0 : i32
      %dma_wait3A_142 = tpu.memref_slice %arg9[%rem3A_139, %dma_wait3A_140, %dma_wait3A_141] : memref<8x128x16xf32, #tpu.memory_space<vmem>> -> memref<1x128x16xf32, #tpu.memory_space<vmem>>
      %dma_wait3A_143 = tpu.memref_squeeze %dma_wait3A_142 : memref<1x128x16xf32, #tpu.memory_space<vmem>> -> memref<128x16xf32, #tpu.memory_space<vmem>>
      %dma_wait3A_144 = arith.constant 0 : i32
      %dma_wait3A_145 = tpu.memref_slice %arg7[%scan3A_138, %dma_wait3A_144] : memref<79x128xi32, #tpu.memory_space<vmem>> -> memref<1x128xi32, #tpu.memory_space<vmem>>
      %dma_wait3A_146 = tpu.memref_squeeze %dma_wait3A_145 : memref<1x128xi32, #tpu.memory_space<vmem>> -> memref<128xi32, #tpu.memory_space<vmem>>
      %dma_wait3A_147 = arith.constant 0 : i32
      %dma_wait3A_148 = arith.constant 0 : i32
      %dma_wait3A_149 = tpu.memref_slice %arg2[%dma_wait3A_147, %dma_wait3A_148] : memref<10000x16xf32, #tpu.memory_space<hbm>> -> memref<10000x16xf32, #tpu.memory_space<hbm>>
      %dma_wait3A_150 = tpu.memref_slice %arg11[%rem3A_139] : memref<8x!tpu.dma_semaphore, #tpu.memory_space<semaphore_mem>> -> memref<1x!tpu.dma_semaphore, #tpu.memory_space<semaphore_mem>>
      %dma_wait3A_151 = tpu.memref_squeeze %dma_wait3A_150 : memref<1x!tpu.dma_semaphore, #tpu.memory_space<semaphore_mem>> -> memref<!tpu.dma_semaphore, #tpu.memory_space<semaphore_mem>>
      tpu.wait_indirect_dma semaphore(%dma_wait3A_151 : memref<!tpu.dma_semaphore, #tpu.memory_space<semaphore_mem>>) src(%dma_wait3A_149 : memref<10000x16xf32, #tpu.memory_space<hbm>>) dst(%dma_wait3A_143 : memref<128x16xf32, #tpu.memory_space<vmem>>)
      %dma_start3A_152 = arith.constant 0 : i32
      %dma_start3A_153 = arith.constant 0 : i32
      %dma_start3A_154 = tpu.memref_slice %arg9[%rem3A_139, %dma_start3A_152, %dma_start3A_153] : memref<8x128x16xf32, #tpu.memory_space<vmem>> -> memref<1x128x16xf32, #tpu.memory_space<vmem>>
      %dma_start3A_155 = tpu.memref_squeeze %dma_start3A_154 : memref<1x128x16xf32, #tpu.memory_space<vmem>> -> memref<128x16xf32, #tpu.memory_space<vmem>>
      %dma_start3A_156 = arith.constant 0 : i32
      %dma_start3A_157 = tpu.memref_slice %arg8[%scan3A_138, %dma_start3A_156] : memref<79x128xi32, #tpu.memory_space<vmem>> -> memref<1x128xi32, #tpu.memory_space<vmem>>
      %dma_start3A_158 = tpu.memref_squeeze %dma_start3A_157 : memref<1x128xi32, #tpu.memory_space<vmem>> -> memref<128xi32, #tpu.memory_space<vmem>>
      %dma_start3A_159 = arith.constant 0 : i32
      %dma_start3A_160 = arith.constant 0 : i32
      %dma_start3A_161 = tpu.memref_slice %arg10[%dma_start3A_159, %dma_start3A_160] : memref<10000x16xf32, #tpu.memory_space<vmem_shared>> -> memref<10000x16xf32, #tpu.memory_space<vmem_shared>>
      %dma_start3A_162 = tpu.memref_slice %arg12[%rem3A_139] : memref<8x!tpu.dma_semaphore, #tpu.memory_space<semaphore_mem>> -> memref<1x!tpu.dma_semaphore, #tpu.memory_space<semaphore_mem>>
      %dma_start3A_163 = tpu.memref_squeeze %dma_start3A_162 : memref<1x!tpu.dma_semaphore, #tpu.memory_space<semaphore_mem>> -> memref<!tpu.dma_semaphore, #tpu.memory_space<semaphore_mem>>
      tpu.enqueue_indirect_dma source(%dma_start3A_155 : memref<128x16xf32, #tpu.memory_space<vmem>>) target(%dma_start3A_161 : memref<10000x16xf32, #tpu.memory_space<vmem_shared>>) offsets(%dma_start3A_158 : memref<128xi32, #tpu.memory_space<vmem>>) semaphore(%dma_start3A_163 : memref<!tpu.dma_semaphore, #tpu.memory_space<semaphore_mem>>) {add = true}
      %ge3A = arith.constant 4 : i32
      %ge3A_164 = arith.cmpi sge, %scan3A_138, %ge3A : i32
      %convert_element_type3A_165 = arith.extui %ge3A_164 : i1 to i32
      %cond3A_166 = arith.constant 0 : i32
      %cond3A_167 = arith.cmpi ne, %convert_element_type3A_165, %cond3A_166 : i32
      scf.if %cond3A_167 {
        %sub3A = arith.constant 4 : i32
        %sub3A_175 = arith.subi %scan3A_138, %sub3A : i32
        %sub3A_176 = arith.constant 4 : i32
        %sub3A_177 = arith.subi %scan3A_138, %sub3A_176 : i32
        %rem3A_178 = arith.constant 8 : i32
        %rem3A_179 = arith.remsi %sub3A_177, %rem3A_178 : i32
        %dma_wait3A_180 = arith.constant 0 : i32
        %dma_wait3A_181 = arith.constant 0 : i32
        %dma_wait3A_182 = tpu.memref_slice %arg9[%rem3A_179, %dma_wait3A_180, %dma_wait3A_181] : memref<8x128x16xf32, #tpu.memory_space<vmem>> -> memref<1x128x16xf32, #tpu.memory_space<vmem>>
        %dma_wait3A_183 = tpu.memref_squeeze %dma_wait3A_182 : memref<1x128x16xf32, #tpu.memory_space<vmem>> -> memref<128x16xf32, #tpu.memory_space<vmem>>
        %dma_wait3A_184 = arith.constant 0 : i32
        %dma_wait3A_185 = tpu.memref_slice %arg8[%sub3A_175, %dma_wait3A_184] : memref<79x128xi32, #tpu.memory_space<vmem>> -> memref<1x128xi32, #tpu.memory_space<vmem>>
        %dma_wait3A_186 = tpu.memref_squeeze %dma_wait3A_185 : memref<1x128xi32, #tpu.memory_space<vmem>> -> memref<128xi32, #tpu.memory_space<vmem>>
        %dma_wait3A_187 = arith.constant 0 : i32
        %dma_wait3A_188 = arith.constant 0 : i32
        %dma_wait3A_189 = tpu.memref_slice %arg10[%dma_wait3A_187, %dma_wait3A_188] : memref<10000x16xf32, #tpu.memory_space<vmem_shared>> -> memref<10000x16xf32, #tpu.memory_space<vmem_shared>>
        %dma_wait3A_190 = tpu.memref_slice %arg12[%rem3A_179] : memref<8x!tpu.dma_semaphore, #tpu.memory_space<semaphore_mem>> -> memref<1x!tpu.dma_semaphore, #tpu.memory_space<semaphore_mem>>
        %dma_wait3A_191 = tpu.memref_squeeze %dma_wait3A_190 : memref<1x!tpu.dma_semaphore, #tpu.memory_space<semaphore_mem>> -> memref<!tpu.dma_semaphore, #tpu.memory_space<semaphore_mem>>
        tpu.wait_indirect_dma semaphore(%dma_wait3A_191 : memref<!tpu.dma_semaphore, #tpu.memory_space<semaphore_mem>>) src(%dma_wait3A_183 : memref<128x16xf32, #tpu.memory_space<vmem>>) dst(%dma_wait3A_189 : memref<10000x16xf32, #tpu.memory_space<vmem_shared>>)
      } else {
      }
      %add3A_168 = arith.constant 4 : i32
      %add3A_169 = arith.addi %scan3A_138, %add3A_168 : i32
      %lt3A_170 = arith.constant 78 : i32
      %lt3A_171 = arith.cmpi slt, %add3A_169, %lt3A_170 : i32
      %convert_element_type3A_172 = arith.extui %lt3A_171 : i1 to i32
      %cond3A_173 = arith.constant 0 : i32
      %cond3A_174 = arith.cmpi ne, %convert_element_type3A_172, %cond3A_173 : i32
      scf.if %cond3A_174 {
        %add3A_175 = arith.constant 4 : i32
        %add3A_176 = arith.addi %scan3A_138, %add3A_175 : i32
        %add3A_177 = arith.constant 4 : i32
        %add3A_178 = arith.addi %scan3A_138, %add3A_177 : i32
        %rem3A_179 = arith.constant 8 : i32
        %rem3A_180 = arith.remsi %add3A_178, %rem3A_179 : i32
        %dma_start3A_181 = arith.constant 0 : i32
        %dma_start3A_182 = arith.constant 0 : i32
        %dma_start3A_183 = tpu.memref_slice %arg9[%rem3A_180, %dma_start3A_181, %dma_start3A_182] : memref<8x128x16xf32, #tpu.memory_space<vmem>> -> memref<1x128x16xf32, #tpu.memory_space<vmem>>
        %dma_start3A_184 = tpu.memref_squeeze %dma_start3A_183 : memref<1x128x16xf32, #tpu.memory_space<vmem>> -> memref<128x16xf32, #tpu.memory_space<vmem>>
        %dma_start3A_185 = arith.constant 0 : i32
        %dma_start3A_186 = tpu.memref_slice %arg7[%add3A_176, %dma_start3A_185] : memref<79x128xi32, #tpu.memory_space<vmem>> -> memref<1x128xi32, #tpu.memory_space<vmem>>
        %dma_start3A_187 = tpu.memref_squeeze %dma_start3A_186 : memref<1x128xi32, #tpu.memory_space<vmem>> -> memref<128xi32, #tpu.memory_space<vmem>>
        %dma_start3A_188 = arith.constant 0 : i32
        %dma_start3A_189 = arith.constant 0 : i32
        %dma_start3A_190 = tpu.memref_slice %arg2[%dma_start3A_188, %dma_start3A_189] : memref<10000x16xf32, #tpu.memory_space<hbm>> -> memref<10000x16xf32, #tpu.memory_space<hbm>>
        %dma_start3A_191 = tpu.memref_slice %arg11[%rem3A_180] : memref<8x!tpu.dma_semaphore, #tpu.memory_space<semaphore_mem>> -> memref<1x!tpu.dma_semaphore, #tpu.memory_space<semaphore_mem>>
        %dma_start3A_192 = tpu.memref_squeeze %dma_start3A_191 : memref<1x!tpu.dma_semaphore, #tpu.memory_space<semaphore_mem>> -> memref<!tpu.dma_semaphore, #tpu.memory_space<semaphore_mem>>
        tpu.enqueue_indirect_dma source(%dma_start3A_190 : memref<10000x16xf32, #tpu.memory_space<hbm>>) target(%dma_start3A_184 : memref<128x16xf32, #tpu.memory_space<vmem>>) offsets(%dma_start3A_187 : memref<128xi32, #tpu.memory_space<vmem>>) semaphore(%dma_start3A_192 : memref<!tpu.dma_semaphore, #tpu.memory_space<semaphore_mem>>)
      } else {
      }
    }
    %scan3A_72 = arith.constant 78 : i32
    %dma_wait3A = arith.constant 2 : i32
    %dma_wait3A_73 = arith.constant 74 : i32
    %dma_wait3A_74 = arith.constant 2 : i32
    %dma_wait3A_75 = arith.constant 0 : i32
    %dma_wait3A_76 = arith.constant 0 : i32
    %dma_wait3A_77 = tpu.memref_slice %arg9[%dma_wait3A, %dma_wait3A_75, %dma_wait3A_76] : memref<8x128x16xf32, #tpu.memory_space<vmem>> -> memref<1x128x16xf32, #tpu.memory_space<vmem>>
    %dma_wait3A_78 = tpu.memref_squeeze %dma_wait3A_77 : memref<1x128x16xf32, #tpu.memory_space<vmem>> -> memref<128x16xf32, #tpu.memory_space<vmem>>
    %dma_wait3A_79 = arith.constant 0 : i32
    %dma_wait3A_80 = tpu.memref_slice %arg8[%dma_wait3A_73, %dma_wait3A_79] : memref<79x128xi32, #tpu.memory_space<vmem>> -> memref<1x128xi32, #tpu.memory_space<vmem>>
    %dma_wait3A_81 = tpu.memref_squeeze %dma_wait3A_80 : memref<1x128xi32, #tpu.memory_space<vmem>> -> memref<128xi32, #tpu.memory_space<vmem>>
    %dma_wait3A_82 = arith.constant 0 : i32
    %dma_wait3A_83 = arith.constant 0 : i32
    %dma_wait3A_84 = tpu.memref_slice %arg10[%dma_wait3A_82, %dma_wait3A_83] : memref<10000x16xf32, #tpu.memory_space<vmem_shared>> -> memref<10000x16xf32, #tpu.memory_space<vmem_shared>>
    %dma_wait3A_85 = tpu.memref_slice %arg12[%dma_wait3A_74] : memref<8x!tpu.dma_semaphore, #tpu.memory_space<semaphore_mem>> -> memref<1x!tpu.dma_semaphore, #tpu.memory_space<semaphore_mem>>
    %dma_wait3A_86 = tpu.memref_squeeze %dma_wait3A_85 : memref<1x!tpu.dma_semaphore, #tpu.memory_space<semaphore_mem>> -> memref<!tpu.dma_semaphore, #tpu.memory_space<semaphore_mem>>
    tpu.wait_indirect_dma semaphore(%dma_wait3A_86 : memref<!tpu.dma_semaphore, #tpu.memory_space<semaphore_mem>>) src(%dma_wait3A_78 : memref<128x16xf32, #tpu.memory_space<vmem>>) dst(%dma_wait3A_84 : memref<10000x16xf32, #tpu.memory_space<vmem_shared>>)
    %dma_wait3A_87 = arith.constant 3 : i32
    %dma_wait3A_88 = arith.constant 75 : i32
    %dma_wait3A_89 = arith.constant 3 : i32
    %dma_wait3A_90 = arith.constant 0 : i32
    %dma_wait3A_91 = arith.constant 0 : i32
    %dma_wait3A_92 = tpu.memref_slice %arg9[%dma_wait3A_87, %dma_wait3A_90, %dma_wait3A_91] : memref<8x128x16xf32, #tpu.memory_space<vmem>> -> memref<1x128x16xf32, #tpu.memory_space<vmem>>
    %dma_wait3A_93 = tpu.memref_squeeze %dma_wait3A_92 : memref<1x128x16xf32, #tpu.memory_space<vmem>> -> memref<128x16xf32, #tpu.memory_space<vmem>>
    %dma_wait3A_94 = arith.constant 0 : i32
    %dma_wait3A_95 = tpu.memref_slice %arg8[%dma_wait3A_88, %dma_wait3A_94] : memref<79x128xi32, #tpu.memory_space<vmem>> -> memref<1x128xi32, #tpu.memory_space<vmem>>
    %dma_wait3A_96 = tpu.memref_squeeze %dma_wait3A_95 : memref<1x128xi32, #tpu.memory_space<vmem>> -> memref<128xi32, #tpu.memory_space<vmem>>
    %dma_wait3A_97 = arith.constant 0 : i32
    %dma_wait3A_98 = arith.constant 0 : i32
    %dma_wait3A_99 = tpu.memref_slice %arg10[%dma_wait3A_97, %dma_wait3A_98] : memref<10000x16xf32, #tpu.memory_space<vmem_shared>> -> memref<10000x16xf32, #tpu.memory_space<vmem_shared>>
    %dma_wait3A_100 = tpu.memref_slice %arg12[%dma_wait3A_89] : memref<8x!tpu.dma_semaphore, #tpu.memory_space<semaphore_mem>> -> memref<1x!tpu.dma_semaphore, #tpu.memory_space<semaphore_mem>>
    %dma_wait3A_101 = tpu.memref_squeeze %dma_wait3A_100 : memref<1x!tpu.dma_semaphore, #tpu.memory_space<semaphore_mem>> -> memref<!tpu.dma_semaphore, #tpu.memory_space<semaphore_mem>>
    tpu.wait_indirect_dma semaphore(%dma_wait3A_101 : memref<!tpu.dma_semaphore, #tpu.memory_space<semaphore_mem>>) src(%dma_wait3A_93 : memref<128x16xf32, #tpu.memory_space<vmem>>) dst(%dma_wait3A_99 : memref<10000x16xf32, #tpu.memory_space<vmem_shared>>)
    %dma_wait3A_102 = arith.constant 4 : i32
    %dma_wait3A_103 = arith.constant 76 : i32
    %dma_wait3A_104 = arith.constant 4 : i32
    %dma_wait3A_105 = arith.constant 0 : i32
    %dma_wait3A_106 = arith.constant 0 : i32
    %dma_wait3A_107 = tpu.memref_slice %arg9[%dma_wait3A_102, %dma_wait3A_105, %dma_wait3A_106] : memref<8x128x16xf32, #tpu.memory_space<vmem>> -> memref<1x128x16xf32, #tpu.memory_space<vmem>>
    %dma_wait3A_108 = tpu.memref_squeeze %dma_wait3A_107 : memref<1x128x16xf32, #tpu.memory_space<vmem>> -> memref<128x16xf32, #tpu.memory_space<vmem>>
    %dma_wait3A_109 = arith.constant 0 : i32
    %dma_wait3A_110 = tpu.memref_slice %arg8[%dma_wait3A_103, %dma_wait3A_109] : memref<79x128xi32, #tpu.memory_space<vmem>> -> memref<1x128xi32, #tpu.memory_space<vmem>>
    %dma_wait3A_111 = tpu.memref_squeeze %dma_wait3A_110 : memref<1x128xi32, #tpu.memory_space<vmem>> -> memref<128xi32, #tpu.memory_space<vmem>>
    %dma_wait3A_112 = arith.constant 0 : i32
    %dma_wait3A_113 = arith.constant 0 : i32
    %dma_wait3A_114 = tpu.memref_slice %arg10[%dma_wait3A_112, %dma_wait3A_113] : memref<10000x16xf32, #tpu.memory_space<vmem_shared>> -> memref<10000x16xf32, #tpu.memory_space<vmem_shared>>
    %dma_wait3A_115 = tpu.memref_slice %arg12[%dma_wait3A_104] : memref<8x!tpu.dma_semaphore, #tpu.memory_space<semaphore_mem>> -> memref<1x!tpu.dma_semaphore, #tpu.memory_space<semaphore_mem>>
    %dma_wait3A_116 = tpu.memref_squeeze %dma_wait3A_115 : memref<1x!tpu.dma_semaphore, #tpu.memory_space<semaphore_mem>> -> memref<!tpu.dma_semaphore, #tpu.memory_space<semaphore_mem>>
    tpu.wait_indirect_dma semaphore(%dma_wait3A_116 : memref<!tpu.dma_semaphore, #tpu.memory_space<semaphore_mem>>) src(%dma_wait3A_108 : memref<128x16xf32, #tpu.memory_space<vmem>>) dst(%dma_wait3A_114 : memref<10000x16xf32, #tpu.memory_space<vmem_shared>>)
    %dma_wait3A_117 = arith.constant 5 : i32
    %dma_wait3A_118 = arith.constant 77 : i32
    %dma_wait3A_119 = arith.constant 5 : i32
    %dma_wait3A_120 = arith.constant 0 : i32
    %dma_wait3A_121 = arith.constant 0 : i32
    %dma_wait3A_122 = tpu.memref_slice %arg9[%dma_wait3A_117, %dma_wait3A_120, %dma_wait3A_121] : memref<8x128x16xf32, #tpu.memory_space<vmem>> -> memref<1x128x16xf32, #tpu.memory_space<vmem>>
    %dma_wait3A_123 = tpu.memref_squeeze %dma_wait3A_122 : memref<1x128x16xf32, #tpu.memory_space<vmem>> -> memref<128x16xf32, #tpu.memory_space<vmem>>
    %dma_wait3A_124 = arith.constant 0 : i32
    %dma_wait3A_125 = tpu.memref_slice %arg8[%dma_wait3A_118, %dma_wait3A_124] : memref<79x128xi32, #tpu.memory_space<vmem>> -> memref<1x128xi32, #tpu.memory_space<vmem>>
    %dma_wait3A_126 = tpu.memref_squeeze %dma_wait3A_125 : memref<1x128xi32, #tpu.memory_space<vmem>> -> memref<128xi32, #tpu.memory_space<vmem>>
    %dma_wait3A_127 = arith.constant 0 : i32
    %dma_wait3A_128 = arith.constant 0 : i32
    %dma_wait3A_129 = tpu.memref_slice %arg10[%dma_wait3A_127, %dma_wait3A_128] : memref<10000x16xf32, #tpu.memory_space<vmem_shared>> -> memref<10000x16xf32, #tpu.memory_space<vmem_shared>>
    %dma_wait3A_130 = tpu.memref_slice %arg12[%dma_wait3A_119] : memref<8x!tpu.dma_semaphore, #tpu.memory_space<semaphore_mem>> -> memref<1x!tpu.dma_semaphore, #tpu.memory_space<semaphore_mem>>
    %dma_wait3A_131 = tpu.memref_squeeze %dma_wait3A_130 : memref<1x!tpu.dma_semaphore, #tpu.memory_space<semaphore_mem>> -> memref<!tpu.dma_semaphore, #tpu.memory_space<semaphore_mem>>
    tpu.wait_indirect_dma semaphore(%dma_wait3A_131 : memref<!tpu.dma_semaphore, #tpu.memory_space<semaphore_mem>>) src(%dma_wait3A_123 : memref<128x16xf32, #tpu.memory_space<vmem>>) dst(%dma_wait3A_129 : memref<10000x16xf32, #tpu.memory_space<vmem_shared>>)
    %lt3A_132 = arith.constant 4 : i32
    %lt3A_133 = arith.cmpi slt, %add3A, %lt3A_132 : i32
    %convert_element_type3A_134 = arith.extui %lt3A_133 : i1 to i32
    %cond3A_135 = arith.constant 0 : i32
    %cond3A_136 = arith.cmpi ne, %convert_element_type3A_134, %cond3A_135 : i32
    scf.if %cond3A_136 {
      %dma_start3A_138 = arith.constant 78 : i32
      %dma_start3A_139 = arith.constant 0 : i32
      %dma_start3A_140 = arith.constant 0 : i32
      %dma_start3A_141 = arith.constant 0 : i32
      %dma_start3A_142 = arith.constant 0 : i32
      %dma_start3A_143 = tpu.memref_slice %arg9[%dma_start3A_139, %dma_start3A_141, %dma_start3A_142] : memref<8x128x16xf32, #tpu.memory_space<vmem>> -> memref<1x128x16xf32, #tpu.memory_space<vmem>>
      %dma_start3A_144 = tpu.memref_squeeze %dma_start3A_143 : memref<1x128x16xf32, #tpu.memory_space<vmem>> -> memref<128x16xf32, #tpu.memory_space<vmem>>
      %dma_start3A_145 = arith.constant 0 : i32
      %dma_start3A_146 = tpu.memref_slice %arg7[%dma_start3A_138, %dma_start3A_145] : memref<79x128xi32, #tpu.memory_space<vmem>> -> memref<1x128xi32, #tpu.memory_space<vmem>>
      %dma_start3A_147 = tpu.memref_squeeze %dma_start3A_146 : memref<1x128xi32, #tpu.memory_space<vmem>> -> memref<128xi32, #tpu.memory_space<vmem>>
      %dma_start3A_148 = arith.constant 0 : i32
      %dma_start3A_149 = arith.constant 0 : i32
      %dma_start3A_150 = tpu.memref_slice %arg2[%dma_start3A_148, %dma_start3A_149] : memref<10000x16xf32, #tpu.memory_space<hbm>> -> memref<10000x16xf32, #tpu.memory_space<hbm>>
      %dma_start3A_151 = tpu.memref_slice %arg11[%dma_start3A_140] : memref<8x!tpu.dma_semaphore, #tpu.memory_space<semaphore_mem>> -> memref<1x!tpu.dma_semaphore, #tpu.memory_space<semaphore_mem>>
      %dma_start3A_152 = tpu.memref_squeeze %dma_start3A_151 : memref<1x!tpu.dma_semaphore, #tpu.memory_space<semaphore_mem>> -> memref<!tpu.dma_semaphore, #tpu.memory_space<semaphore_mem>>
      tpu.enqueue_indirect_dma source(%dma_start3A_150 : memref<10000x16xf32, #tpu.memory_space<hbm>>) target(%dma_start3A_144 : memref<128x16xf32, #tpu.memory_space<vmem>>) offsets(%dma_start3A_147 : memref<128xi32, #tpu.memory_space<vmem>>) semaphore(%dma_start3A_152 : memref<!tpu.dma_semaphore, #tpu.memory_space<semaphore_mem>>)
      %dma_wait3A_153 = arith.constant 78 : i32
      %dma_wait3A_154 = arith.constant 0 : i32
      %dma_wait3A_155 = arith.constant 0 : i32
      %dma_wait3A_156 = arith.constant 0 : i32
      %dma_wait3A_157 = arith.constant 0 : i32
      %dma_wait3A_158 = tpu.memref_slice %arg9[%dma_wait3A_154, %dma_wait3A_156, %dma_wait3A_157] : memref<8x128x16xf32, #tpu.memory_space<vmem>> -> memref<1x128x16xf32, #tpu.memory_space<vmem>>
      %dma_wait3A_159 = tpu.memref_squeeze %dma_wait3A_158 : memref<1x128x16xf32, #tpu.memory_space<vmem>> -> memref<128x16xf32, #tpu.memory_space<vmem>>
      %dma_wait3A_160 = arith.constant 0 : i32
      %dma_wait3A_161 = tpu.memref_slice %arg7[%dma_wait3A_153, %dma_wait3A_160] : memref<79x128xi32, #tpu.memory_space<vmem>> -> memref<1x128xi32, #tpu.memory_space<vmem>>
      %dma_wait3A_162 = tpu.memref_squeeze %dma_wait3A_161 : memref<1x128xi32, #tpu.memory_space<vmem>> -> memref<128xi32, #tpu.memory_space<vmem>>
      %dma_wait3A_163 = arith.constant 0 : i32
      %dma_wait3A_164 = arith.constant 0 : i32
      %dma_wait3A_165 = tpu.memref_slice %arg2[%dma_wait3A_163, %dma_wait3A_164] : memref<10000x16xf32, #tpu.memory_space<hbm>> -> memref<10000x16xf32, #tpu.memory_space<hbm>>
      %dma_wait3A_166 = tpu.memref_slice %arg11[%dma_wait3A_155] : memref<8x!tpu.dma_semaphore, #tpu.memory_space<semaphore_mem>> -> memref<1x!tpu.dma_semaphore, #tpu.memory_space<semaphore_mem>>
      %dma_wait3A_167 = tpu.memref_squeeze %dma_wait3A_166 : memref<1x!tpu.dma_semaphore, #tpu.memory_space<semaphore_mem>> -> memref<!tpu.dma_semaphore, #tpu.memory_space<semaphore_mem>>
      tpu.wait_indirect_dma semaphore(%dma_wait3A_167 : memref<!tpu.dma_semaphore, #tpu.memory_space<semaphore_mem>>) src(%dma_wait3A_165 : memref<10000x16xf32, #tpu.memory_space<hbm>>) dst(%dma_wait3A_159 : memref<128x16xf32, #tpu.memory_space<vmem>>)
      %run_scoped3A = arith.constant 0 : i32
      %run_scoped3A_168 = arith.constant 78 : i32
      "tpu.region"() ({
        %run_scoped3A_169 = tpu.sem_alloc : memref<!tpu.dma_semaphore, #tpu.memory_space<semaphore_mem>>
        %dma_start3A_170 = arith.constant 0 : i32
        %dma_start3A_171 = arith.constant 0 : i32
        %dma_start3A_172 = tpu.memref_slice %arg9[%run_scoped3A, %dma_start3A_170, %dma_start3A_171] : memref<8x128x16xf32, #tpu.memory_space<vmem>> -> memref<1x128x16xf32, #tpu.memory_space<vmem>>
        %dma_start3A_173 = tpu.memref_squeeze %dma_start3A_172 : memref<1x128x16xf32, #tpu.memory_space<vmem>> -> memref<128x16xf32, #tpu.memory_space<vmem>>
        %dma_start3A_174 = arith.constant 0 : i32
        %dma_start3A_175 = tpu.memref_slice %arg8[%run_scoped3A_168, %dma_start3A_174] : memref<79x128xi32, #tpu.memory_space<vmem>> -> memref<1x128xi32, #tpu.memory_space<vmem>>
        %dma_start3A_176 = tpu.memref_squeeze %dma_start3A_175 : memref<1x128xi32, #tpu.memory_space<vmem>> -> memref<128xi32, #tpu.memory_space<vmem>>
        %dma_start3A_177 = arith.constant 0 : i32
        %dma_start3A_178 = arith.constant 0 : i32
        %dma_start3A_179 = tpu.memref_slice %arg10[%dma_start3A_177, %dma_start3A_178] : memref<10000x16xf32, #tpu.memory_space<vmem_shared>> -> memref<10000x16xf32, #tpu.memory_space<vmem_shared>>
        tpu.enqueue_indirect_dma source(%dma_start3A_173 : memref<128x16xf32, #tpu.memory_space<vmem>>) target(%dma_start3A_179 : memref<10000x16xf32, #tpu.memory_space<vmem_shared>>) offsets(%dma_start3A_176 : memref<128xi32, #tpu.memory_space<vmem>>) semaphore(%run_scoped3A_169 : memref<!tpu.dma_semaphore, #tpu.memory_space<semaphore_mem>>) {add = true}
        %dma_wait3A_180 = arith.constant 0 : i32
        %dma_wait3A_181 = arith.constant 0 : i32
        %dma_wait3A_182 = tpu.memref_slice %arg9[%run_scoped3A, %dma_wait3A_180, %dma_wait3A_181] : memref<8x128x16xf32, #tpu.memory_space<vmem>> -> memref<1x128x16xf32, #tpu.memory_space<vmem>>
        %dma_wait3A_183 = tpu.memref_squeeze %dma_wait3A_182 : memref<1x128x16xf32, #tpu.memory_space<vmem>> -> memref<128x16xf32, #tpu.memory_space<vmem>>
        %dma_wait3A_184 = arith.constant 0 : i32
        %dma_wait3A_185 = tpu.memref_slice %arg8[%run_scoped3A_168, %dma_wait3A_184] : memref<79x128xi32, #tpu.memory_space<vmem>> -> memref<1x128xi32, #tpu.memory_space<vmem>>
        %dma_wait3A_186 = tpu.memref_squeeze %dma_wait3A_185 : memref<1x128xi32, #tpu.memory_space<vmem>> -> memref<128xi32, #tpu.memory_space<vmem>>
        %dma_wait3A_187 = arith.constant 0 : i32
        %dma_wait3A_188 = arith.constant 0 : i32
        %dma_wait3A_189 = tpu.memref_slice %arg10[%dma_wait3A_187, %dma_wait3A_188] : memref<10000x16xf32, #tpu.memory_space<vmem_shared>> -> memref<10000x16xf32, #tpu.memory_space<vmem_shared>>
        tpu.wait_indirect_dma semaphore(%run_scoped3A_169 : memref<!tpu.dma_semaphore, #tpu.memory_space<semaphore_mem>>) src(%dma_wait3A_183 : memref<128x16xf32, #tpu.memory_space<vmem>>) dst(%dma_wait3A_189 : memref<10000x16xf32, #tpu.memory_space<vmem_shared>>)
        tpu.yield
      }) : () -> ()
    } else {
    }
    %barrier3A_137 = arith.constant 0 : index
    tpu.barrier barrier_id(%barrier3A_137)
    "tpu.region"() ({
      %run_scoped3A = tpu.sem_alloc : memref<!tpu.dma_semaphore, #tpu.memory_space<semaphore_mem>>
      %dma_start3A_138 = arith.constant 0 : i32
      %dma_start3A_139 = tpu.memref_slice %arg6[%arg0, %mul3A_2, %dma_start3A_138] : memref<2x10000x16xf32, #tpu.memory_space<hbm>> -> memref<1x625x16xf32, #tpu.memory_space<hbm>>
      %dma_start3A_140 = tpu.memref_squeeze %dma_start3A_139 : memref<1x625x16xf32, #tpu.memory_space<hbm>> -> memref<625x16xf32, #tpu.memory_space<hbm>>
      %dma_start3A_141 = arith.constant 0 : i32
      %dma_start3A_142 = tpu.memref_slice %arg10[%mul3A_2, %dma_start3A_141] : memref<10000x16xf32, #tpu.memory_space<vmem_shared>> -> memref<625x16xf32, #tpu.memory_space<vmem_shared>>
      tpu.enqueue_dma source(%dma_start3A_142 : memref<625x16xf32, #tpu.memory_space<vmem_shared>>) target(%dma_start3A_140 : memref<625x16xf32, #tpu.memory_space<hbm>>) target_semaphore(%run_scoped3A : memref<!tpu.dma_semaphore, #tpu.memory_space<semaphore_mem>>)
      %dma_wait3A_143 = arith.constant 0 : i32
      %dma_wait3A_144 = tpu.memref_slice %arg6[%arg0, %mul3A_2, %dma_wait3A_143] : memref<2x10000x16xf32, #tpu.memory_space<hbm>> -> memref<1x625x16xf32, #tpu.memory_space<hbm>>
      %dma_wait3A_145 = tpu.memref_squeeze %dma_wait3A_144 : memref<1x625x16xf32, #tpu.memory_space<hbm>> -> memref<625x16xf32, #tpu.memory_space<hbm>>
      %dma_wait3A_146 = arith.constant 0 : i32
      %dma_wait3A_147 = tpu.memref_slice %arg10[%mul3A_2, %dma_wait3A_146] : memref<10000x16xf32, #tpu.memory_space<vmem_shared>> -> memref<625x16xf32, #tpu.memory_space<vmem_shared>>
      tpu.wait_dma2 semaphore(%run_scoped3A : memref<!tpu.dma_semaphore, #tpu.memory_space<semaphore_mem>>) src(%dma_wait3A_147 : memref<625x16xf32, #tpu.memory_space<vmem_shared>>) dst(%dma_wait3A_145 : memref<625x16xf32, #tpu.memory_space<hbm>>)
      tpu.yield
    }) : () -> ()
    return
  }
}

module attributes {stable_mosaic.version = 14 : i64} {
  func.func @_tc1a_body(%arg0: i32, %arg1: memref<1000x128xf32, #tpu.memory_space<vmem>>, %arg2: memref<128x16xf32, #tpu.memory_space<vmem>>, %arg3: memref<1000x16xf32, #tpu.memory_space<vmem>>) attributes {dimension_semantics = [#tpu.dimension_semantics<arbitrary>], iteration_bounds = array<i64: 10>, scalar_prefetch = 0 : i64, scratch_operands = 0 : i64, tpu.core_type = #tpu.core_type<tc>, window_params = [{transform_indices = @transform_0, window_bounds = array<i64: 1000, 128>}, {pipeline_mode = #tpu.pipeline_mode<synchronous>, transform_indices = @transform_1, window_bounds = array<i64: 128, 16>}, {transform_indices = @transform_2, window_bounds = array<i64: 1000, 16>}]} {
    %get3A = arith.constant 0 : index
    %get3A_0 = arith.constant 0 : index
    %get3A_1 = vector.load %arg1[%get3A, %get3A_0] : memref<1000x128xf32, #tpu.memory_space<vmem>>, vector<1000x128xf32>
    %get3A_2 = arith.constant 0 : index
    %get3A_3 = arith.constant 0 : index
    %get3A_4 = vector.load %arg2[%get3A_2, %get3A_3] : memref<128x16xf32, #tpu.memory_space<vmem>>, vector<128x16xf32>
    %dot_general3A = arith.constant dense<0.000000e+00> : vector<1000x16xf32>
    %dot_general3A_5 = tpu.matmul %get3A_1, %get3A_4, %dot_general3A {dimension_numbers = #tpu.dot_dimension_numbers<[1], [0], [0], [1], [0, 0, 1, 1], [], []>, transpose_lhs_hint = false} : vector<1000x128xf32>, vector<128x16xf32>, vector<1000x16xf32> -> vector<1000x16xf32>
    %swap3A = arith.constant 0 : index
    %swap3A_6 = arith.constant 0 : index
    %swap3A_7 = vector.load %arg3[%swap3A, %swap3A_6] : memref<1000x16xf32, #tpu.memory_space<vmem>>, vector<1000x16xf32>
    tpu.vector_store %arg3[%swap3A, %swap3A_6], %dot_general3A_5 {strides = array<i32>} : memref<1000x16xf32, #tpu.memory_space<vmem>>, vector<1000x16xf32>,
    return
  }
  func.func @transform_0(%arg0: i32) -> (i32, i32) {
    %c0_i32 = arith.constant 0 : i32
    %c0_i32_0 = arith.constant 0 : i32
    return %arg0, %c0_i32 : i32, i32
  }
  func.func @transform_1(%arg0: i32) -> (i32, i32) {
    %c0_i32 = arith.constant 0 : i32
    %c0_i32_0 = arith.constant 0 : i32
    %c0_i32_1 = arith.constant 0 : i32
    return %c0_i32, %c0_i32_0 : i32, i32
  }
  func.func @transform_2(%arg0: i32) -> (i32, i32) {
    %c0_i32 = arith.constant 0 : i32
    %c0_i32_0 = arith.constant 0 : i32
    return %arg0, %c0_i32 : i32, i32
  }
}

module attributes {stable_mosaic.version = 14 : i64} {
  func.func @_tc1b_body(%arg0: i32, %arg1: memref<1000x16xf32, #tpu.memory_space<vmem>>, %arg2: memref<1000x1xf32, #tpu.memory_space<vmem>>, %arg3: memref<1000x1xf32, #tpu.memory_space<vmem>>, %arg4: memref<1000x16xf32, #tpu.memory_space<vmem>>, %arg5: memref<1000x1xf32, #tpu.memory_space<vmem>>, %arg6: memref<1000x16xf32, #tpu.memory_space<vmem>>) attributes {dimension_semantics = [#tpu.dimension_semantics<arbitrary>], iteration_bounds = array<i64: 10>, scalar_prefetch = 0 : i64, scratch_operands = 0 : i64, tpu.core_type = #tpu.core_type<tc>, window_params = [{transform_indices = @transform_0, window_bounds = array<i64: 1000, 16>}, {transform_indices = @transform_1, window_bounds = array<i64: 1000, 1>}, {transform_indices = @transform_2, window_bounds = array<i64: 1000, 1>}, {transform_indices = @transform_3, window_bounds = array<i64: 1000, 16>}, {transform_indices = @transform_4, window_bounds = array<i64: 1000, 1>}, {transform_indices = @transform_5, window_bounds = array<i64: 1000, 16>}]} {
    %get3A = arith.constant 0 : index
    %get3A_0 = arith.constant 0 : index
    %get3A_1 = vector.load %arg2[%get3A, %get3A_0] : memref<1000x1xf32, #tpu.memory_space<vmem>>, vector<1000x1xf32>
    %get3A_2 = arith.constant 0 : index
    %get3A_3 = arith.constant 0 : index
    %get3A_4 = vector.load %arg3[%get3A_2, %get3A_3] : memref<1000x1xf32, #tpu.memory_space<vmem>>, vector<1000x1xf32>
    %add3A = arith.addf %get3A_1, %get3A_4 : vector<1000x1xf32>
    %add3A_5 = arith.constant 1.000000e+00 : f32
    %add3A_6 = vector.broadcast %add3A_5 : f32 to vector<1000x1xf32>
    %add3A_7 = arith.addf %add3A, %add3A_6 : vector<1000x1xf32>
    %rsqrt3A = math.rsqrt %add3A_7 : vector<1000x1xf32>
    %get3A_8 = arith.constant 0 : index
    %get3A_9 = arith.constant 0 : index
    %get3A_10 = vector.load %arg1[%get3A_8, %get3A_9] : memref<1000x16xf32, #tpu.memory_space<vmem>>, vector<1000x16xf32>
    %mul3A = vector.broadcast %rsqrt3A : vector<1000x1xf32> to vector<1000x16xf32>
    %mul3A_11 = arith.mulf %get3A_10, %mul3A : vector<1000x16xf32>
    %swap3A = arith.constant 0 : index
    %swap3A_12 = arith.constant 0 : index
    %swap3A_13 = vector.load %arg4[%swap3A, %swap3A_12] : memref<1000x16xf32, #tpu.memory_space<vmem>>, vector<1000x16xf32>
    tpu.vector_store %arg4[%swap3A, %swap3A_12], %mul3A_11 {strides = array<i32>} : memref<1000x16xf32, #tpu.memory_space<vmem>>, vector<1000x16xf32>,
    %swap3A_14 = arith.constant 0 : index
    %swap3A_15 = arith.constant 0 : index
    %swap3A_16 = vector.load %arg5[%swap3A_14, %swap3A_15] : memref<1000x1xf32, #tpu.memory_space<vmem>>, vector<1000x1xf32>
    tpu.vector_store %arg5[%swap3A_14, %swap3A_15], %rsqrt3A {strides = array<i32>} : memref<1000x1xf32, #tpu.memory_space<vmem>>, vector<1000x1xf32>,
    %broadcast_in_dim3A = vector.shape_cast %rsqrt3A : vector<1000x1xf32> to vector<1000x1xf32>
    %broadcast_in_dim3A_17 = vector.broadcast %broadcast_in_dim3A : vector<1000x1xf32> to vector<1000x16xf32>
    %swap3A_18 = arith.constant 0 : index
    %swap3A_19 = arith.constant 0 : index
    %swap3A_20 = vector.load %arg6[%swap3A_18, %swap3A_19] : memref<1000x16xf32, #tpu.memory_space<vmem>>, vector<1000x16xf32>
    tpu.vector_store %arg6[%swap3A_18, %swap3A_19], %broadcast_in_dim3A_17 {strides = array<i32>} : memref<1000x16xf32, #tpu.memory_space<vmem>>, vector<1000x16xf32>,
    return
  }
  func.func @transform_0(%arg0: i32) -> (i32, i32) {
    %c0_i32 = arith.constant 0 : i32
    %c0_i32_0 = arith.constant 0 : i32
    return %arg0, %c0_i32 : i32, i32
  }
  func.func @transform_1(%arg0: i32) -> (i32, i32) {
    %c0_i32 = arith.constant 0 : i32
    %c0_i32_0 = arith.constant 0 : i32
    return %arg0, %c0_i32 : i32, i32
  }
  func.func @transform_2(%arg0: i32) -> (i32, i32) {
    %c0_i32 = arith.constant 0 : i32
    %c0_i32_0 = arith.constant 0 : i32
    return %arg0, %c0_i32 : i32, i32
  }
  func.func @transform_3(%arg0: i32) -> (i32, i32) {
    %c0_i32 = arith.constant 0 : i32
    %c0_i32_0 = arith.constant 0 : i32
    return %arg0, %c0_i32 : i32, i32
  }
  func.func @transform_4(%arg0: i32) -> (i32, i32) {
    %c0_i32 = arith.constant 0 : i32
    %c0_i32_0 = arith.constant 0 : i32
    return %arg0, %c0_i32 : i32, i32
  }
  func.func @transform_5(%arg0: i32) -> (i32, i32) {
    %c0_i32 = arith.constant 0 : i32
    %c0_i32_0 = arith.constant 0 : i32
    return %arg0, %c0_i32 : i32, i32
  }
}

module attributes {stable_mosaic.version = 14 : i64} {
  func.func @_tc3_body(%arg0: i32, %arg1: memref<1x1000x16xf32, #tpu.memory_space<vmem>>, %arg2: memref<1x1000x16xf32, #tpu.memory_space<vmem>>, %arg3: memref<1x1000x16xf32, #tpu.memory_space<vmem>>, %arg4: memref<1000x1xf32, #tpu.memory_space<vmem>>, %arg5: memref<1x32xf32, #tpu.memory_space<vmem>>, %arg6: memref<16x32xf32, #tpu.memory_space<vmem>>, %arg7: memref<1000x32xf32, #tpu.memory_space<vmem>>) attributes {dimension_semantics = [#tpu.dimension_semantics<arbitrary>], iteration_bounds = array<i64: 10>, scalar_prefetch = 0 : i64, scratch_operands = 0 : i64, tpu.core_type = #tpu.core_type<tc>, window_params = [{transform_indices = @transform_0, window_bounds = array<i64: 1, 1000, 16>}, {transform_indices = @transform_1, window_bounds = array<i64: 1, 1000, 16>}, {transform_indices = @transform_2, window_bounds = array<i64: 1, 1000, 16>}, {transform_indices = @transform_3, window_bounds = array<i64: 1000, 1>}, {pipeline_mode = #tpu.pipeline_mode<synchronous>, transform_indices = @transform_4, window_bounds = array<i64: 1, 32>}, {pipeline_mode = #tpu.pipeline_mode<synchronous>, transform_indices = @transform_5, window_bounds = array<i64: 16, 32>}, {transform_indices = @transform_6, window_bounds = array<i64: 1000, 32>}]} {
    %get3A = arith.constant 0 : index
    %get3A_0 = arith.constant 0 : index
    %get3A_1 = arith.constant 0 : index
    %get3A_2 = vector.load %arg1[%get3A, %get3A_0, %get3A_1] : memref<1x1000x16xf32, #tpu.memory_space<vmem>>, vector<1x1000x16xf32>
    %get3A_3 = vector.shape_cast %get3A_2 : vector<1x1000x16xf32> to vector<1000x16xf32>
    %get3A_4 = arith.constant 0 : index
    %get3A_5 = arith.constant 0 : index
    %get3A_6 = arith.constant 0 : index
    %get3A_7 = vector.load %arg2[%get3A_4, %get3A_5, %get3A_6] : memref<1x1000x16xf32, #tpu.memory_space<vmem>>, vector<1x1000x16xf32>
    %get3A_8 = vector.shape_cast %get3A_7 : vector<1x1000x16xf32> to vector<1000x16xf32>
    %add3A = arith.addf %get3A_3, %get3A_8 : vector<1000x16xf32>
    %get3A_9 = arith.constant 0 : index
    %get3A_10 = arith.constant 0 : index
    %get3A_11 = arith.constant 0 : index
    %get3A_12 = vector.load %arg3[%get3A_9, %get3A_10, %get3A_11] : memref<1x1000x16xf32, #tpu.memory_space<vmem>>, vector<1x1000x16xf32>
    %get3A_13 = vector.shape_cast %get3A_12 : vector<1x1000x16xf32> to vector<1000x16xf32>
    %add3A_14 = arith.addf %add3A, %get3A_13 : vector<1000x16xf32>
    %get3A_15 = arith.constant 0 : index
    %get3A_16 = arith.constant 0 : index
    %get3A_17 = vector.load %arg6[%get3A_15, %get3A_16] : memref<16x32xf32, #tpu.memory_space<vmem>>, vector<16x32xf32>
    %dot_general3A = arith.constant dense<0.000000e+00> : vector<1000x32xf32>
    %dot_general3A_18 = tpu.matmul %add3A_14, %get3A_17, %dot_general3A {dimension_numbers = #tpu.dot_dimension_numbers<[1], [0], [0], [1], [0, 0, 1, 1], [], []>, transpose_lhs_hint = false} : vector<1000x16xf32>, vector<16x32xf32>, vector<1000x32xf32> -> vector<1000x32xf32>
    %get3A_19 = arith.constant 0 : index
    %get3A_20 = arith.constant 0 : index
    %get3A_21 = vector.load %arg4[%get3A_19, %get3A_20] : memref<1000x1xf32, #tpu.memory_space<vmem>>, vector<1000x1xf32>
    %mul3A = vector.broadcast %get3A_21 : vector<1000x1xf32> to vector<1000x32xf32>
    %mul3A_22 = arith.mulf %dot_general3A_18, %mul3A : vector<1000x32xf32>
    %get3A_23 = arith.constant 0 : index
    %get3A_24 = arith.constant 0 : index
    %get3A_25 = vector.load %arg5[%get3A_23, %get3A_24] : memref<1x32xf32, #tpu.memory_space<vmem>>, vector<1x32xf32>
    %add3A_26 = vector.broadcast %get3A_25 : vector<1x32xf32> to vector<1000x32xf32>
    %add3A_27 = arith.addf %mul3A_22, %add3A_26 : vector<1000x32xf32>
    %swap3A = arith.constant 0 : index
    %swap3A_28 = arith.constant 0 : index
    %swap3A_29 = vector.load %arg7[%swap3A, %swap3A_28] : memref<1000x32xf32, #tpu.memory_space<vmem>>, vector<1000x32xf32>
    tpu.vector_store %arg7[%swap3A, %swap3A_28], %add3A_27 {strides = array<i32>} : memref<1000x32xf32, #tpu.memory_space<vmem>>, vector<1000x32xf32>,
    return
  }
  func.func @transform_0(%arg0: i32) -> (i32, i32, i32) {
    %c0_i32 = arith.constant 0 : i32
    %c0_i32_0 = arith.constant 0 : i32
    %c0_i32_1 = arith.constant 0 : i32
    return %c0_i32, %arg0, %c0_i32_0 : i32, i32, i32
  }
  func.func @transform_1(%arg0: i32) -> (i32, i32, i32) {
    %c0_i32 = arith.constant 0 : i32
    %c0_i32_0 = arith.constant 0 : i32
    %c0_i32_1 = arith.constant 0 : i32
    return %c0_i32, %arg0, %c0_i32_0 : i32, i32, i32
  }
  func.func @transform_2(%arg0: i32) -> (i32, i32, i32) {
    %c1_i32 = arith.constant 1 : i32
    %c0_i32 = arith.constant 0 : i32
    %c0_i32_0 = arith.constant 0 : i32
    return %c1_i32, %arg0, %c0_i32 : i32, i32, i32
  }
  func.func @transform_3(%arg0: i32) -> (i32, i32) {
    %c0_i32 = arith.constant 0 : i32
    %c0_i32_0 = arith.constant 0 : i32
    return %arg0, %c0_i32 : i32, i32
  }
  func.func @transform_4(%arg0: i32) -> (i32, i32) {
    %c0_i32 = arith.constant 0 : i32
    %c0_i32_0 = arith.constant 0 : i32
    %c0_i32_1 = arith.constant 0 : i32
    return %c0_i32, %c0_i32_0 : i32, i32
  }
  func.func @transform_5(%arg0: i32) -> (i32, i32) {
    %c0_i32 = arith.constant 0 : i32
    %c0_i32_0 = arith.constant 0 : i32
    %c0_i32_1 = arith.constant 0 : i32
    return %c0_i32, %c0_i32_0 : i32, i32
  }
  func.func @transform_6(%arg0: i32) -> (i32, i32) {
    %c0_i32 = arith.constant 0 : i32
    %c0_i32_0 = arith.constant 0 : i32
    return %arg0, %c0_i32 : i32, i32
  }
}

</mosaic_0001>

<sc_bundles>
// kernel: kernel.11.cloned.1.call-start
scs
__scs_entry_jumppad:
0x0: {  	(pc) =	sbr.rel $0x88, $3  }
0x1: {  	(tag) =	ssettag $0x0;
	lr =	simm.s32 $0x1  }
0x2: {  	[smem:$0x3F9B] =	sst lr;
	_ =	strace $0xD0000000  }
0x3: {  	_ = 	snop  }
0x4: {  	_ = 	snop  }
0x5: {  	_ = 	snop  }
0x6: {  	_ = 	snop  }
0x7: {  	_ = 	snop  }
__scs_overlays_trampoline_lowered:
0x8: {  	[smem:$0x3FAA] =	sst s0  }
0x9: {  	[smem:$0x3FAB] =	sst s1  }
0xa: {  	[smem:$0x3FAC] =	sst s2  }
0xb: {  	[smem:$0x3FAD] =	sst s3  }
0xc: {  	[smem:$0x3FAE] =	sst s4  }
0xd: {  	[smem:$0x3FAF] =	sst s5  }
0xe: {  	[smem:$0x3FB0] =	sst s6  }
0xf: {  	[smem:$0x3FB1] =	sst s7  }
0x10: {  	[smem:$0x3FB2] =	sst s8  }
0x11: {  	[smem:$0x3FB3] =	sst s9;
	s0 =	simm.s32 @!p0 $0x0  }
0x12: {  	s1 =	sld [smem:$0x3F99];
	s0 =	simm.s32 @p0 $0x1  }
0x13: {  	[smem:$0x3FB4] =	sst s0;
	s0 =	simm.s32 @!p1 $0x0  }
0x14: {  	s2 =	sld [smem:$0x3F98];
	s0 =	simm.s32 @p1 $0x1  }
0x15: {  	[smem:$0x3FB5] =	sst s0;
	s0 =	simm.s32 @!p2 $0x0  }
0x16: {  	s3 =	sld [smem:$0x3FDB];
	s0 =	simm.s32 @p2 $0x1  }
0x17: {  	s4 =	simm.s32 $0x1BF5;
	[smem:$0x3FB7] =	sst s0  }
0x18: {  	s0 =	sld [smem:$0x3F9A];
	_ =	swait.ge [sflag:s4], $0x0  }
0x19: {  	s7 =	sld [smem:$0x3F9B]  }
0x1a: {  	s8 =	sadd.s32 $0xFFFFE003, lr  }
0x1b: {  	s9 =	sadd.s32 $0xFFFFFEF7, lr;
	s5 =	simm.s32 $0xFFFFFFFF;
	p2 =	slt.u32 s8, $0xFFFFF086  }
0x1c: {  	p1 =	slt.u32 s9, $0xF7A;
	s5 =	simm.s32 @!p2 $0x0  }
0x1d: {  	s5 =	simm.s32 @p1 $0x1;
	p0 =	seq.s32 s7, s2  }
0x1e: {  	s7 =	smul.u32 @!p0 $0xF7A, s2;
	p2 =	seq.s32 @!p0 s5, $0x0  }
0x1f: {  	s9 =	smul.u32 $0xF7A, s1;
	s8 =	simm.s32 @!p0 $0x1BF5;
	p2 =	por !p2, p0  }
0x20: {  	[sflag:s8] =	ssyncset.s32 @!p0 $0xFFFFF086;
	s6 =	sadd.s32 @!p0 s3, s7;
	s7 =	simm.s32 @!p0 $0x108  }
0x21: {  	s3 =	sadd.s32 s3, s9;
	s6 =	sadd.s32 @!p0 $0x88, s6;
	s7 =	simm.s32 @p2 $0x1082  }
0x22: {  	[simem:s7], [sflag:s8] =	dma.local @!p0 [hbm:s6], $0xF7A  }
0x23: {  	s9 =	sor.u32 $0xD0000000, s2;
	s6 =	simm.s32 $0x108;
	_ =	swait.ge @!p0 [sflag:s8], $0x0  }
0x24: {  	s3 =	sadd.s32 $0x88, s3;
	s6 =	simm.s32 @!p1 $0x1082;
	[sflag:s4] =	ssyncset.s32 $0xFFFFF086  }
0x25: {  	[simem:s6], [sflag:s4] =	dma.local [hbm:s3], $0xF7A  }
0x26: {  	[smem:$0x3F9B] =	sst s1;
	(tag) =	ssettag s2;
	_ =	strace s9  }
0x27: {  	s1 =	sld [smem:$0x3FAB]  }
0x28: {  	s2 =	sld [smem:$0x3FAC]  }
0x29: {  	s4 =	sld [smem:$0x3FAE]  }
0x2a: {  	p0 =	seq.s32 s5, $0x0;
	s5 =	sld [smem:$0x3FAF]  }
0x2b: {  	s6 =	sld [smem:$0x3FB0]  }
0x2c: {  	s7 =	sld [smem:$0x3FB1]  }
0x2d: {  	s3 =	simm.s32 $0x108;
	s8 =	sld [smem:$0x3FB2]  }
0x2e: {  	s3 =	simm.s32 @!p0 $0x1082;
	s9 =	sld [smem:$0x3FB3]  }
0x2f: {  	lr =	sadd.s32 s0, s3;
	s0 =	sld [smem:$0x3FAA]  }
0x30: {  	s3 =	sld [smem:$0x3FAD]  }
0x31: {  	[smem:$0x3FB6] =	sst s10  }
0x32: {  	s10 =	sld [smem:$0x3FB4];
	_ =	sdelay $0x3  }
0x33: {  	p0 =	seq.s32 s10, $0x1;
	s10 =	sld [smem:$0x3FB6];
	_ =	sdelay $0x3  }
0x34: {  	[smem:$0x3FB6] =	sst s10  }
0x35: {  	s10 =	sld [smem:$0x3FB5];
	_ =	sdelay $0x3  }
0x36: {  	p1 =	seq.s32 s10, $0x1;
	s10 =	sld [smem:$0x3FB6];
	_ =	sdelay $0x3  }
0x37: {  	[smem:$0x3FB6] =	sst s10  }
0x38: {  	s10 =	sld [smem:$0x3FB7]  }
0x39: {  	_ = 	snop;
	(pc) =	sbr.ind lr, $3  }
0x3a: {  	_ = 	snop  }
0x3b: {  	_ = 	snop  }
0x3c: {  	p2 =	seq.s32 s10, $0x1;
	s10 =	sld [smem:$0x3FB6]  }
0x3d: {  	_ =	shalt  }
0x3e: {  	_ =	shalt  }
0x3f: {  	_ =	shalt  }
0x40: {  	_ =	shalt  }
0x41: {  	_ =	shalt  }
0x42: {  	_ =	shalt  }
0x43: {  	_ =	shalt  }
0x44: {  	_ =	shalt  }
0x45: {  	_ =	shalt  }
0x46: {  	_ =	shalt  }
0x47: {  	_ =	shalt  }
0x48: {  	_ =	shalt  }
0x49: {  	_ =	shalt  }
0x4a: {  	_ =	shalt  }
0x4b: {  	_ =	shalt  }
0x4c: {  	_ =	shalt  }
0x4d: {  	_ =	shalt  }
0x4e: {  	_ =	shalt  }
0x4f: {  	_ =	shalt  }
0x50: {  	_ =	shalt  }
0x51: {  	_ =	shalt  }
0x52: {  	_ =	shalt  }
0x53: {  	_ =	shalt  }
0x54: {  	_ =	shalt  }
0x55: {  	_ =	shalt  }
0x56: {  	_ =	shalt  }
0x57: {  	_ =	shalt  }
0x58: {  	_ =	shalt  }
0x59: {  	_ =	shalt  }
0x5a: {  	_ =	shalt  }
0x5b: {  	_ =	shalt  }
0x5c: {  	_ =	shalt  }
0x5d: {  	_ =	shalt  }
0x5e: {  	_ =	shalt  }
0x5f: {  	_ =	shalt  }
0x60: {  	_ =	shalt  }
0x61: {  	_ =	shalt  }
0x62: {  	_ =	shalt  }
0x63: {  	_ =	shalt  }
0x64: {  	_ =	shalt  }
0x65: {  	_ =	shalt  }
0x66: {  	_ =	shalt  }
0x67: {  	_ =	shalt  }
0x68: {  	_ =	shalt  }
0x69: {  	_ =	shalt  }
0x6a: {  	_ =	shalt  }
0x6b: {  	_ =	shalt  }
0x6c: {  	_ =	shalt  }
0x6d: {  	_ =	shalt  }
0x6e: {  	_ =	shalt  }
0x6f: {  	_ =	shalt  }
0x70: {  	_ =	shalt  }
0x71: {  	_ =	shalt  }
0x72: {  	_ =	shalt  }
0x73: {  	_ =	shalt  }
0x74: {  	_ =	shalt  }
0x75: {  	_ =	shalt  }
0x76: {  	_ =	shalt  }
0x77: {  	_ =	shalt  }
0x78: {  	_ =	shalt  }
0x79: {  	_ =	shalt  }
0x7a: {  	_ =	shalt  }
0x7b: {  	_ =	shalt  }
0x7c: {  	_ =	shalt  }
0x7d: {  	_ =	shalt  }
0x7e: {  	_ =	shalt  }
0x7f: {  	_ =	shalt  }
0x80: {  	_ =	shalt  }
0x81: {  	_ =	shalt  }
0x82: {  	_ =	shalt  }
0x83: {  	_ =	shalt  }
0x84: {  	_ =	shalt  }
0x85: {  	_ =	shalt  }
0x86: {  	_ =	shalt  }
0x87: {  	_ =	shalt  }
.Lfunc_end0:
.L_simem_size_0:
called_computation.1_lowered:
.L_overlay_start_0:
0x88: {  	s2 =	sld [smem:$0x3FD9]  }
0x89: {  	s3 =	sld [smem:$0x3FFE];
	_ =	sdelay $0x1  }
0x8a: {  	s1 =	srdreg.scid  }
0x8b: {  	s0 =	sand.u32 $0x1, s1  }
0x8c: {  	s17 =	sshll.u32 s0, $0xA;
	s2 =	sadd.s32 s3, s2  }
0x8d: {  	s2 =	sadd.s32 s2, s17  }
0x8e: {  	[smem:$0x3FC2] =	sst s2  }
0x8f: {  	_ = 	snop  }
0x90: {  	s2 =	sld [smem:$0x3FD0];
	(tm) =	ssettm $0x1  }
0x91: {  	s18 =	sld [smem:$0x3FFB];
	_ =	sdelay $0x3  }
0x92: {  	_ =	strace s18  }
0x93: {  	s3 =	sld [smem:$0x3FFC];
	_ =	sdelay $0x3  }
0x94: {  	_ =	strace s3  }
0x95: {  	s3 =	sld [smem:$0x3FFD];
	_ =	sdelay $0x3  }
0x96: {  	_ =	strace s3  }
0x97: {  	_ =	strace $0x8FFFFFFF  }
0x98: {  	s19 =	sld [smem:$0x3FDB];
	_ =	sdelay $0x1  }
0x99: {  	s4 =	simm.s32 $_scs_section_size  }
0x9a: {  	s5 =	simm.s32 $_size__tile_overlayer_lowered;
	s6 =	simm.s32 $_tile_overlayer_lowered  }
0x9b: {  	s22 =	simm.s32 $0x1BFF;
	s21 =	sshll.u32 s6, $0x1;
	s3 =	sadd.s32 s4, s19  }
0x9c: {  	s7 =	simm.s32 $0x0;
	s20 =	sshll.u32 s5, $0x1;
	s5 =	sadd.s32 s21, s3  }
0x9d: {  	[timem:s7], [sflag:s22] =	dma.local [hbm:s5], s20  }
0x9e: {  	_ =	swait.ge [sflag:s22], s20  }
0x9f: {  	s4 =	ssub.s32 $0x0, s20;
	[sflag:s22] =	ssyncset.done $0x0  }
0xa0: {  	[sflag:s22] =	ssyncadd.s32 s4;
	_ =	sdelay $0x1  }
0xa1: {  	s23 =	simm.s32 $0x1B8B  }
0xa2: {  	_ =	swait.ge [sflag:s23], $0x1  }
0xa3: {  	[sflag:s23] =	ssyncset.done $0x0  }
0xa4: {  	s25 =	simm.s32 $0x1B8E;
	s24 =	sld [smem:$0x3FFE];
	[sflag:s23] =	ssyncadd.s32 $0xFFFFFFFF  }
0xa5: {  	s26 =	simm.s32 $execute0_lowered;
	[smem:$0x3FD2] =	sst s25  }
0xa6: {  	s5 =	sshll.u32 s26, $0x1;
	_ =	strace $0x80000049;
	[dreg:$0x1] =	wrdreg $0xFFFFFFFF  }
0xa7: {  	s28 =	simm.s32 $_size_execute0_lowered;
	s3 =	sadd.s32 s3, s5;
	[dreg:$0x0] =	wrdreg $0x0  }
0xa8: {  	s5 =	sshll.u32 s28, $0x1;
	[dreg:$0x2] =	wrdreg s3  }
0xa9: {  	[dreg:$0x3] =	wrdreg s5  }
0xaa: {  	[dreg:$0x4] =	wrdreg $0xC0  }
0xab: {  	_ =	task [dreg:s7], $0x5FFFF  }
0xac: {  	[dreg:$0x1] =	wrdreg $0xFFFFFFFF  }
0xad: {  	[dreg:$0x0] =	wrdreg $0x60  }
0xae: {  	[dreg:$0x2] =	wrdreg s24  }
0xaf: {  	[dreg:$0x3] =	wrdreg s2  }
0xb0: {  	[dreg:$0x4] =	wrdreg $0x8F000  }
0xb1: {  	[dreg:$0x5] =	wrdreg $0x9  }
0xb2: {  	_ =	task.clear_ibuf [dreg:s7], $0x6FFFF;
	_ =	strace $0x90000049  }
0xb3: {  	s29 =	simm.s32 $0x9;
	_ =	strace $0x8000004B  }
0xb4: {  	_ =	swait.ge [sflag:s29], $0x1  }
0xb5: {  	[sflag:s29] =	ssyncadd.s32 $0xFFFFFFFF  }
0xb6: {  	_ =	strace $0x9000004B  }
0xb7: {  	_ =	sfence  }
0xb8: {  	s30 =	sld [smem:$0x0];
	_ =	sdelay $0x2  }
0xb9: {  	s31 =	sshll.u32 s1, $0xD;
	s1 =	sshrl.u32 s1, $0x2  }
0xba: {  	s3 =	sand.u32 $0x4000, s31;
	s1 =	sadd.s32 s1, s30  }
0xbb: {  	s0 =	sor.u32 s3, s0;
	s1 =	sshll.u32 s1, $0x11  }
0xbc: {  	s0 =	sor.u32 s1, s0  }
0xbd: {  	s0 =	sadd.s32 $0x8F2B, s0  }
0xbe: {  	[sflag:s0] =	ssyncadd.remote.s32 $0x1  }
0xbf: {  	_ =	sfence.sel $0xFFFF  }
0xc0: {  	[dreg:$0x0] =	wrdreg $0xFFFFFFFF;
	(pc) =	sbr.abs _section_cstart, $3  }
0xc1: {  	[dreg:$0x1] =	wrdreg $0xFFFFFFFF  }
0xc2: {  	_ =	task.clear_ibuf [dreg:s7], $0x2FFFF;
	_ =	strace $0x9FFFFFFF  }
0xc3: {  	(tm) =	ssettm $0x7FFFFFFF  }
tec
execute0_lowered:
.L_overlay_start_1:
0x0: {  	(tag) =	ssettag $0x1  }
0x1: {  	s0 =	rddreg [dreg:$0x0]  }
0x2: {  	s1 =	rddreg [dreg:$0x1]  }
0x3: {  	s2 =	rddreg [dreg:$0x2]  }
0x4: {  	s11 =	stileid.u32;
	s4 =	srdreg.scid;
	s3 =	simm.s32 $0x0  }
0x5: {  	s14 =	simm.s32 $0x11;
	s16 =	simm.s32 $0x80;
	s17 =	simm.s32 $0x4F00  }
0x6: {  	s18 =	simm.s32 $0x5700;
	s31 =	simm.s32 $0x3;
	s29 =	simm.s32 $0xB  }
0x7: {  	s30 =	simm.s32 $0xC;
	s19 =	simm.s32 $0x0;
	s5 =	smul.u32 $0x2710, s11  }
0x8: {  	s6 =	sand.u32 $0x1, s4;
	[smem:$0x7FF] =	sst s3;
	s4 =	sadd.s32 $0xBA00, s0  }
0x9: {  	s9 =	sadd.s32 $0x1C00, s0;
	s23 =	sshll.u32 s11, $0x6;
	s24 =	sshll.u32 s11, $0x4  }
0xa: {  	s7 =	smul.u32 $0x27100, s6;
	_ =	strace $0x8000004A;
	s10 =	ssub.s32 $0x2, s6  }
0xb: {  	s6 =	sshll.u32 s6, $0x4;
	s8 =	sshrl.u32 s5, $0x3;
	s20 =	sshrl.u32 s10, $0x1  }
0xc: {  	s13 =	sor.u32 s11, s6;
	s6 =	sor.u32 $0x1C11, s23;
	s23 =	simm.s32 $0x1  }
0xd: {  	s8 =	sadd.s32 s8, s0;
	s7 =	sadd.s32 s5, s7;
	s5 =	sadd.s32 s5, s2  }
0xe: {  	s21 =	smul.u32 $0x4E0, s13;
	p0 =	sgt.u32 s13, $0x3;
	s7 =	sshrl.u32 s7, $0x3  }
0xf: {  	s22 =	sadd.s32 $0x10A00, s8;
	s8 =	sor.u32 $0x9C00, s24;
	s13 =	sshrl.u32 s5, $0x3  }
0x10: {  	s0 =	sadd.s32 s7, s0;
	[dreg:$0x4] =	wrdreg s22;
	s25 =	sadd.s32 s1, s21  }
0x11: {  	s7 =	ssub.s32 s10, s20;
	s10 =	sadd.s32 s9, s21;
	[dreg:$0x5] =	wrdreg s25  }
0x12: {  	s1 =	sadd.s32 s1, s8;
	s26 =	sadd.s32 s9, s8;
	[dreg:$0x6] =	wrdreg s10  }
0x13: {  	s20 =	simm.s32 $0x5F00;
	s22 =	simm.s32 $0x6700;
	[dreg:$0x7] =	wrdreg s1  }
0x14: {  	s21 =	simm.s32 $0x4;
	[dreg:$0x8] =	wrdreg s26;
	s0 =	sadd.s32 $0x15A00, s0  }
0x15: {  	s28 =	smax.u32 s7, $0x1;
	s26 =	simm.s32 $0x2;
	[dreg:$0x9] =	wrdreg s0  }
0x16: {  	s1 =	simm.s32 $0xE;
	[dreg:$0xa] =	wrdreg s28;
	s0 =	simm.s32 $0xD  }
.LBB2_1:
0x17: {  	s5 =	rddreg [dreg:$0x4]  }
0x18: {  	[spmem:s13], [sflag:s6] =	dma.local [hbm:s5], $0x4E2  }
0x19: {  	_ =	swait.ge [sflag:s14], $0x4E2  }
0x1a: {  	[sflag:s14] =	ssyncset.done $0x0  }
0x1b: {  	s12 =	rddreg [dreg:$0x5];
	[sflag:s14] =	ssyncadd.s32 $0xFFFFFB1E  }
0x1c: {  	[tilespmem:s3], [sflag:$0x11] =	stream.linear.gather [hbm4b:s12+s3], $0x2700, $0x38;
	[tilespmem:$0xB610] =	vst v63  }
0x1d: {  	_ =	swait.ge [sflag:s14], $0x2700  }
0x1e: {  	[sflag:s14] =	ssyncset.done $0x0  }
0x1f: {  	s10 =	simm.s32 $0x2780;
	s15 =	rddreg [dreg:$0x6];
	[sflag:s14] =	ssyncadd.s32 $0xFFFFD900  }
0x20: {  	[tilespmem:s10], [sflag:$0x11] =	stream.linear.gather [hbm4b:s15+s3], $0x2700, $0x38;
	[tilespmem:$0xB610] =	vst v63  }
0x21: {  	_ =	swait.ge [sflag:s14], $0x2700  }
0x22: {  	s7 =	simm.s32 @!p0 $0x2700;
	[sflag:s14] =	ssyncset.done $0x0  }
0x23: {  	s5 =	simm.s32 @!p0 $0x0;
	s8 =	rddreg [dreg:$0x7];
	[sflag:s14] =	ssyncadd.s32 $0xFFFFD900  }
0x24: {  	[tilespmem:s7], [sflag:$0x11] =	stream.linear.gather @!p0 [hbm4b:s8+s5], $0x80, $0x38;
	[tilespmem:$0xB610] =	vst v63  }
0x25: {  	s7 =	simm.s32 @!p0 $0x11  }
0x26: {  	_ =	swait.ge @!p0 [sflag:s7], $0x80  }
0x27: {  	[sflag:s7] =	ssyncset.done @!p0 $0x0  }
0x28: {  	s8 =	simm.s32 @!p0 $0x4E80;
	s9 =	rddreg [dreg:$0x8];
	[sflag:s7] =	ssyncadd.s32 @!p0 $0xFFFFFF80  }
0x29: {  	[tilespmem:s8], [sflag:$0x11] =	stream.linear.gather @!p0 [hbm4b:s9+s5], $0x80, $0x38;
	[tilespmem:$0xB610] =	vst v63  }
0x2a: {  	_ =	swait.ge @!p0 [sflag:s7], $0x80  }
0x2b: {  	[sflag:s7] =	ssyncset.done @!p0 $0x0  }
0x2c: {  	[sflag:s7] =	ssyncadd.s32 @!p0 $0xFFFFFF80  }
0x2d: {  	[bflag:$0x0] =	sbarrier.arrive $0xFFFF  }
0x2e: {  	[tilespmem:s17], [sflag:$0x1] =	stream.indirect.gather [hbm4b:s4+s16], $0x10, s3, s16, $0xb8;
	[tilespmem:$0xB610] =	vst v63  }
0x2f: {  	_ = 	snop  }
0x30: {  	[tilespmem:s18], [sflag:$0x2] =	stream.indirect.gather [hbm4b:s4+s16], $0x10, s16, s16, $0xb8;
	[tilespmem:$0xB610] =	vst v63  }
0x31: {  	s24 =	simm.s32 $0x100  }
0x32: {  	[tilespmem:s20], [sflag:$0x3] =	stream.indirect.gather [hbm4b:s4+s16], $0x10, s24, s16, $0xb8;
	[tilespmem:$0xB610] =	vst v63  }
0x33: {  	s25 =	simm.s32 $0x180  }
0x34: {  	[tilespmem:s22], [sflag:$0x4] =	stream.indirect.gather [hbm4b:s4+s16], $0x10, s25, s16, $0xb8;
	[tilespmem:$0xB610] =	vst v63  }
0x35: {  	_ =	swait.ge [sflag:s23], $0x800  }
0x36: {  	[sflag:s23] =	ssyncset.done $0x0  }
0x37: {  	[sflag:s23] =	ssyncadd.s32 $0xFFFFF800  }
0x38: {  	[spmem:s2] =	stream.indirect.scatter.add.f32 [tilespmem:s17], [sflag:$0x9], $0x10, s10, s16, $0xb8;
	[tilespmem:$0xB610] =	vst v63  }
0x39: {  	s8 =	simm.s32 $0x6F00;
	s7 =	simm.s32 $0x200  }
0x3a: {  	[tilespmem:s8], [sflag:$0x5] =	stream.indirect.gather [hbm4b:s4+s16], $0x10, s7, s16, $0xb8;
	[tilespmem:$0xB610] =	vst v63  }
0x3b: {  	_ =	swait.ge [sflag:s26], $0x800  }
0x3c: {  	[sflag:s26] =	ssyncset.done $0x0  }
0x3d: {  	s9 =	simm.s32 $0x2800;
	[sflag:s26] =	ssyncadd.s32 $0xFFFFF800  }
0x3e: {  	[spmem:s2] =	stream.indirect.scatter.add.f32 [tilespmem:s18], [sflag:$0xA], $0x10, s9, s16, $0xb8;
	[tilespmem:$0xB610] =	vst v63  }
0x3f: {  	s11 =	simm.s32 $0x7700;
	s10 =	simm.s32 $0x280  }
0x40: {  	[tilespmem:s11], [sflag:$0x6] =	stream.indirect.gather [hbm4b:s4+s16], $0x10, s10, s16, $0xb8;
	[tilespmem:$0xB610] =	vst v63  }
0x41: {  	_ =	swait.ge [sflag:s31], $0x800  }
0x42: {  	[sflag:s31] =	ssyncset.done $0x0  }
0x43: {  	p1 =	por $0x0, $0x0;
	s12 =	simm.s32 $0x2880;
	[sflag:s31] =	ssyncadd.s32 $0xFFFFF800  }
0x44: {  	[spmem:s2] =	stream.indirect.scatter.add.f32 [tilespmem:s20], [sflag:$0xB], $0x10, s12, s16, $0xb8;
	[tilespmem:$0xB610] =	vst v63  }
0x45: {  	s15 =	simm.s32 $0x300;
	s24 =	simm.s32 $0x7F00;
	s25 =	simm.s32 $0x2900  }
0x46: {  	[tilespmem:s24], [sflag:$0x7] =	stream.indirect.gather [hbm4b:s4+s16], $0x10, s15, s16, $0xb8;
	[tilespmem:$0xB610] =	vst v63  }
0x47: {  	s7 =	simm.s32 $0x380;
	s9 =	simm.s32 $0x4;
	_ =	swait.ge [sflag:s21], $0x800  }
0x48: {  	s8 =	simm.s32 $0x8700;
	s5 =	sand.u32 $0x7, s9;
	[sflag:s21] =	ssyncset.done $0x0  }
0x49: {  	s9 =	simm.s32 @!p1 $0x80;
	s28 =	sshll.u32 s5, $0xB;
	[sflag:s21] =	ssyncadd.s32 $0xFFFFF800  }
0x4a: {  	[spmem:s2] =	stream.indirect.scatter.add.f32 [tilespmem:s22], [sflag:$0xC], $0x10, s25, s16, $0xb8;
	[tilespmem:$0xB610] =	vst v63  }
0x4b: {  	s10 =	sadd.s32 $0x1, s5;
	s11 =	simm.s32 $0x2980;
	s28 =	sadd.s32 $0x4F00, s28  }
0x4c: {  	[tilespmem:s8], [sflag:$0x8] =	stream.indirect.gather [hbm4b:s4+s16], $0x10, s7, s16, $0xb8;
	[tilespmem:$0xB610] =	vst v63  }
0x4d: {  	s12 =	sxor.u32 $0x4, s5;
	s5 =	sadd.s32 $0x9, s5;
	_ =	swait.ge [sflag:s10], $0x800  }
0x4e: {  	s24 =	simm.s32 $0x400;
	s8 =	simm.s32 $0x8;
	[sflag:s10] =	ssyncset.done $0x0  }
0x4f: {  	s15 =	sadd.s32 $0x9, s12;
	s7 =	sand.u32 @!p1 $0x7, s8;
	[sflag:s10] =	ssyncadd.s32 $0xFFFFF800  }
0x50: {  	[spmem:s2] =	stream.indirect.scatter.add.f32 [tilespmem:s28], [sflag:s5], $0x10, s11, s16, $0xb8;
	[tilespmem:$0xB610] =	vst v63  }
0x51: {  	s25 =	simm.s32 $0x9;
	s8 =	sshll.u32 @!p1 s7, $0xB;
	_ =	swait.ge [sflag:s15], $0x800  }
0x52: {  	s7 =	sadd.s32 @!p1 $0x1, s7;
	s8 =	sadd.s32 @!p1 $0x4F00, s8;
	[sflag:s15] =	ssyncset.done $0x0  }
0x53: {  	s28 =	simm.s32 $0x2A00;
	s5 =	simm.s32 $0x480;
	[sflag:s15] =	ssyncadd.s32 $0xFFFFF800  }
.LBB2_2:
0x54: {  	[tilespmem:s8], [sflag:s7] =	stream.indirect.gather @!p1 [hbm4b:s4+s9], $0x10, s24, s9, $0xb8;
	[tilespmem:$0xB610] =	vst v63  }
0x55: {  	s7 =	smov.u32 s25;
	s8 =	smov.u32 s28;
	s24 =	smov.u32 s5  }
0x56: {  	s25 =	sadd.s32 $0x1, s25;
	s9 =	sadd.s32 $0xFFFFFFFC, s7  }
0x57: {  	p2 =	sne.s32 s25, $0x52;
	s10 =	sand.u32 $0x7, s9  }
0x58: {  	s11 =	sshll.u32 s10, $0xB;
	s12 =	sadd.s32 $0x1, s10;
	s15 =	sxor.u32 $0x4, s10  }
0x59: {  	s28 =	sadd.s32 $0x80, s28;
	p1 =	sgt.u32 s9, $0x49;
	_ =	swait.ge [sflag:s12], $0x800  }
0x5a: {  	s9 =	sadd.s32 $0x9, s10;
	s10 =	sadd.s32 $0x9, s15;
	[sflag:s12] =	ssyncset.done $0x0  }
.Ltmp0:
0x5b: {  	s11 =	sadd.s32 $0x4F00, s11;
	[sflag:s12] =	ssyncadd.s32 $0xFFFFF800;
	(pc) =	sbr.rel @p2 .LBB2_2-.Ltmp0, $4  }
0x5c: {  	[spmem:s2] =	stream.indirect.scatter.add.f32 [tilespmem:s11], [sflag:s9], $0x10, s8, s16, $0xb8;
	[tilespmem:$0xB610] =	vst v63  }
0x5d: {  	s5 =	sadd.s32 $0x80, s5;
	s7 =	sand.u32 @!p1 $0x7, s7;
	_ =	swait.ge [sflag:s10], $0x800  }
0x5e: {  	s8 =	sshll.u32 @!p1 s7, $0xB;
	s7 =	sadd.s32 @!p1 $0x1, s7;
	[sflag:s10] =	ssyncset.done $0x0  }
0x5f: {  	s9 =	simm.s32 @!p1 $0x80;
	s8 =	sadd.s32 @!p1 $0x4F00, s8;
	[sflag:s10] =	ssyncadd.s32 $0xFFFFF800  }
0x60: {  	[tilespmem:s8], [sflag:s7] =	stream.indirect.gather @!p1 [hbm4b:s4+s9], $0x10, s24, s9, $0xb8;
	[tilespmem:$0xB610] =	vst v63  }
0x61: {  	_ =	swait.ge [sflag:s29], $0x800  }
0x62: {  	[sflag:s29] =	ssyncset.done $0x0  }
0x63: {  	[sflag:s29] =	ssyncadd.s32 $0xFFFFF800  }
0x64: {  	_ =	swait.ge [sflag:s30], $0x800  }
0x65: {  	[sflag:s30] =	ssyncset.done $0x0  }
0x66: {  	[sflag:s30] =	ssyncadd.s32 $0xFFFFF800  }
0x67: {  	_ =	swait.ge [sflag:s0], $0x800  }
0x68: {  	[sflag:s0] =	ssyncset.done $0x0  }
0x69: {  	[sflag:s0] =	ssyncadd.s32 $0xFFFFF800  }
0x6a: {  	_ =	swait.ge [sflag:s1], $0x800  }
0x6b: {  	s5 =	simm.s32 @!p0 $0x80;
	[sflag:s1] =	ssyncset.done $0x0  }
0x6c: {  	s7 =	simm.s32 @!p0 $0x2700;
	s8 =	simm.s32 @!p0 $0x4F00;
	[sflag:s1] =	ssyncadd.s32 $0xFFFFF800  }
0x6d: {  	[tilespmem:s8], [sflag:$0x1] =	stream.indirect.gather @!p0 [hbm4b:s4+s5], $0x10, s7, s5, $0xb8;
	[tilespmem:$0xB610] =	vst v63  }
0x6e: {  	s7 =	simm.s32 @!p0 $0x1  }
0x6f: {  	_ =	swait.ge @!p0 [sflag:s7], $0x800  }
0x70: {  	[sflag:s7] =	ssyncset.done @!p0 $0x0  }
0x71: {  	[sflag:s7] =	ssyncadd.s32 @!p0 $0xFFFFF800;
	s7 =	simm.s32 @!p0 $0x4E80  }
0x72: {  	[spmem:s2] =	stream.indirect.scatter.add.f32 @!p0 [tilespmem:s8], [sflag:$0x11], $0x10, s7, s5, $0xb8;
	[tilespmem:$0xB610] =	vst v63  }
0x73: {  	s5 =	simm.s32 @!p0 $0x11  }
0x74: {  	_ =	swait.ge @!p0 [sflag:s5], $0x800  }
0x75: {  	[sflag:s5] =	ssyncset.done @!p0 $0x0  }
0x76: {  	[sflag:s5] =	ssyncadd.s32 @!p0 $0xFFFFF800  }
0x77: {  	[bflag:$0x0] =	sbarrier.arrive $0xFFFF  }
0x78: {  	s25 =	rddreg [dreg:$0x9]  }
0x79: {  	[hbm:s25], [sflag:s6] =	dma.local [spmem:s13], $0x4E2  }
0x7a: {  	_ =	swait.ge [sflag:s14], $0x4E2  }
0x7b: {  	s19 =	sadd.s32 $0x1, s19;
	s28 =	rddreg [dreg:$0xa]  }
0x7c: {  	p1 =	sne.s32 s19, s28  }
.Ltmp1:
0x7d: {  	_ = 	snop;
	(pc) =	sbr.rel @p1 .LBB2_1-.Ltmp1, $3  }
0x7e: {  	_ =	sdelay $0x1  }
0x7f: {  	[sflag:s14] =	ssyncset.done $0x0  }
0x80: {  	[sflag:s14] =	ssyncadd.s32 $0xFFFFFB1E  }
0x81: {  	_ =	sfence.sel $0x180000  }
0x82: {  	[bflag:$0x0] =	sbarrier.arrive $0xFFFF  }
0x83: {  	_ =	strace $0x9000004A  }
0x84: {  	s0 =	stileid.u32;
	[bflag:$0x2] =	sbarrier.arrive $0xFFFF  }
0x85: {  	p0 =	sne.s32 s0, $0x0;
	s0 =	rddreg [dreg:$0x3]  }
0x86: {  	s0 =	sadd.s32 @!p0 $0x100000, s0  }
0x87: {  	[sflag:s0] =	ssyncadd.tile.s32 @!p0 $0x1;
	_ =	shalt  }
.Lfunc_end2:
_tile_overlayer_lowered:
.L_overlay_start_2:
0x88: {  	(tag) =	ssettag $0x2  }
0x89: {  	s0 =	rddreg [dreg:$0x0];
	s2 =	stileid.u32  }
0x8a: {  	s1 =	rddreg [dreg:$0x1];
	p0 =	sne.s32 s2, $0x0  }
0x8b: {  	s3 =	rddreg [dreg:$0x2];
	[bflag:$0x3] =	sbarrier.arrive $0xFFFF;
	s2 =	simm.s32 @!p0 $0x1C11  }
0x8c: {  	[timem:s3], [sflag:s2] =	dma.local @!p0 [hbm:s0], s1  }
0x8d: {  	s0 =	simm.s32 @!p0 $0x11  }
0x8e: {  	_ =	swait.ge @!p0 [sflag:s0], s1  }
0x8f: {  	s1 =	ssub.s32 @!p0 $0x0, s1;
	[sflag:s0] =	ssyncset.done @!p0 $0x0  }
0x90: {  	[sflag:s0] =	ssyncadd.s32 @!p0 s1  }
0x91: {  	[bflag:$0x3] =	sbarrier.arrive $0xFFFF  }
0x92: {  	_ =	shalt  }

// kernel: kernel.14.cloned.1.call-start
scs
__scs_entry_jumppad:
0x0: {  	(pc) =	sbr.rel $0x88, $3  }
0x1: {  	(tag) =	ssettag $0x0;
	lr =	simm.s32 $0x1  }
0x2: {  	[smem:$0x3F9B] =	sst lr;
	_ =	strace $0xD0000000  }
0x3: {  	_ = 	snop  }
0x4: {  	_ = 	snop  }
0x5: {  	_ = 	snop  }
0x6: {  	_ = 	snop  }
0x7: {  	_ = 	snop  }
__scs_overlays_trampoline_lowered:
0x8: {  	[smem:$0x3FAA] =	sst s0  }
0x9: {  	[smem:$0x3FAB] =	sst s1  }
0xa: {  	[smem:$0x3FAC] =	sst s2  }
0xb: {  	[smem:$0x3FAD] =	sst s3  }
0xc: {  	[smem:$0x3FAE] =	sst s4  }
0xd: {  	[smem:$0x3FAF] =	sst s5  }
0xe: {  	[smem:$0x3FB0] =	sst s6  }
0xf: {  	[smem:$0x3FB1] =	sst s7  }
0x10: {  	[smem:$0x3FB2] =	sst s8  }
0x11: {  	[smem:$0x3FB3] =	sst s9;
	s0 =	simm.s32 @!p0 $0x0  }
0x12: {  	s1 =	sld [smem:$0x3F99];
	s0 =	simm.s32 @p0 $0x1  }
0x13: {  	[smem:$0x3FB4] =	sst s0;
	s0 =	simm.s32 @!p1 $0x0  }
0x14: {  	s2 =	sld [smem:$0x3F98];
	s0 =	simm.s32 @p1 $0x1  }
0x15: {  	[smem:$0x3FB5] =	sst s0;
	s0 =	simm.s32 @!p2 $0x0  }
0x16: {  	s3 =	sld [smem:$0x3FDB];
	s0 =	simm.s32 @p2 $0x1  }
0x17: {  	s4 =	simm.s32 $0x1BF5;
	[smem:$0x3FB7] =	sst s0  }
0x18: {  	s0 =	sld [smem:$0x3F9A];
	_ =	swait.ge [sflag:s4], $0x0  }
0x19: {  	s7 =	sld [smem:$0x3F9B]  }
0x1a: {  	s8 =	sadd.s32 $0xFFFFE003, lr  }
0x1b: {  	s9 =	sadd.s32 $0xFFFFFEF7, lr;
	s5 =	simm.s32 $0xFFFFFFFF;
	p2 =	slt.u32 s8, $0xFFFFF086  }
0x1c: {  	p1 =	slt.u32 s9, $0xF7A;
	s5 =	simm.s32 @!p2 $0x0  }
0x1d: {  	s5 =	simm.s32 @p1 $0x1;
	p0 =	seq.s32 s7, s2  }
0x1e: {  	s7 =	smul.u32 @!p0 $0xF7A, s2;
	p2 =	seq.s32 @!p0 s5, $0x0  }
0x1f: {  	s9 =	smul.u32 $0xF7A, s1;
	s8 =	simm.s32 @!p0 $0x1BF5;
	p2 =	por !p2, p0  }
0x20: {  	[sflag:s8] =	ssyncset.s32 @!p0 $0xFFFFF086;
	s6 =	sadd.s32 @!p0 s3, s7;
	s7 =	simm.s32 @!p0 $0x108  }
0x21: {  	s3 =	sadd.s32 s3, s9;
	s6 =	sadd.s32 @!p0 $0x88, s6;
	s7 =	simm.s32 @p2 $0x1082  }
0x22: {  	[simem:s7], [sflag:s8] =	dma.local @!p0 [hbm:s6], $0xF7A  }
0x23: {  	s9 =	sor.u32 $0xD0000000, s2;
	s6 =	simm.s32 $0x108;
	_ =	swait.ge @!p0 [sflag:s8], $0x0  }
0x24: {  	s3 =	sadd.s32 $0x88, s3;
	s6 =	simm.s32 @!p1 $0x1082;
	[sflag:s4] =	ssyncset.s32 $0xFFFFF086  }
0x25: {  	[simem:s6], [sflag:s4] =	dma.local [hbm:s3], $0xF7A  }
0x26: {  	[smem:$0x3F9B] =	sst s1;
	(tag) =	ssettag s2;
	_ =	strace s9  }
0x27: {  	s1 =	sld [smem:$0x3FAB]  }
0x28: {  	s2 =	sld [smem:$0x3FAC]  }
0x29: {  	s4 =	sld [smem:$0x3FAE]  }
0x2a: {  	p0 =	seq.s32 s5, $0x0;
	s5 =	sld [smem:$0x3FAF]  }
0x2b: {  	s6 =	sld [smem:$0x3FB0]  }
0x2c: {  	s7 =	sld [smem:$0x3FB1]  }
0x2d: {  	s3 =	simm.s32 $0x108;
	s8 =	sld [smem:$0x3FB2]  }
0x2e: {  	s3 =	simm.s32 @!p0 $0x1082;
	s9 =	sld [smem:$0x3FB3]  }
0x2f: {  	lr =	sadd.s32 s0, s3;
	s0 =	sld [smem:$0x3FAA]  }
0x30: {  	s3 =	sld [smem:$0x3FAD]  }
0x31: {  	[smem:$0x3FB6] =	sst s10  }
0x32: {  	s10 =	sld [smem:$0x3FB4];
	_ =	sdelay $0x3  }
0x33: {  	p0 =	seq.s32 s10, $0x1;
	s10 =	sld [smem:$0x3FB6];
	_ =	sdelay $0x3  }
0x34: {  	[smem:$0x3FB6] =	sst s10  }
0x35: {  	s10 =	sld [smem:$0x3FB5];
	_ =	sdelay $0x3  }
0x36: {  	p1 =	seq.s32 s10, $0x1;
	s10 =	sld [smem:$0x3FB6];
	_ =	sdelay $0x3  }
0x37: {  	[smem:$0x3FB6] =	sst s10  }
0x38: {  	s10 =	sld [smem:$0x3FB7]  }
0x39: {  	_ = 	snop;
	(pc) =	sbr.ind lr, $3  }
0x3a: {  	_ = 	snop  }
0x3b: {  	_ = 	snop  }
0x3c: {  	p2 =	seq.s32 s10, $0x1;
	s10 =	sld [smem:$0x3FB6]  }
0x3d: {  	_ =	shalt  }
0x3e: {  	_ =	shalt  }
0x3f: {  	_ =	shalt  }
0x40: {  	_ =	shalt  }
0x41: {  	_ =	shalt  }
0x42: {  	_ =	shalt  }
0x43: {  	_ =	shalt  }
0x44: {  	_ =	shalt  }
0x45: {  	_ =	shalt  }
0x46: {  	_ =	shalt  }
0x47: {  	_ =	shalt  }
0x48: {  	_ =	shalt  }
0x49: {  	_ =	shalt  }
0x4a: {  	_ =	shalt  }
0x4b: {  	_ =	shalt  }
0x4c: {  	_ =	shalt  }
0x4d: {  	_ =	shalt  }
0x4e: {  	_ =	shalt  }
0x4f: {  	_ =	shalt  }
0x50: {  	_ =	shalt  }
0x51: {  	_ =	shalt  }
0x52: {  	_ =	shalt  }
0x53: {  	_ =	shalt  }
0x54: {  	_ =	shalt  }
0x55: {  	_ =	shalt  }
0x56: {  	_ =	shalt  }
0x57: {  	_ =	shalt  }
0x58: {  	_ =	shalt  }
0x59: {  	_ =	shalt  }
0x5a: {  	_ =	shalt  }
0x5b: {  	_ =	shalt  }
0x5c: {  	_ =	shalt  }
0x5d: {  	_ =	shalt  }
0x5e: {  	_ =	shalt  }
0x5f: {  	_ =	shalt  }
0x60: {  	_ =	shalt  }
0x61: {  	_ =	shalt  }
0x62: {  	_ =	shalt  }
0x63: {  	_ =	shalt  }
0x64: {  	_ =	shalt  }
0x65: {  	_ =	shalt  }
0x66: {  	_ =	shalt  }
0x67: {  	_ =	shalt  }
0x68: {  	_ =	shalt  }
0x69: {  	_ =	shalt  }
0x6a: {  	_ =	shalt  }
0x6b: {  	_ =	shalt  }
0x6c: {  	_ =	shalt  }
0x6d: {  	_ =	shalt  }
0x6e: {  	_ =	shalt  }
0x6f: {  	_ =	shalt  }
0x70: {  	_ =	shalt  }
0x71: {  	_ =	shalt  }
0x72: {  	_ =	shalt  }
0x73: {  	_ =	shalt  }
0x74: {  	_ =	shalt  }
0x75: {  	_ =	shalt  }
0x76: {  	_ =	shalt  }
0x77: {  	_ =	shalt  }
0x78: {  	_ =	shalt  }
0x79: {  	_ =	shalt  }
0x7a: {  	_ =	shalt  }
0x7b: {  	_ =	shalt  }
0x7c: {  	_ =	shalt  }
0x7d: {  	_ =	shalt  }
0x7e: {  	_ =	shalt  }
0x7f: {  	_ =	shalt  }
0x80: {  	_ =	shalt  }
0x81: {  	_ =	shalt  }
0x82: {  	_ =	shalt  }
0x83: {  	_ =	shalt  }
0x84: {  	_ =	shalt  }
0x85: {  	_ =	shalt  }
0x86: {  	_ =	shalt  }
0x87: {  	_ =	shalt  }
.Lfunc_end0:
.L_simem_size_0:
called_computation.2_lowered:
.L_overlay_start_0:
0x88: {  	s2 =	sld [smem:$0x3FD9]  }
0x89: {  	s3 =	sld [smem:$0x3FFE];
	_ =	sdelay $0x1  }
0x8a: {  	s1 =	srdreg.scid  }
0x8b: {  	s0 =	sand.u32 $0x1, s1  }
0x8c: {  	s17 =	sshll.u32 s0, $0xA;
	s2 =	sadd.s32 s3, s2  }
0x8d: {  	s2 =	sadd.s32 s2, s17  }
0x8e: {  	[smem:$0x3FC2] =	sst s2  }
0x8f: {  	_ = 	snop  }
0x90: {  	s2 =	sld [smem:$0x3FC6]  }
0x91: {  	s18 =	sld [smem:$0x3FD0];
	(tm) =	ssettm $0x1  }
0x92: {  	s4 =	sld [smem:$0x3FFB];
	_ =	sdelay $0x3  }
0x93: {  	_ =	strace s4  }
0x94: {  	s4 =	sld [smem:$0x3FFC];
	_ =	sdelay $0x3  }
0x95: {  	_ =	strace s4  }
0x96: {  	s4 =	sld [smem:$0x3FFD];
	_ =	sdelay $0x3  }
0x97: {  	_ =	strace s4  }
0x98: {  	_ =	strace $0x8FFFFFFF  }
0x99: {  	s19 =	sld [smem:$0x3FDB];
	_ =	sdelay $0x1  }
0x9a: {  	s5 =	simm.s32 $_scs_section_size  }
0x9b: {  	s6 =	simm.s32 $_size__tile_overlayer_lowered;
	s7 =	simm.s32 $_tile_overlayer_lowered  }
0x9c: {  	s22 =	simm.s32 $0x1BFF;
	s21 =	sshll.u32 s7, $0x1;
	s4 =	sadd.s32 s5, s19  }
0x9d: {  	s8 =	simm.s32 $0x0;
	s20 =	sshll.u32 s6, $0x1;
	s6 =	sadd.s32 s21, s4  }
0x9e: {  	[timem:s8], [sflag:s22] =	dma.local [hbm:s6], s20  }
0x9f: {  	_ =	swait.ge [sflag:s22], s20  }
0xa0: {  	s5 =	ssub.s32 $0x0, s20;
	[sflag:s22] =	ssyncset.done $0x0  }
0xa1: {  	[sflag:s22] =	ssyncadd.s32 s5;
	_ =	sdelay $0x1  }
0xa2: {  	s23 =	simm.s32 $0x1B8B  }
0xa3: {  	_ =	swait.ge [sflag:s23], $0x1  }
0xa4: {  	[sflag:s23] =	ssyncset.done $0x0  }
0xa5: {  	s25 =	simm.s32 $0x1B8E;
	s24 =	sld [smem:$0x3FFE];
	[sflag:s23] =	ssyncadd.s32 $0xFFFFFFFF  }
0xa6: {  	s26 =	simm.s32 $execute0_lowered;
	[smem:$0x3FD2] =	sst s25  }
0xa7: {  	s6 =	sshll.u32 s26, $0x1;
	_ =	strace $0x8000004C;
	[dreg:$0x1] =	wrdreg $0xFFFFFFFF  }
0xa8: {  	s28 =	simm.s32 $_size_execute0_lowered;
	s4 =	sadd.s32 s4, s6;
	[dreg:$0x0] =	wrdreg $0x0  }
0xa9: {  	s6 =	sshll.u32 s28, $0x1;
	[dreg:$0x2] =	wrdreg s4  }
0xaa: {  	[dreg:$0x3] =	wrdreg s6  }
0xab: {  	[dreg:$0x4] =	wrdreg $0xC0  }
0xac: {  	_ =	task [dreg:s8], $0x5FFFF  }
0xad: {  	[dreg:$0x1] =	wrdreg $0xFFFFFFFF  }
0xae: {  	[dreg:$0x0] =	wrdreg $0x60  }
0xaf: {  	[dreg:$0x2] =	wrdreg s24  }
0xb0: {  	[dreg:$0x3] =	wrdreg s2  }
0xb1: {  	[dreg:$0x4] =	wrdreg s18  }
0xb2: {  	[dreg:$0x5] =	wrdreg $0x12B500  }
0xb3: {  	[dreg:$0x6] =	wrdreg $0x9  }
0xb4: {  	_ =	task.clear_ibuf [dreg:s8], $0x7FFFF;
	_ =	strace $0x9000004C  }
0xb5: {  	s29 =	simm.s32 $0x9;
	_ =	strace $0x8000004E  }
0xb6: {  	_ =	swait.ge [sflag:s29], $0x1  }
0xb7: {  	[sflag:s29] =	ssyncadd.s32 $0xFFFFFFFF  }
0xb8: {  	_ =	strace $0x9000004E  }
0xb9: {  	_ =	sfence  }
0xba: {  	s30 =	sld [smem:$0x0];
	_ =	sdelay $0x2  }
0xbb: {  	s31 =	sshll.u32 s1, $0xD;
	s1 =	sshrl.u32 s1, $0x2  }
0xbc: {  	s3 =	sand.u32 $0x4000, s31;
	s1 =	sadd.s32 s1, s30  }
0xbd: {  	s0 =	sor.u32 s3, s0;
	s1 =	sshll.u32 s1, $0x11  }
0xbe: {  	s0 =	sor.u32 s1, s0  }
0xbf: {  	s0 =	sadd.s32 $0x8F2B, s0  }
0xc0: {  	[sflag:s0] =	ssyncadd.remote.s32 $0x1  }
0xc1: {  	_ =	sfence.sel $0xFFFF  }
0xc2: {  	[dreg:$0x0] =	wrdreg $0xFFFFFFFF;
	(pc) =	sbr.abs _section_cstart, $3  }
0xc3: {  	[dreg:$0x1] =	wrdreg $0xFFFFFFFF  }
0xc4: {  	_ =	task.clear_ibuf [dreg:s8], $0x2FFFF;
	_ =	strace $0x9FFFFFFF  }
0xc5: {  	(tm) =	ssettm $0x7FFFFFFF  }
tec
execute0_lowered:
.L_overlay_start_1:
0x0: {  	(tag) =	ssettag $0x1  }
0x1: {  	s0 =	rddreg [dreg:$0x0]  }
0x2: {  	s1 =	rddreg [dreg:$0x2]  }
0x3: {  	s3 =	rddreg [dreg:$0x3]  }
0x4: {  	s13 =	stileid.u32;
	s5 =	srdreg.scid  }
0x5: {  	s4 =	simm.s32 $0x0;
	s28 =	simm.s32 $0x80;
	s29 =	simm.s32 $0xEB50  }
0x6: {  	s31 =	simm.s32 $0xF350;
	s30 =	simm.s32 $0x2;
	s2 =	smul.u32 $0x2710, s13  }
0x7: {  	s5 =	sand.u32 $0x1, s5;
	[smem:$0x7FF] =	sst s4;
	s9 =	sadd.s32 $0x1C00, s0  }
0x8: {  	s11 =	sadd.s32 $0x2E600, s0;
	s16 =	sshll.u32 s13, $0x6;
	s8 =	smul.u32 $0x27100, s5  }
0x9: {  	_ =	strace $0x8000004D;
	s10 =	ssub.s32 $0x2, s5;
	s5 =	sshll.u32 s5, $0x4  }
0xa: {  	s6 =	sshrl.u32 s2, $0x3;
	s15 =	sshrl.u32 s10, $0x1;
	s5 =	sor.u32 s13, s5  }
0xb: {  	s13 =	sshll.u32 s13, $0x4;
	s6 =	sadd.s32 s6, s0;
	s7 =	sadd.s32 s2, s8  }
0xc: {  	s10 =	ssub.s32 s10, s15;
	s2 =	sadd.s32 s2, s3;
	s20 =	smul.u32 $0x4E0, s5  }
0xd: {  	s21 =	sor.u32 $0x9C00, s13;
	s25 =	sshrl.u32 s8, $0x3;
	p0 =	sgt.u32 s5, $0x3  }
0xe: {  	s15 =	simm.s32 $0xC3D0;
	[dreg:$0x5] =	wrdreg s2;
	s17 =	sadd.s32 $0x10A00, s6  }
0xf: {  	s5 =	simm.s32 $0xD;
	s18 =	sadd.s32 $0xBA00, s6;
	[dreg:$0x6] =	wrdreg s17  }
0x10: {  	s8 =	simm.s32 $0x0;
	s19 =	sadd.s32 $0x15A00, s6;
	[dreg:$0x7] =	wrdreg s18  }
0x11: {  	s12 =	sshrl.u32 s7, $0x3;
	s14 =	sadd.s32 $0x1A820, s6;
	[dreg:$0x8] =	wrdreg s19  }
0x12: {  	s7 =	sor.u32 $0x1C11, s16;
	s6 =	sadd.s32 $0x1F800, s6;
	[dreg:$0x9] =	wrdreg s14  }
0x13: {  	s23 =	sadd.s32 s9, s21;
	s26 =	smax.u32 s10, $0x1;
	[dreg:$0xa] =	wrdreg s6  }
0x14: {  	s0 =	sadd.s32 s12, s0;
	s22 =	sadd.s32 s1, s20;
	[dreg:$0xe] =	wrdreg s23  }
0x15: {  	s2 =	sadd.s32 s9, s20;
	s1 =	sadd.s32 s1, s21;
	[dreg:$0x11] =	wrdreg s26  }
0x16: {  	s24 =	sadd.s32 s11, s12;
	s17 =	sadd.s32 s11, s25;
	[dreg:$0xb] =	wrdreg s22  }
0x17: {  	s20 =	simm.s32 $0x11;
	s14 =	simm.s32 $0x9C50;
	[dreg:$0xc] =	wrdreg s2  }
0x18: {  	s21 =	simm.s32 $0x10350;
	s23 =	simm.s32 $0xB;
	[dreg:$0xd] =	wrdreg s1  }
0x19: {  	s6 =	simm.s32 $0xE;
	[dreg:$0xf] =	wrdreg s24;
	s0 =	sadd.s32 $0x24800, s0  }
0x1a: {  	s22 =	simm.s32 $0x1;
	s24 =	simm.s32 $0x3;
	s1 =	simm.s32 $0x4  }
0x1b: {  	s2 =	simm.s32 $0xC;
	[dreg:$0x10] =	wrdreg s0;
	s0 =	simm.s32 $0xFB50  }
.LBB2_1:
0x1c: {  	s9 =	rddreg [dreg:$0x5]  }
0x1d: {  	s10 =	rddreg [dreg:$0x6];
	s9 =	sshrl.u32 s9, $0x3  }
0x1e: {  	[spmem:s9], [sflag:s7] =	dma.local [hbm:s10], $0x4E2  }
0x1f: {  	_ =	swait.ge [sflag:s20], $0x4E2  }
0x20: {  	[sflag:s20] =	ssyncset.done $0x0  }
0x21: {  	s25 =	rddreg [dreg:$0x7];
	[sflag:s20] =	ssyncadd.s32 $0xFFFFFB1E  }
0x22: {  	[tilespmem:s4], [sflag:$0x11] =	stream.linear.gather [hbm4b:s25+s4], $0x2710, $0x38;
	[tilespmem:$0x15260] =	vst v63  }
0x23: {  	_ =	swait.ge [sflag:s20], $0x2710  }
0x24: {  	[sflag:s20] =	ssyncset.done $0x0  }
0x25: {  	s11 =	simm.s32 $0x2710;
	s26 =	rddreg [dreg:$0x8];
	[sflag:s20] =	ssyncadd.s32 $0xFFFFD8F0  }
0x26: {  	[tilespmem:s11], [sflag:$0x11] =	stream.linear.gather [hbm4b:s26+s4], $0x2710, $0x38;
	[tilespmem:$0x15260] =	vst v63  }
0x27: {  	_ =	swait.ge [sflag:s20], $0x2710  }
0x28: {  	[sflag:s20] =	ssyncset.done $0x0  }
0x29: {  	s12 =	simm.s32 $0x4E20;
	s11 =	rddreg [dreg:$0x9];
	[sflag:s20] =	ssyncadd.s32 $0xFFFFD8F0  }
0x2a: {  	[tilespmem:s12], [sflag:$0x11] =	stream.linear.gather [hbm4b:s11+s4], $0x2710, $0x38;
	[tilespmem:$0x15260] =	vst v63  }
0x2b: {  	_ =	swait.ge [sflag:s20], $0x2710  }
0x2c: {  	[sflag:s20] =	ssyncset.done $0x0  }
0x2d: {  	s16 =	simm.s32 $0x7530;
	s13 =	rddreg [dreg:$0xa];
	[sflag:s20] =	ssyncadd.s32 $0xFFFFD8F0  }
0x2e: {  	[tilespmem:s16], [sflag:$0x11] =	stream.linear.gather [hbm4b:s13+s4], $0x2710, $0x38;
	[tilespmem:$0x15260] =	vst v63  }
0x2f: {  	_ =	swait.ge [sflag:s20], $0x2710  }
0x30: {  	[sflag:s20] =	ssyncset.done $0x0  }
0x31: {  	[sflag:s20] =	ssyncadd.s32 $0xFFFFD8F0  }
0x32: {  	s19 =	simm.s32 $0x9C40;
	s18 =	rddreg [dreg:$0x1]  }
0x33: {  	[tilespmem:s19], [sflag:$0x11] =	stream.linear.gather [hbm4b:s18+s4], $0x10, $0x38;
	[tilespmem:$0x15260] =	vst v63  }
0x34: {  	_ =	swait.ge [sflag:s20], $0x10  }
0x35: {  	[sflag:s20] =	ssyncset.done $0x0  }
0x36: {  	s25 =	rddreg [dreg:$0xb];
	[sflag:s20] =	ssyncadd.s32 $0xFFFFFFF0  }
0x37: {  	[tilespmem:s14], [sflag:$0x11] =	stream.linear.gather [hbm4b:s25+s4], $0x2700, $0x38;
	[tilespmem:$0x15260] =	vst v63  }
0x38: {  	_ =	swait.ge [sflag:s20], $0x2700  }
0x39: {  	[sflag:s20] =	ssyncset.done $0x0  }
0x3a: {  	s26 =	rddreg [dreg:$0xc];
	[sflag:s20] =	ssyncadd.s32 $0xFFFFD900  }
0x3b: {  	[tilespmem:s15], [sflag:$0x11] =	stream.linear.gather [hbm4b:s26+s4], $0x2700, $0x38;
	[tilespmem:$0x15260] =	vst v63  }
0x3c: {  	_ =	swait.ge [sflag:s20], $0x2700  }
0x3d: {  	s10 =	simm.s32 @!p0 $0x0;
	[sflag:s20] =	ssyncset.done $0x0  }
0x3e: {  	s11 =	simm.s32 @!p0 $0xC350;
	s12 =	rddreg [dreg:$0xd];
	[sflag:s20] =	ssyncadd.s32 $0xFFFFD900  }
0x3f: {  	[tilespmem:s11], [sflag:$0x11] =	stream.linear.gather @!p0 [hbm4b:s12+s10], $0x80, $0x38;
	[tilespmem:$0x15260] =	vst v63  }
0x40: {  	s11 =	simm.s32 @!p0 $0x11  }
0x41: {  	_ =	swait.ge @!p0 [sflag:s11], $0x80  }
0x42: {  	[sflag:s11] =	ssyncset.done @!p0 $0x0  }
0x43: {  	s12 =	simm.s32 @!p0 $0xEAD0;
	s13 =	rddreg [dreg:$0xe];
	[sflag:s11] =	ssyncadd.s32 @!p0 $0xFFFFFF80  }
0x44: {  	[tilespmem:s12], [sflag:$0x11] =	stream.linear.gather @!p0 [hbm4b:s13+s10], $0x80, $0x38;
	[tilespmem:$0x15260] =	vst v63  }
0x45: {  	_ =	swait.ge @!p0 [sflag:s11], $0x80  }
0x46: {  	[sflag:s11] =	ssyncset.done @!p0 $0x0  }
0x47: {  	[sflag:s11] =	ssyncadd.s32 @!p0 $0xFFFFFF80  }
0x48: {  	s10 =	simm.s32 $0x0;
	v0 =	vld [tilespmem:$0x9C40]  }
0x49: {  	s11 =	simm.s32 $0x40;
	v1 =	vld [tilespmem:s10+$0x2710]  }
.LBB2_2:
0x4a: {  	p1 =	sne.s32 s11, $0x9C00;
	v2 =	vld [tilespmem:s10+$0x0];
	_ =	sdelay $0x1  }
0x4b: {  	v3 =	vld [tilespmem:s10+$0x4E20];
	_ =	sdelay $0x1  }
0x4c: {  	v4 =	vld [tilespmem:s10+$0x7530]  }
0x4d: {  	v1 =	vadd.f32 v1, v2;
	_ =	sdelay $0x1  }
0x4e: {  	v1 =	vadd.f32 v3, v1;
	_ =	sdelay $0x1  }
0x4f: {  	v1 =	vmul.f32 v4, v1;
	_ =	sdelay $0x1  }
0x50: {  	v1 =	vadd.f32 v1, v0  }
.Ltmp0:
0x51: {  	(pc) =	sbr.rel @p1 .LBB2_2-.Ltmp0, $4  }
0x52: {  	v1 =	vmax.f32 v1, $0.0e+00  }
0x53: {  	v2 =	vmul.f32 v1, v4  }
0x54: {  	s12 =	sshra.s32 s11, $0x2  }
0x55: {  	s11 =	sadd.s32 $0x40, s11;
	v1 =	vld [tilespmem:s12+$0x2710];
	[tilespmem:s10+$0x0] =	vst v2;
	s10 =	smov.u32 s12  }
0x56: {  	v2 =	vld [tilespmem:s10+$0x0];
	_ =	sdelay $0x1  }
0x57: {  	v3 =	vld [tilespmem:s10+$0x4E20];
	_ =	sdelay $0x1  }
0x58: {  	v4 =	vld [tilespmem:s10+$0x7530]  }
0x59: {  	v1 =	vadd.f32 v1, v2;
	_ =	sdelay $0x1  }
0x5a: {  	v1 =	vadd.f32 v3, v1;
	_ =	sdelay $0x1  }
0x5b: {  	v1 =	vmul.f32 v4, v1;
	_ =	sdelay $0x1  }
0x5c: {  	v0 =	vadd.f32 v1, v0;
	_ =	sdelay $0x1  }
0x5d: {  	v0 =	vmax.f32 v0, $0.0e+00  }
0x5e: {  	v0 =	vmul.f32 v0, v4;
	_ =	sdelay $0x1  }
0x5f: {  	s12 =	rddreg [dreg:$0xf];
	[tilespmem:s10+$0x0] =	vst v0  }
0x60: {  	[hbm4b:s12+s4] =	stream.linear.scatter [tilespmem:s4], [sflag:$0x11], $0x2710, $0x38;
	[tilespmem:$0x15260] =	vst v63  }
0x61: {  	_ =	swait.ge [sflag:s20], $0x2710  }
0x62: {  	[sflag:s20] =	ssyncset.done $0x0  }
0x63: {  	[sflag:s20] =	ssyncadd.s32 $0xFFFFD8F0  }
0x64: {  	[bflag:$0x0] =	sbarrier.arrive $0xFFFF  }
0x65: {  	[tilespmem:s29], [sflag:$0x1] =	stream.indirect.gather [hbm4b:s17+s28], $0x10, s14, s28, $0xb8;
	[tilespmem:$0x15260] =	vst v63  }
0x66: {  	s13 =	simm.s32 $0x9CD0  }
0x67: {  	[tilespmem:s31], [sflag:$0x2] =	stream.indirect.gather [hbm4b:s17+s28], $0x10, s13, s28, $0xb8;
	[tilespmem:$0x15260] =	vst v63  }
0x68: {  	s14 =	simm.s32 $0x9D50  }
0x69: {  	[tilespmem:s0], [sflag:$0x3] =	stream.indirect.gather [hbm4b:s17+s28], $0x10, s14, s28, $0xb8;
	[tilespmem:$0x15260] =	vst v63  }
0x6a: {  	s16 =	simm.s32 $0x9DD0  }
0x6b: {  	[tilespmem:s21], [sflag:$0x4] =	stream.indirect.gather [hbm4b:s17+s28], $0x10, s16, s28, $0xb8;
	[tilespmem:$0x15260] =	vst v63  }
0x6c: {  	_ =	swait.ge [sflag:s22], $0x800  }
0x6d: {  	[sflag:s22] =	ssyncset.done $0x0  }
0x6e: {  	[sflag:s22] =	ssyncadd.s32 $0xFFFFF800  }
0x6f: {  	[spmem:s3] =	stream.indirect.scatter.add.f32 [tilespmem:s29], [sflag:$0x9], $0x10, s15, s28, $0xb8;
	[tilespmem:$0x15260] =	vst v63  }
0x70: {  	s18 =	simm.s32 $0x9E50;
	s11 =	simm.s32 $0x10B50  }
0x71: {  	[tilespmem:s11], [sflag:$0x5] =	stream.indirect.gather [hbm4b:s17+s28], $0x10, s18, s28, $0xb8;
	[tilespmem:$0x15260] =	vst v63  }
0x72: {  	_ =	swait.ge [sflag:s30], $0x800  }
0x73: {  	[sflag:s30] =	ssyncset.done $0x0  }
0x74: {  	s19 =	simm.s32 $0xC450;
	[sflag:s30] =	ssyncadd.s32 $0xFFFFF800  }
0x75: {  	[spmem:s3] =	stream.indirect.scatter.add.f32 [tilespmem:s31], [sflag:$0xA], $0x10, s19, s28, $0xb8;
	[tilespmem:$0x15260] =	vst v63  }
0x76: {  	s25 =	simm.s32 $0x9ED0;
	s26 =	simm.s32 $0x11350  }
0x77: {  	[tilespmem:s26], [sflag:$0x6] =	stream.indirect.gather [hbm4b:s17+s28], $0x10, s25, s28, $0xb8;
	[tilespmem:$0x15260] =	vst v63  }
0x78: {  	_ =	swait.ge [sflag:s24], $0x800  }
0x79: {  	[sflag:s24] =	ssyncset.done $0x0  }
0x7a: {  	p1 =	por $0x0, $0x0;
	s11 =	simm.s32 $0xC4D0;
	[sflag:s24] =	ssyncadd.s32 $0xFFFFF800  }
0x7b: {  	[spmem:s3] =	stream.indirect.scatter.add.f32 [tilespmem:s0], [sflag:$0xB], $0x10, s11, s28, $0xb8;
	[tilespmem:$0x15260] =	vst v63  }
0x7c: {  	s10 =	simm.s32 $0xA050;
	s12 =	simm.s32 $0x9F50;
	s13 =	simm.s32 $0x11B50  }
0x7d: {  	[tilespmem:s13], [sflag:$0x7] =	stream.indirect.gather [hbm4b:s17+s28], $0x10, s12, s28, $0xb8;
	[tilespmem:$0x15260] =	vst v63  }
0x7e: {  	s14 =	simm.s32 $0xC550;
	s16 =	simm.s32 $0x12350;
	_ =	swait.ge [sflag:s1], $0x800  }
0x7f: {  	s15 =	simm.s32 $0x9FD0;
	s18 =	simm.s32 $0x4;
	[sflag:s1] =	ssyncset.done $0x0  }
0x80: {  	s19 =	simm.s32 $0xC5D0;
	s12 =	sand.u32 $0x7, s18;
	[sflag:s1] =	ssyncadd.s32 $0xFFFFF800  }
0x81: {  	[spmem:s3] =	stream.indirect.scatter.add.f32 [tilespmem:s21], [sflag:$0xC], $0x10, s14, s28, $0xb8;
	[tilespmem:$0x15260] =	vst v63  }
0x82: {  	s11 =	simm.s32 $0x9;
	s13 =	sadd.s32 $0x1, s12;
	s25 =	sxor.u32 $0x4, s12  }
0x83: {  	[tilespmem:s16], [sflag:$0x8] =	stream.indirect.gather [hbm4b:s17+s28], $0x10, s15, s28, $0xb8;
	[tilespmem:$0x15260] =	vst v63  }
0x84: {  	s26 =	sadd.s32 $0x9, s25;
	s14 =	simm.s32 $0x8;
	_ =	swait.ge [sflag:s13], $0x800  }
0x85: {  	s14 =	sand.u32 @!p1 $0x7, s14;
	s16 =	sshll.u32 s12, $0xB;
	[sflag:s13] =	ssyncset.done $0x0  }
0x86: {  	s12 =	sadd.s32 $0x9, s12;
	s16 =	sadd.s32 $0xEB50, s16;
	[sflag:s13] =	ssyncadd.s32 $0xFFFFF800  }
0x87: {  	[spmem:s3] =	stream.indirect.scatter.add.f32 [tilespmem:s16], [sflag:s12], $0x10, s19, s28, $0xb8;
	[tilespmem:$0x15260] =	vst v63  }
0x88: {  	s13 =	simm.s32 $0xA0D0;
	s12 =	simm.s32 $0xC650;
	_ =	swait.ge [sflag:s26], $0x800  }
0x89: {  	s16 =	sshll.u32 @!p1 s14, $0xB;
	s14 =	sadd.s32 @!p1 $0x1, s14;
	[sflag:s26] =	ssyncset.done $0x0  }
0x8a: {  	s15 =	sadd.s32 @!p1 $0xEB50, s16;
	s16 =	simm.s32 @!p1 $0x80;
	[sflag:s26] =	ssyncadd.s32 $0xFFFFF800  }
.LBB2_4:
0x8b: {  	[tilespmem:s15], [sflag:s14] =	stream.indirect.gather @!p1 [hbm4b:s17+s16], $0x10, s10, s16, $0xb8;
	[tilespmem:$0x15260] =	vst v63  }
0x8c: {  	s14 =	smov.u32 s11;
	s15 =	smov.u32 s12;
	s10 =	smov.u32 s13  }
0x8d: {  	s11 =	sadd.s32 $0x1, s11;
	s16 =	sadd.s32 $0xFFFFFFFC, s14  }
0x8e: {  	p2 =	sne.s32 s11, $0x52;
	s18 =	sand.u32 $0x7, s16  }
0x8f: {  	s19 =	sshll.u32 s18, $0xB;
	s25 =	sadd.s32 $0x1, s18;
	s26 =	sxor.u32 $0x4, s18  }
0x90: {  	s12 =	sadd.s32 $0x80, s12;
	p1 =	sgt.u32 s16, $0x49;
	_ =	swait.ge [sflag:s25], $0x800  }
0x91: {  	s16 =	sadd.s32 $0x9, s18;
	s18 =	sadd.s32 $0x9, s26;
	[sflag:s25] =	ssyncset.done $0x0  }
.Ltmp1:
0x92: {  	s19 =	sadd.s32 $0xEB50, s19;
	[sflag:s25] =	ssyncadd.s32 $0xFFFFF800;
	(pc) =	sbr.rel @p2 .LBB2_4-.Ltmp1, $4  }
0x93: {  	[spmem:s3] =	stream.indirect.scatter.add.f32 [tilespmem:s19], [sflag:s16], $0x10, s15, s28, $0xb8;
	[tilespmem:$0x15260] =	vst v63  }
0x94: {  	s13 =	sadd.s32 $0x80, s13;
	s14 =	sand.u32 @!p1 $0x7, s14;
	_ =	swait.ge [sflag:s18], $0x800  }
0x95: {  	s15 =	sshll.u32 @!p1 s14, $0xB;
	s14 =	sadd.s32 @!p1 $0x1, s14;
	[sflag:s18] =	ssyncset.done $0x0  }
0x96: {  	s16 =	simm.s32 @!p1 $0x80;
	s15 =	sadd.s32 @!p1 $0xEB50, s15;
	[sflag:s18] =	ssyncadd.s32 $0xFFFFF800  }
0x97: {  	[tilespmem:s15], [sflag:s14] =	stream.indirect.gather @!p1 [hbm4b:s17+s16], $0x10, s10, s16, $0xb8;
	[tilespmem:$0x15260] =	vst v63  }
0x98: {  	_ =	swait.ge [sflag:s23], $0x800  }
0x99: {  	[sflag:s23] =	ssyncset.done $0x0  }
0x9a: {  	[sflag:s23] =	ssyncadd.s32 $0xFFFFF800  }
0x9b: {  	_ =	swait.ge [sflag:s2], $0x800  }
0x9c: {  	[sflag:s2] =	ssyncset.done $0x0  }
0x9d: {  	[sflag:s2] =	ssyncadd.s32 $0xFFFFF800  }
0x9e: {  	_ =	swait.ge [sflag:s5], $0x800  }
0x9f: {  	[sflag:s5] =	ssyncset.done $0x0  }
0xa0: {  	[sflag:s5] =	ssyncadd.s32 $0xFFFFF800  }
0xa1: {  	_ =	swait.ge [sflag:s6], $0x800  }
0xa2: {  	s10 =	simm.s32 @!p0 $0x80;
	[sflag:s6] =	ssyncset.done $0x0  }
0xa3: {  	s11 =	simm.s32 @!p0 $0xC350;
	s12 =	simm.s32 @!p0 $0xEB50;
	[sflag:s6] =	ssyncadd.s32 $0xFFFFF800  }
0xa4: {  	[tilespmem:s12], [sflag:$0x1] =	stream.indirect.gather @!p0 [hbm4b:s17+s10], $0x10, s11, s10, $0xb8;
	[tilespmem:$0x15260] =	vst v63  }
0xa5: {  	s11 =	simm.s32 @!p0 $0x1  }
0xa6: {  	_ =	swait.ge @!p0 [sflag:s11], $0x800  }
0xa7: {  	[sflag:s11] =	ssyncset.done @!p0 $0x0  }
0xa8: {  	[sflag:s11] =	ssyncadd.s32 @!p0 $0xFFFFF800;
	s11 =	simm.s32 @!p0 $0xEAD0  }
0xa9: {  	[spmem:s3] =	stream.indirect.scatter.add.f32 @!p0 [tilespmem:s12], [sflag:$0x11], $0x10, s11, s10, $0xb8;
	[tilespmem:$0x15260] =	vst v63  }
0xaa: {  	s10 =	simm.s32 @!p0 $0x11  }
0xab: {  	_ =	swait.ge @!p0 [sflag:s10], $0x800  }
0xac: {  	[sflag:s10] =	ssyncset.done @!p0 $0x0  }
0xad: {  	[sflag:s10] =	ssyncadd.s32 @!p0 $0xFFFFF800  }
0xae: {  	[bflag:$0x0] =	sbarrier.arrive $0xFFFF  }
0xaf: {  	s25 =	rddreg [dreg:$0x10]  }
0xb0: {  	[hbm:s25], [sflag:s7] =	dma.local [spmem:s9], $0x4E2  }
0xb1: {  	_ =	swait.ge [sflag:s20], $0x4E2  }
0xb2: {  	s8 =	sadd.s32 $0x1, s8;
	s26 =	rddreg [dreg:$0x11]  }
0xb3: {  	p1 =	sne.s32 s8, s26  }
.Ltmp2:
0xb4: {  	_ = 	snop;
	(pc) =	sbr.rel @p1 .LBB2_1-.Ltmp2, $3  }
0xb5: {  	_ =	sdelay $0x1  }
0xb6: {  	[sflag:s20] =	ssyncset.done $0x0  }
0xb7: {  	s14 =	simm.s32 $0x9C50;
	s15 =	simm.s32 $0xC3D0;
	[sflag:s20] =	ssyncadd.s32 $0xFFFFFB1E  }
0xb8: {  	_ =	sfence.sel $0x180000  }
0xb9: {  	[bflag:$0x0] =	sbarrier.arrive $0xFFFF  }
0xba: {  	_ =	strace $0x9000004D  }
0xbb: {  	s0 =	stileid.u32;
	[bflag:$0x2] =	sbarrier.arrive $0xFFFF  }
0xbc: {  	p0 =	sne.s32 s0, $0x0;
	s0 =	rddreg [dreg:$0x4]  }
0xbd: {  	s0 =	sadd.s32 @!p0 $0x100000, s0  }
0xbe: {  	[sflag:s0] =	ssyncadd.tile.s32 @!p0 $0x1;
	_ =	shalt  }
.Lfunc_end2:
_tile_overlayer_lowered:
.L_overlay_start_2:
0xbf: {  	(tag) =	ssettag $0x2  }
0xc0: {  	s0 =	rddreg [dreg:$0x0];
	s2 =	stileid.u32  }
0xc1: {  	s1 =	rddreg [dreg:$0x1];
	p0 =	sne.s32 s2, $0x0  }
0xc2: {  	s3 =	rddreg [dreg:$0x2];
	[bflag:$0x3] =	sbarrier.arrive $0xFFFF;
	s2 =	simm.s32 @!p0 $0x1C11  }
0xc3: {  	[timem:s3], [sflag:s2] =	dma.local @!p0 [hbm:s0], s1  }
0xc4: {  	s0 =	simm.s32 @!p0 $0x11  }
0xc5: {  	_ =	swait.ge @!p0 [sflag:s0], s1  }
0xc6: {  	s1 =	ssub.s32 @!p0 $0x0, s1;
	[sflag:s0] =	ssyncset.done @!p0 $0x0  }
0xc7: {  	[sflag:s0] =	ssyncadd.s32 @!p0 s1  }
0xc8: {  	[bflag:$0x3] =	sbarrier.arrive $0xFFFF  }
0xc9: {  	_ =	shalt  }

// kernel: kernel.8.cloned.1.call-start
scs
__scs_entry_jumppad:
0x0: {  	(pc) =	sbr.rel $0x88, $3  }
0x1: {  	(tag) =	ssettag $0x0;
	lr =	simm.s32 $0x1  }
0x2: {  	[smem:$0x3F9B] =	sst lr;
	_ =	strace $0xD0000000  }
0x3: {  	_ = 	snop  }
0x4: {  	_ = 	snop  }
0x5: {  	_ = 	snop  }
0x6: {  	_ = 	snop  }
0x7: {  	_ = 	snop  }
__scs_overlays_trampoline_lowered:
0x8: {  	[smem:$0x3FAA] =	sst s0  }
0x9: {  	[smem:$0x3FAB] =	sst s1  }
0xa: {  	[smem:$0x3FAC] =	sst s2  }
0xb: {  	[smem:$0x3FAD] =	sst s3  }
0xc: {  	[smem:$0x3FAE] =	sst s4  }
0xd: {  	[smem:$0x3FAF] =	sst s5  }
0xe: {  	[smem:$0x3FB0] =	sst s6  }
0xf: {  	[smem:$0x3FB1] =	sst s7  }
0x10: {  	[smem:$0x3FB2] =	sst s8  }
0x11: {  	[smem:$0x3FB3] =	sst s9;
	s0 =	simm.s32 @!p0 $0x0  }
0x12: {  	s1 =	sld [smem:$0x3F99];
	s0 =	simm.s32 @p0 $0x1  }
0x13: {  	[smem:$0x3FB4] =	sst s0;
	s0 =	simm.s32 @!p1 $0x0  }
0x14: {  	s2 =	sld [smem:$0x3F98];
	s0 =	simm.s32 @p1 $0x1  }
0x15: {  	[smem:$0x3FB5] =	sst s0;
	s0 =	simm.s32 @!p2 $0x0  }
0x16: {  	s3 =	sld [smem:$0x3FDB];
	s0 =	simm.s32 @p2 $0x1  }
0x17: {  	s4 =	simm.s32 $0x1BF5;
	[smem:$0x3FB7] =	sst s0  }
0x18: {  	s0 =	sld [smem:$0x3F9A];
	_ =	swait.ge [sflag:s4], $0x0  }
0x19: {  	s7 =	sld [smem:$0x3F9B]  }
0x1a: {  	s8 =	sadd.s32 $0xFFFFE003, lr  }
0x1b: {  	s9 =	sadd.s32 $0xFFFFFEF7, lr;
	s5 =	simm.s32 $0xFFFFFFFF;
	p2 =	slt.u32 s8, $0xFFFFF086  }
0x1c: {  	p1 =	slt.u32 s9, $0xF7A;
	s5 =	simm.s32 @!p2 $0x0  }
0x1d: {  	s5 =	simm.s32 @p1 $0x1;
	p0 =	seq.s32 s7, s2  }
0x1e: {  	s7 =	smul.u32 @!p0 $0xF7A, s2;
	p2 =	seq.s32 @!p0 s5, $0x0  }
0x1f: {  	s9 =	smul.u32 $0xF7A, s1;
	s8 =	simm.s32 @!p0 $0x1BF5;
	p2 =	por !p2, p0  }
0x20: {  	[sflag:s8] =	ssyncset.s32 @!p0 $0xFFFFF086;
	s6 =	sadd.s32 @!p0 s3, s7;
	s7 =	simm.s32 @!p0 $0x108  }
0x21: {  	s3 =	sadd.s32 s3, s9;
	s6 =	sadd.s32 @!p0 $0x88, s6;
	s7 =	simm.s32 @p2 $0x1082  }
0x22: {  	[simem:s7], [sflag:s8] =	dma.local @!p0 [hbm:s6], $0xF7A  }
0x23: {  	s9 =	sor.u32 $0xD0000000, s2;
	s6 =	simm.s32 $0x108;
	_ =	swait.ge @!p0 [sflag:s8], $0x0  }
0x24: {  	s3 =	sadd.s32 $0x88, s3;
	s6 =	simm.s32 @!p1 $0x1082;
	[sflag:s4] =	ssyncset.s32 $0xFFFFF086  }
0x25: {  	[simem:s6], [sflag:s4] =	dma.local [hbm:s3], $0xF7A  }
0x26: {  	[smem:$0x3F9B] =	sst s1;
	(tag) =	ssettag s2;
	_ =	strace s9  }
0x27: {  	s1 =	sld [smem:$0x3FAB]  }
0x28: {  	s2 =	sld [smem:$0x3FAC]  }
0x29: {  	s4 =	sld [smem:$0x3FAE]  }
0x2a: {  	p0 =	seq.s32 s5, $0x0;
	s5 =	sld [smem:$0x3FAF]  }
0x2b: {  	s6 =	sld [smem:$0x3FB0]  }
0x2c: {  	s7 =	sld [smem:$0x3FB1]  }
0x2d: {  	s3 =	simm.s32 $0x108;
	s8 =	sld [smem:$0x3FB2]  }
0x2e: {  	s3 =	simm.s32 @!p0 $0x1082;
	s9 =	sld [smem:$0x3FB3]  }
0x2f: {  	lr =	sadd.s32 s0, s3;
	s0 =	sld [smem:$0x3FAA]  }
0x30: {  	s3 =	sld [smem:$0x3FAD]  }
0x31: {  	[smem:$0x3FB6] =	sst s10  }
0x32: {  	s10 =	sld [smem:$0x3FB4];
	_ =	sdelay $0x3  }
0x33: {  	p0 =	seq.s32 s10, $0x1;
	s10 =	sld [smem:$0x3FB6];
	_ =	sdelay $0x3  }
0x34: {  	[smem:$0x3FB6] =	sst s10  }
0x35: {  	s10 =	sld [smem:$0x3FB5];
	_ =	sdelay $0x3  }
0x36: {  	p1 =	seq.s32 s10, $0x1;
	s10 =	sld [smem:$0x3FB6];
	_ =	sdelay $0x3  }
0x37: {  	[smem:$0x3FB6] =	sst s10  }
0x38: {  	s10 =	sld [smem:$0x3FB7]  }
0x39: {  	_ = 	snop;
	(pc) =	sbr.ind lr, $3  }
0x3a: {  	_ = 	snop  }
0x3b: {  	_ = 	snop  }
0x3c: {  	p2 =	seq.s32 s10, $0x1;
	s10 =	sld [smem:$0x3FB6]  }
0x3d: {  	_ =	shalt  }
0x3e: {  	_ =	shalt  }
0x3f: {  	_ =	shalt  }
0x40: {  	_ =	shalt  }
0x41: {  	_ =	shalt  }
0x42: {  	_ =	shalt  }
0x43: {  	_ =	shalt  }
0x44: {  	_ =	shalt  }
0x45: {  	_ =	shalt  }
0x46: {  	_ =	shalt  }
0x47: {  	_ =	shalt  }
0x48: {  	_ =	shalt  }
0x49: {  	_ =	shalt  }
0x4a: {  	_ =	shalt  }
0x4b: {  	_ =	shalt  }
0x4c: {  	_ =	shalt  }
0x4d: {  	_ =	shalt  }
0x4e: {  	_ =	shalt  }
0x4f: {  	_ =	shalt  }
0x50: {  	_ =	shalt  }
0x51: {  	_ =	shalt  }
0x52: {  	_ =	shalt  }
0x53: {  	_ =	shalt  }
0x54: {  	_ =	shalt  }
0x55: {  	_ =	shalt  }
0x56: {  	_ =	shalt  }
0x57: {  	_ =	shalt  }
0x58: {  	_ =	shalt  }
0x59: {  	_ =	shalt  }
0x5a: {  	_ =	shalt  }
0x5b: {  	_ =	shalt  }
0x5c: {  	_ =	shalt  }
0x5d: {  	_ =	shalt  }
0x5e: {  	_ =	shalt  }
0x5f: {  	_ =	shalt  }
0x60: {  	_ =	shalt  }
0x61: {  	_ =	shalt  }
0x62: {  	_ =	shalt  }
0x63: {  	_ =	shalt  }
0x64: {  	_ =	shalt  }
0x65: {  	_ =	shalt  }
0x66: {  	_ =	shalt  }
0x67: {  	_ =	shalt  }
0x68: {  	_ =	shalt  }
0x69: {  	_ =	shalt  }
0x6a: {  	_ =	shalt  }
0x6b: {  	_ =	shalt  }
0x6c: {  	_ =	shalt  }
0x6d: {  	_ =	shalt  }
0x6e: {  	_ =	shalt  }
0x6f: {  	_ =	shalt  }
0x70: {  	_ =	shalt  }
0x71: {  	_ =	shalt  }
0x72: {  	_ =	shalt  }
0x73: {  	_ =	shalt  }
0x74: {  	_ =	shalt  }
0x75: {  	_ =	shalt  }
0x76: {  	_ =	shalt  }
0x77: {  	_ =	shalt  }
0x78: {  	_ =	shalt  }
0x79: {  	_ =	shalt  }
0x7a: {  	_ =	shalt  }
0x7b: {  	_ =	shalt  }
0x7c: {  	_ =	shalt  }
0x7d: {  	_ =	shalt  }
0x7e: {  	_ =	shalt  }
0x7f: {  	_ =	shalt  }
0x80: {  	_ =	shalt  }
0x81: {  	_ =	shalt  }
0x82: {  	_ =	shalt  }
0x83: {  	_ =	shalt  }
0x84: {  	_ =	shalt  }
0x85: {  	_ =	shalt  }
0x86: {  	_ =	shalt  }
0x87: {  	_ =	shalt  }
.Lfunc_end0:
.L_simem_size_0:
called_computation_lowered:
.L_overlay_start_0:
0x88: {  	s2 =	sld [smem:$0x3FD9]  }
0x89: {  	s3 =	sld [smem:$0x3FFE];
	_ =	sdelay $0x1  }
0x8a: {  	s1 =	srdreg.scid  }
0x8b: {  	s0 =	sand.u32 $0x1, s1  }
0x8c: {  	s16 =	sshll.u32 s0, $0xA;
	s2 =	sadd.s32 s3, s2  }
0x8d: {  	s2 =	sadd.s32 s2, s16  }
0x8e: {  	[smem:$0x3FC2] =	sst s2  }
0x8f: {  	_ = 	snop  }
0x90: {  	(tm) =	ssettm $0x1  }
0x91: {  	s17 =	sld [smem:$0x3FFB];
	_ =	sdelay $0x3  }
0x92: {  	_ =	strace s17  }
0x93: {  	s2 =	sld [smem:$0x3FFC];
	_ =	sdelay $0x3  }
0x94: {  	_ =	strace s2  }
0x95: {  	s2 =	sld [smem:$0x3FFD];
	_ =	sdelay $0x3  }
0x96: {  	_ =	strace s2  }
0x97: {  	_ =	strace $0x8FFFFFFF  }
0x98: {  	s18 =	sld [smem:$0x3FDB];
	_ =	sdelay $0x1  }
0x99: {  	s19 =	simm.s32 $_scs_section_size  }
0x9a: {  	s4 =	simm.s32 $_size__tile_overlayer_lowered;
	s5 =	simm.s32 $_tile_overlayer_lowered  }
0x9b: {  	s22 =	simm.s32 $0x1BFF;
	s21 =	sshll.u32 s5, $0x1;
	s2 =	sadd.s32 s19, s18  }
0x9c: {  	s6 =	simm.s32 $0x0;
	s20 =	sshll.u32 s4, $0x1;
	s4 =	sadd.s32 s21, s2  }
0x9d: {  	[timem:s6], [sflag:s22] =	dma.local [hbm:s4], s20  }
0x9e: {  	_ =	swait.ge [sflag:s22], s20  }
0x9f: {  	s3 =	ssub.s32 $0x0, s20;
	[sflag:s22] =	ssyncset.done $0x0  }
0xa0: {  	[sflag:s22] =	ssyncadd.s32 s3;
	_ =	sdelay $0x1  }
0xa1: {  	s23 =	simm.s32 $0x1B8B  }
0xa2: {  	_ =	swait.ge [sflag:s23], $0x1  }
0xa3: {  	[sflag:s23] =	ssyncset.done $0x0  }
0xa4: {  	s25 =	simm.s32 $0x1B8E;
	s24 =	sld [smem:$0x3FFE];
	[sflag:s23] =	ssyncadd.s32 $0xFFFFFFFF  }
0xa5: {  	s26 =	simm.s32 $execute0_lowered;
	[smem:$0x3FD2] =	sst s25  }
0xa6: {  	s4 =	sshll.u32 s26, $0x1;
	_ =	strace $0x80000046;
	[dreg:$0x1] =	wrdreg $0xFFFFFFFF  }
0xa7: {  	s28 =	simm.s32 $_size_execute0_lowered;
	s2 =	sadd.s32 s2, s4;
	[dreg:$0x0] =	wrdreg $0x0  }
0xa8: {  	s4 =	sshll.u32 s28, $0x1;
	[dreg:$0x2] =	wrdreg s2  }
0xa9: {  	[dreg:$0x3] =	wrdreg s4  }
0xaa: {  	[dreg:$0x4] =	wrdreg $0xC0  }
0xab: {  	_ =	task [dreg:s6], $0x5FFFF  }
0xac: {  	[dreg:$0x1] =	wrdreg $0xFFFFFFFF  }
0xad: {  	[dreg:$0x0] =	wrdreg $0x60  }
0xae: {  	[dreg:$0x2] =	wrdreg s24  }
0xaf: {  	[dreg:$0x3] =	wrdreg $0x28000  }
0xb0: {  	[dreg:$0x4] =	wrdreg $0x9  }
0xb1: {  	_ =	task.clear_ibuf [dreg:s6], $0x5FFFF;
	_ =	strace $0x90000046  }
0xb2: {  	s29 =	simm.s32 $0x9;
	_ =	strace $0x80000048  }
0xb3: {  	_ =	swait.ge [sflag:s29], $0x1  }
0xb4: {  	[sflag:s29] =	ssyncadd.s32 $0xFFFFFFFF  }
0xb5: {  	_ =	strace $0x90000048  }
0xb6: {  	_ =	sfence  }
0xb7: {  	s30 =	sld [smem:$0x0];
	_ =	sdelay $0x2  }
0xb8: {  	s31 =	sshll.u32 s1, $0xD;
	s1 =	sshrl.u32 s1, $0x2  }
0xb9: {  	s3 =	sand.u32 $0x4000, s31;
	s1 =	sadd.s32 s1, s30  }
0xba: {  	s0 =	sor.u32 s3, s0;
	s1 =	sshll.u32 s1, $0x11  }
0xbb: {  	s0 =	sor.u32 s1, s0  }
0xbc: {  	s0 =	sadd.s32 $0x8F2B, s0  }
0xbd: {  	[sflag:s0] =	ssyncadd.remote.s32 $0x1  }
0xbe: {  	_ =	sfence.sel $0xFFFF  }
0xbf: {  	[dreg:$0x0] =	wrdreg $0xFFFFFFFF;
	(pc) =	sbr.abs _section_cstart, $3  }
0xc0: {  	[dreg:$0x1] =	wrdreg $0xFFFFFFFF  }
0xc1: {  	_ =	task.clear_ibuf [dreg:s6], $0x2FFFF;
	_ =	strace $0x9FFFFFFF  }
0xc2: {  	(tm) =	ssettm $0x7FFFFFFF  }
0xc3: {  	_ =	shalt  }
tec
execute0_lowered:
.L_overlay_start_1:
0x0: {  	(tag) =	ssettag $0x1  }
0x1: {  	s4 =	rddreg [dreg:$0x0]  }
0x2: {  	s2 =	rddreg [dreg:$0x1]  }
0x3: {  	s0 =	rddreg [dreg:$0x2];
	s1 =	stileid.u32  }
0x4: {  	s5 =	srdreg.scid;
	s3 =	simm.s32 $0x0;
	s14 =	simm.s32 $0x1  }
0x5: {  	s15 =	simm.s32 $0x0;
	s6 =	smul.u32 $0x280, s1;
	s5 =	sand.u32 $0x1, s5  }
0x6: {  	[smem:$0x7FF] =	sst s3;
	s8 =	sadd.s32 $0x1C00, s4;
	s29 =	sshll.u32 s1, $0x4  }
0x7: {  	s30 =	sshll.u32 s1, $0x6;
	s7 =	smul.u32 $0x2800, s5;
	_ =	strace $0x80000047  }
0x8: {  	s10 =	ssub.s32 $0x2, s5;
	s5 =	sshll.u32 s5, $0x4;
	s31 =	sadd.s32 s29, s8  }
0x9: {  	s9 =	sshrl.u32 s6, $0x3;
	s11 =	sshrl.u32 s10, $0x1;
	s26 =	sor.u32 s1, s5  }
0xa: {  	s13 =	sadd.s32 s6, s2;
	s5 =	sor.u32 $0x1C02, s30;
	s9 =	sadd.s32 s9, s4  }
0xb: {  	s7 =	sadd.s32 s6, s7;
	s10 =	ssub.s32 s10, s11;
	s28 =	smul.u32 $0x4E0, s26  }
0xc: {  	p0 =	sgt.u32 s26, $0x3;
	s11 =	simm.s32 $0x2;
	s7 =	sshrl.u32 s7, $0x3  }
0xd: {  	s12 =	sadd.s32 s7, s4;
	s4 =	sadd.s32 $0xBA00, s9;
	s6 =	sadd.s32 s8, s28  }
0xe: {  	s7 =	sadd.s32 $0x9C00, s31;
	s9 =	smax.u32 s10, $0x1;
	s10 =	sshrl.u32 s13, $0x3  }
0xf: {  	v0 =	vimm.f32 $1.000000000e+00;
	s13 =	simm.s32 $0x2780;
	s8 =	sadd.s32 $0xC000, s12;
	s12 =	simm.s32 $0x80  }
.LBB2_1:
0x10: {  	[tilespmem:$0x2780] =	vst v0  }
0x11: {  	[tilespmem:$0x2790] =	vst v0  }
0x12: {  	[tilespmem:$0x27A0] =	vst v0  }
0x13: {  	[tilespmem:$0x27B0] =	vst v0  }
0x14: {  	[tilespmem:$0x27C0] =	vst v0  }
0x15: {  	[tilespmem:$0x27D0] =	vst v0  }
0x16: {  	[tilespmem:$0x27E0] =	vst v0  }
0x17: {  	[tilespmem:$0x27F0] =	vst v0  }
0x18: {  	[spmem:s10], [sflag:s5] =	dma.local [hbm:s4], $0x50  }
0x19: {  	_ =	swait.ge [sflag:s11], $0x50  }
0x1a: {  	[sflag:s11] =	ssyncset.done $0x0  }
0x1b: {  	[sflag:s11] =	ssyncadd.s32 $0xFFFFFFB0  }
0x1c: {  	[tilespmem:s3], [sflag:$0x2] =	stream.linear.gather [hbm4b:s6+s3], $0x2700, $0x38;
	[tilespmem:$0x2A80] =	vst v63  }
0x1d: {  	_ =	swait.ge [sflag:s11], $0x2700  }
0x1e: {  	[sflag:s11] =	ssyncset.done $0x0  }
0x1f: {  	s16 =	simm.s32 @!p0 $0x0;
	s17 =	simm.s32 @!p0 $0x2700;
	[sflag:s11] =	ssyncadd.s32 $0xFFFFD900  }
0x20: {  	[tilespmem:s17], [sflag:$0x2] =	stream.linear.gather @!p0 [hbm4b:s7+s16], $0x80, $0x38;
	[tilespmem:$0x2A80] =	vst v63  }
0x21: {  	s16 =	simm.s32 @!p0 $0x2  }
0x22: {  	_ =	swait.ge @!p0 [sflag:s16], $0x80  }
0x23: {  	[sflag:s16] =	ssyncset.done @!p0 $0x0  }
0x24: {  	[sflag:s16] =	ssyncadd.s32 @!p0 $0xFFFFFF80;
	s16 =	simm.s32 @!p0 $0x4F  }
0x25: {  	s16 =	simm.s32 @p0 $0x4E  }
0x26: {  	p1 =	sne.s32 s16, $0x1  }
.Ltmp0:
0x27: {  	_ = 	snop;
	(pc) =	sbr.rel @!p1 .LBB2_3-.Ltmp0, $4  }
0x28: {  	_ = 	snop  }
0x29: {  	[bflag:$0x0] =	sbarrier.arrive $0xFFFF  }
0x2a: {  	[spmem:s2] =	stream.indirect.scatter.add.f32 [tilespmem:s13], [sflag:$0x1], $0x1, s3, s12, $0xb8;
	[tilespmem:$0x2A80] =	vst v63  }
0x2b: {  	s18 =	simm.s32 $0x0;
	s17 =	sadd.s32 $0xFFFFFFFF, s16  }
.LBB2_2:
0x2c: {  	p2 =	sne.s32 s17, $0x1  }
.Ltmp1:
0x2d: {  	_ = 	snop;
	(pc) =	sbr.rel @p2 .LBB2_2-.Ltmp1, $3  }
0x2e: {  	_ = 	snop  }
0x2f: {  	s17 =	sadd.s32 $0xFFFFFFFF, s17;
	s18 =	sadd.s32 $0x80, s18;
	_ =	sdelay $0x1  }
0x30: {  	[spmem:s2] =	stream.indirect.scatter.add.f32 [tilespmem:s13], [sflag:$0x1], $0x1, s18, s12, $0xb8;
	[tilespmem:$0x2A80] =	vst v63  }
.LBB2_3:
.Ltmp2:
0x31: {  	(pc) =	sbr.rel @!p1 .LBB2_5-.Ltmp2, $3  }
0x32: {  	_ =	sdelay $0x1  }
0x33: {  	_ =	swait.ge [sflag:s14], $0x80  }
0x34: {  	s16 =	sadd.s32 $0xFFFFFFFF, s16;
	[sflag:s14] =	ssyncset.done $0x0  }
.LBB2_4:
0x35: {  	p1 =	sne.s32 s16, $0x1;
	s16 =	sadd.s32 $0xFFFFFFFF, s16;
	[sflag:s14] =	ssyncadd.s32 $0xFFFFFF80  }
.Ltmp3:
0x36: {  	(pc) =	sbr.rel @p1 .LBB2_4-.Ltmp3, $3  }
0x37: {  	_ =	sdelay $0x1  }
0x38: {  	_ =	swait.ge [sflag:s14], $0x80  }
0x39: {  	[sflag:s14] =	ssyncset.done $0x0  }
.LBB2_5:
0x3a: {  	s15 =	sadd.s32 $0x1, s15  }
0x3b: {  	[sflag:s14] =	ssyncadd.s32 $0xFFFFFF80;
	p1 =	sne.s32 s15, s9  }
.Ltmp4:
0x3c: {  	[bflag:$0x0] =	sbarrier.arrive $0xFFFF;
	(pc) =	sbr.rel @p1 .LBB2_1-.Ltmp4, $4  }
0x3d: {  	[hbm:s8], [sflag:s5] =	dma.local [spmem:s10], $0x50  }
0x3e: {  	_ =	swait.ge [sflag:s11], $0x50  }
0x3f: {  	[sflag:s11] =	ssyncset.done $0x0  }
0x40: {  	[sflag:s11] =	ssyncadd.s32 $0xFFFFFFB0  }
0x41: {  	_ =	sfence.sel $0x180000  }
0x42: {  	[bflag:$0x0] =	sbarrier.arrive $0xFFFF  }
0x43: {  	p0 =	sne.s32 s1, $0x0;
	_ =	strace $0x90000047  }
0x44: {  	s0 =	sadd.s32 @!p0 $0x100000, s0;
	[bflag:$0x2] =	sbarrier.arrive $0xFFFF  }
0x45: {  	[sflag:s0] =	ssyncadd.tile.s32 @!p0 $0x1;
	_ =	shalt  }
.Lfunc_end2:
_tile_overlayer_lowered:
.L_overlay_start_2:
0x46: {  	(tag) =	ssettag $0x2  }
0x47: {  	s0 =	rddreg [dreg:$0x0];
	s2 =	stileid.u32  }
0x48: {  	s1 =	rddreg [dreg:$0x1];
	p0 =	sne.s32 s2, $0x0  }
0x49: {  	s3 =	rddreg [dreg:$0x2];
	[bflag:$0x3] =	sbarrier.arrive $0xFFFF;
	s2 =	simm.s32 @!p0 $0x1C02  }
0x4a: {  	[timem:s3], [sflag:s2] =	dma.local @!p0 [hbm:s0], s1  }
0x4b: {  	s0 =	simm.s32 @!p0 $0x2  }
0x4c: {  	_ =	swait.ge @!p0 [sflag:s0], s1  }
0x4d: {  	s1 =	ssub.s32 @!p0 $0x0, s1;
	[sflag:s0] =	ssyncset.done @!p0 $0x0  }
0x4e: {  	[sflag:s0] =	ssyncadd.s32 @!p0 s1  }
0x4f: {  	[bflag:$0x3] =	sbarrier.arrive $0xFFFF  }
0x50: {  	_ =	shalt  }

</sc_bundles>
